<compile_context>
chip_gen: v7x
topology: tpu7x:2x2x1
jax: 0.10.2.dev20260603
libtpu: 0.0.44.dev20260713+nightly
codegen_flags: <defaults>
</compile_context>

<pallas_src>
import numpy as np
import jax
import jax.numpy as jnp
from jax import lax
from jax.experimental import pallas as pl
from jax.experimental.pallas import tpu as pltpu
from jax.experimental.pallas import tpu_sc as plsc

_D = 32
_ND = 34
_B = 16
_NROW = _B * _D * _D
_NDP = 1160
_NOUT = _B * _NDP
_NC = 2
_NS = 16

_S = np.arange(_D) + (np.arange(_D) >= 5) + (np.arange(_D) >= 15)
_CIDX = (_S[:, None] * _ND + _S[None, :]).reshape(-1).astype(np.int32)

_LROW = tuple(tuple(int(_S[8 * case + r]) for r in range(8)) for case in range(4))


def _sc_body(rho_hbm, cidx_hbm, zeros_hbm, out_hbm,
             in0, in1, band0, band1, cidx_buf,
             isem0, isem1, osem0, osem1):
    wid = lax.axis_index("s") * _NC + lax.axis_index("c")
    b = wid // 2
    ih = wid % 2
    srcb = b * 1024 + ih * 512

    pltpu.sync_copy(cidx_hbm, cidx_buf)
    pltpu.sync_copy(zeros_hbm, band0)
    pltpu.sync_copy(zeros_hbm, band1)

    @pl.when(ih == 0)
    def _():
        pltpu.sync_copy(band0, out_hbm.at[b, pl.ds(5 * _ND, _ND), :])
        pltpu.sync_copy(band0, out_hbm.at[b, pl.ds(16 * _ND, _ND), :])

    def in_start(t, half, buf, sem):
        pltpu.make_async_copy(
            rho_hbm.at[pl.ds(srcb + t * 32 + half * 16, 16), :], buf,
            sem).start()

    def in_wait(buf, sem):
        pltpu.make_async_copy(rho_hbm.at[pl.ds(0, 16), :], buf, sem).wait()

    def out_start(t, buf, sem):
        i = ih * 16 + t
        si = i + (i >= 5).astype(jnp.int32) + (i >= 15).astype(jnp.int32)
        pltpu.make_async_copy(
            buf, out_hbm.at[b, pl.ds(si * _ND, _ND), :], sem).start()

    def out_wait(buf, sem):
        pltpu.make_async_copy(
            buf, out_hbm.at[0, pl.ds(0, _ND), :], sem).wait()

    def fill(case, ibuf, bbuf):
        lrow = _LROW[case]
        ris = [jnp.full((16,), lr, jnp.int32) for lr in lrow]

        @plsc.parallel_loop(0, _D * _D // 16, step=1, unroll=4)
        def _(c):
            ci = cidx_buf[pl.ds(c * 16, 16)]
            for r in range(8):
                v = ibuf[(case % 2) * 8 + r, pl.ds(c * 16, 16)]
                plsc.store_scatter(bbuf, [ris[r], ci], v)

    in_start(0, 0, in0, isem0)

    def hband(hb, carry):
        for x, bbuf, osem in ((0, band0, osem0), (1, band1, osem1)):
            t = 2 * hb + x
            in_wait(in0, isem0)
            in_start(t, 1, in1, isem1)

            @pl.when(hb >= 1)
            def _():
                out_wait(bbuf, osem)

            fill(0, in0, bbuf)
            fill(1, in0, bbuf)

            in_wait(in1, isem1)
            if x == 0:
                in_start(t + 1, 0, in0, isem0)
            else:
                @pl.when(hb < 7)
                def _():
                    in_start(t + 1, 0, in0, isem0)

            fill(2, in1, bbuf)
            fill(3, in1, bbuf)
            out_start(t, bbuf, osem)
        return carry

    lax.fori_loop(0, 8, hband, 0)
    out_wait(band0, osem0)
    out_wait(band1, osem1)


def kernel(rho):
    rho2 = rho.reshape(_NROW, _D * _D)
    zeros = jnp.zeros((_ND, _ND * _ND), jnp.float32)
    mesh = plsc.VectorSubcoreMesh(core_axis_name="c", subcore_axis_name="s",
                                  num_cores=_NC)
    run = pl.kernel(
        _sc_body,
        mesh=mesh,
        out_type=jax.ShapeDtypeStruct((_B, _NDP, _ND * _ND), jnp.float32),
        scratch_types=[
            pltpu.VMEM((16, _D * _D), jnp.float32),
            pltpu.VMEM((16, _D * _D), jnp.float32),
            pltpu.VMEM((_ND, _ND * _ND), jnp.float32),
            pltpu.VMEM((_ND, _ND * _ND), jnp.float32),
            pltpu.VMEM((_D * _D,), jnp.int32),
            pltpu.SemaphoreType.DMA,
            pltpu.SemaphoreType.DMA,
            pltpu.SemaphoreType.DMA,
            pltpu.SemaphoreType.DMA,
        ],
        compiler_params=pltpu.CompilerParams(needs_layout_passes=False,
                                             use_tc_tiling_on_sc=False),
    )
    out = run(rho2, jnp.asarray(_CIDX), zeros)
    return out[:, :_ND * _ND, :]

# --- scband reference (transcript-rebuilt; emitter-appended) ---
"""Pipeline reference for scband-insert-main-modes-24111946399875 (READ-ONLY COPY).

The authoritative reference and input builder live on the scoring server;
editing this copy changes nothing except your own understanding.
"""

import jax, jax.numpy as jnp
import numpy as np

DIMS = (32, 32)
INSERTIONS = [5, 15, 37, 47]
CHANNELS = 1


def _build_indices():
    c = CHANNELS
    d = DIMS[0]
    ins_x = np.array([t for t in INSERTIONS if t < d], dtype=np.int64)
    ins_y = np.array([t - d for t in INSERTIONS if t >= d], dtype=np.int64)
    new_d = d + len(INSERTIONS) // 2
    n = c * d * d
    x = np.arange(n, dtype=np.int64)
    y = np.arange(n, dtype=np.int64)
    f = x // (d * d)
    h = y // (d * d)
    i = (x % (d * d)) // d
    j = (x % (d * d)) % d
    l = (y % (d * d)) // d
    m = (y % (d * d)) % d
    if ins_x.size:
        i = i + (ins_x[None, :] <= i[:, None]).sum(axis=1)
        l = l + (ins_x[None, :] <= l[:, None]).sum(axis=1)
    if ins_y.size:
        j = j + (ins_y[None, :] <= j[:, None]).sum(axis=1)
        m = m + (ins_y[None, :] <= m[:, None]).sum(axis=1)
    f_grid, h_grid = np.meshgrid(f, h, indexing='ij')
    f_flat = f_grid.flatten()
    h_flat = h_grid.flatten()
    i = np.tile(i, len(h))
    j = np.tile(j, len(h))
    l = np.repeat(l, len(f))
    m = np.repeat(m, len(f))
    new_x = i * new_d + j + f_flat * new_d * new_d
    new_y = l * new_d + m + h_flat * new_d * new_d
    x_flat = np.tile(x, len(y))
    y_flat = np.repeat(y, len(x))
    return new_d, jnp.asarray(new_x), jnp.asarray(new_y), jnp.asarray(x_flat), jnp.asarray(y_flat)


def setup_inputs(seed: int = 0) -> dict:
    key = jax.random.key(seed)
    rho = jax.random.normal(key, (16, 1024, 1024), dtype=jnp.float32)
    return {"rho": rho}


def reference(rho):
    new_d, new_x, new_y, x_flat, y_flat = _build_indices()
    b = rho.shape[0]
    c = CHANNELS
    n_new = c * new_d * new_d
    # gather all source elements (y-major, x-minor ordering, matching torch mask_coords)
    values = rho[:, x_flat, y_flat]  # [b, N*N]
    # scatter-add into the enlarged register (accumulate=True semantics)
    new_rho = jnp.zeros((b, n_new, n_new), dtype=rho.dtype)
    new_rho = new_rho.at[:, new_x, new_y].add(values)
    return new_rho

if __name__ == "__main__":
    import jax
    _d = setup_inputs()
    print(jax.jit(kernel)(*tuple(_d.values())))

</pallas_src>

<mosaic_0001>
#map = affine_map<(d0, d1) -> (0, 0)>
#map1 = affine_map<(d0, d1) -> (0)>
#map2 = affine_map<(d0, d1) -> (0, 0, 0)>
module attributes {stable_mosaic.version = 14 : i64} {
  func.func @_sc_body(%arg0: i32, %arg1: i32, %arg2: memref<16384x1024xf32, #tpu.memory_space<hbm>>, %arg3: memref<1024xi32, #tpu.memory_space<hbm>>, %arg4: memref<34x1156xf32, #tpu.memory_space<hbm>>, %arg5: memref<16x1160x1156xf32, #tpu.memory_space<hbm>>, %arg6: memref<16x1024xf32, #tpu.memory_space<vmem>>, %arg7: memref<16x1024xf32, #tpu.memory_space<vmem>>, %arg8: memref<34x1156xf32, #tpu.memory_space<vmem>>, %arg9: memref<34x1156xf32, #tpu.memory_space<vmem>>, %arg10: memref<1024xi32, #tpu.memory_space<vmem>>, %arg11: memref<!tpu.dma_semaphore, #tpu.memory_space<semaphore_mem>>, %arg12: memref<!tpu.dma_semaphore, #tpu.memory_space<semaphore_mem>>, %arg13: memref<!tpu.dma_semaphore, #tpu.memory_space<semaphore_mem>>, %arg14: memref<!tpu.dma_semaphore, #tpu.memory_space<semaphore_mem>>) attributes {dimension_semantics = [#tpu.dimension_semantics<core_parallel>, #tpu.dimension_semantics<subcore_parallel>], iteration_bounds = array<i64: 2, 16>, scalar_prefetch = 0 : i64, scratch_operands = 9 : i64, tpu.core_type = #tpu.core_type<sc_vector_subcore>, window_params = [{transform_indices = #map}, {transform_indices = #map1}, {transform_indices = #map}, {transform_indices = #map2}]} {
    %mul3A = arith.constant 2 : i32
    %mul3A_0 = arith.muli %arg1, %mul3A : i32
    %add3A = arith.addi %mul3A_0, %arg0 : i32
    %jit3A = arith.constant 2 : i32
    %div3A = arith.divsi %add3A, %jit3A : i32
    %sign3A = arith.constant 0 : i32
    %sign3A_1 = arith.cmpi sgt, %add3A, %sign3A : i32
    %sign3A_2 = arith.extui %sign3A_1 : i1 to i32
    %sign3A_3 = arith.constant 0 : i32
    %sign3A_4 = arith.cmpi slt, %add3A, %sign3A_3 : i32
    %sign3A_5 = arith.extui %sign3A_4 : i1 to i32
    %sign3A_6 = arith.subi %sign3A_2, %sign3A_5 : i32
    %sign3A_7 = arith.constant 0 : i32
    %sign3A_8 = arith.cmpi sgt, %jit3A, %sign3A_7 : i32
    %sign3A_9 = arith.extui %sign3A_8 : i1 to i32
    %sign3A_10 = arith.constant 0 : i32
    %sign3A_11 = arith.cmpi slt, %jit3A, %sign3A_10 : i32
    %sign3A_12 = arith.extui %sign3A_11 : i1 to i32
    %sign3A_13 = arith.subi %sign3A_9, %sign3A_12 : i32
    %ne3A = arith.cmpi ne, %sign3A_6, %sign3A_13 : i32
    %rem3A = arith.remsi %add3A, %jit3A : i32
    %ne3A_14 = arith.constant 0 : i32
    %ne3A_15 = arith.cmpi ne, %rem3A, %ne3A_14 : i32
    %and3A = arith.andi %ne3A, %ne3A_15 : i1
    %sub3A = arith.constant 1 : i32
    %sub3A_16 = arith.subi %div3A, %sub3A : i32
    %select_n3A = arith.select %and3A, %sub3A_16, %div3A : i32
    %jit3A_17 = arith.constant 2 : i32
    %eq3A = arith.constant 0 : i32
    %eq3A_18 = arith.cmpi eq, %jit3A_17, %eq3A : i32
    %jit3A_19 = arith.constant 1 : i32
    %select_n3A_20 = arith.select %eq3A_18, %jit3A_19, %jit3A_17 : i32
    %rem3A_21 = arith.remsi %add3A, %select_n3A_20 : i32
    %ne3A_22 = arith.constant 0 : i32
    %ne3A_23 = arith.cmpi ne, %rem3A_21, %ne3A_22 : i32
    %lt3A = arith.constant 0 : i32
    %lt3A_24 = arith.cmpi slt, %rem3A_21, %lt3A : i32
    %lt3A_25 = arith.constant 0 : i32
    %lt3A_26 = arith.cmpi slt, %select_n3A_20, %lt3A_25 : i32
    %ne3A_27 = arith.xori %lt3A_24, %lt3A_26 : i1
    %and3A_28 = arith.andi %ne3A_27, %ne3A_23 : i1
    %add3A_29 = arith.addi %rem3A_21, %select_n3A_20 : i32
    %select_n3A_30 = arith.select %and3A_28, %add3A_29, %rem3A_21 : i32
    %mul3A_31 = arith.constant 1024 : i32
    %mul3A_32 = arith.muli %select_n3A, %mul3A_31 : i32
    %mul3A_33 = arith.constant 512 : i32
    %mul3A_34 = arith.muli %select_n3A_30, %mul3A_33 : i32
    %add3A_35 = arith.addi %mul3A_32, %mul3A_34 : i32
    "tpu.region"() ({
      %run_scoped3A = tpu.sem_alloc : memref<!tpu.dma_semaphore, #tpu.memory_space<semaphore_mem>>
      tpu.enqueue_dma source(%arg3 : memref<1024xi32, #tpu.memory_space<hbm>>) target(%arg10 : memref<1024xi32, #tpu.memory_space<vmem>>) target_semaphore(%run_scoped3A : memref<!tpu.dma_semaphore, #tpu.memory_space<semaphore_mem>>)
      tpu.wait_dma2 semaphore(%run_scoped3A : memref<!tpu.dma_semaphore, #tpu.memory_space<semaphore_mem>>) src(%arg3 : memref<1024xi32, #tpu.memory_space<hbm>>) dst(%arg10 : memref<1024xi32, #tpu.memory_space<vmem>>)
      tpu.yield
    }) : () -> ()
    "tpu.region"() ({
      %run_scoped3A = tpu.sem_alloc : memref<!tpu.dma_semaphore, #tpu.memory_space<semaphore_mem>>
      tpu.enqueue_dma source(%arg4 : memref<34x1156xf32, #tpu.memory_space<hbm>>) target(%arg8 : memref<34x1156xf32, #tpu.memory_space<vmem>>) target_semaphore(%run_scoped3A : memref<!tpu.dma_semaphore, #tpu.memory_space<semaphore_mem>>)
      tpu.wait_dma2 semaphore(%run_scoped3A : memref<!tpu.dma_semaphore, #tpu.memory_space<semaphore_mem>>) src(%arg4 : memref<34x1156xf32, #tpu.memory_space<hbm>>) dst(%arg8 : memref<34x1156xf32, #tpu.memory_space<vmem>>)
      tpu.yield
    }) : () -> ()
    "tpu.region"() ({
      %run_scoped3A = tpu.sem_alloc : memref<!tpu.dma_semaphore, #tpu.memory_space<semaphore_mem>>
      tpu.enqueue_dma source(%arg4 : memref<34x1156xf32, #tpu.memory_space<hbm>>) target(%arg9 : memref<34x1156xf32, #tpu.memory_space<vmem>>) target_semaphore(%run_scoped3A : memref<!tpu.dma_semaphore, #tpu.memory_space<semaphore_mem>>)
      tpu.wait_dma2 semaphore(%run_scoped3A : memref<!tpu.dma_semaphore, #tpu.memory_space<semaphore_mem>>) src(%arg4 : memref<34x1156xf32, #tpu.memory_space<hbm>>) dst(%arg9 : memref<34x1156xf32, #tpu.memory_space<vmem>>)
      tpu.yield
    }) : () -> ()
    %eq3A_36 = arith.constant 0 : i32
    %eq3A_37 = arith.cmpi eq, %select_n3A_30, %eq3A_36 : i32
    %convert_element_type3A = arith.extui %eq3A_37 : i1 to i32
    %cond3A = arith.constant 0 : i32
    %cond3A_38 = arith.cmpi ne, %convert_element_type3A, %cond3A : i32
    scf.if %cond3A_38 {
      "tpu.region"() ({
        %run_scoped3A = tpu.sem_alloc : memref<!tpu.dma_semaphore, #tpu.memory_space<semaphore_mem>>
        %dma_start3A_68 = arith.constant 170 : i32
        %dma_start3A_69 = arith.constant 0 : i32
        %dma_start3A_70 = tpu.memref_slice %arg5[%select_n3A, %dma_start3A_68, %dma_start3A_69] : memref<16x1160x1156xf32, #tpu.memory_space<hbm>> -> memref<1x34x1156xf32, #tpu.memory_space<hbm>>
        %dma_start3A_71 = tpu.memref_squeeze %dma_start3A_70 : memref<1x34x1156xf32, #tpu.memory_space<hbm>> -> memref<34x1156xf32, #tpu.memory_space<hbm>>
        %dma_start3A_72 = arith.constant 170 : i32
        %dma_start3A_73 = arith.constant 0 : i32
        %dma_start3A_74 = tpu.memref_slice %arg5[%select_n3A, %dma_start3A_72, %dma_start3A_73] : memref<16x1160x1156xf32, #tpu.memory_space<hbm>> -> memref<1x34x1156xf32, #tpu.memory_space<hbm>>
        %dma_start3A_75 = tpu.memref_squeeze %dma_start3A_74 : memref<1x34x1156xf32, #tpu.memory_space<hbm>> -> memref<34x1156xf32, #tpu.memory_space<hbm>>
        tpu.enqueue_dma source(%arg8 : memref<34x1156xf32, #tpu.memory_space<vmem>>) target(%dma_start3A_75 : memref<34x1156xf32, #tpu.memory_space<hbm>>) target_semaphore(%run_scoped3A : memref<!tpu.dma_semaphore, #tpu.memory_space<semaphore_mem>>)
        %dma_wait3A_76 = arith.constant 170 : i32
        %dma_wait3A_77 = arith.constant 0 : i32
        %dma_wait3A_78 = tpu.memref_slice %arg5[%select_n3A, %dma_wait3A_76, %dma_wait3A_77] : memref<16x1160x1156xf32, #tpu.memory_space<hbm>> -> memref<1x34x1156xf32, #tpu.memory_space<hbm>>
        %dma_wait3A_79 = tpu.memref_squeeze %dma_wait3A_78 : memref<1x34x1156xf32, #tpu.memory_space<hbm>> -> memref<34x1156xf32, #tpu.memory_space<hbm>>
        %dma_wait3A_80 = arith.constant 170 : i32
        %dma_wait3A_81 = arith.constant 0 : i32
        %dma_wait3A_82 = tpu.memref_slice %arg5[%select_n3A, %dma_wait3A_80, %dma_wait3A_81] : memref<16x1160x1156xf32, #tpu.memory_space<hbm>> -> memref<1x34x1156xf32, #tpu.memory_space<hbm>>
        %dma_wait3A_83 = tpu.memref_squeeze %dma_wait3A_82 : memref<1x34x1156xf32, #tpu.memory_space<hbm>> -> memref<34x1156xf32, #tpu.memory_space<hbm>>
        tpu.wait_dma2 semaphore(%run_scoped3A : memref<!tpu.dma_semaphore, #tpu.memory_space<semaphore_mem>>) src(%arg8 : memref<34x1156xf32, #tpu.memory_space<vmem>>) dst(%dma_wait3A_83 : memref<34x1156xf32, #tpu.memory_space<hbm>>)
        tpu.yield
      }) : () -> ()
      "tpu.region"() ({
        %run_scoped3A = tpu.sem_alloc : memref<!tpu.dma_semaphore, #tpu.memory_space<semaphore_mem>>
        %dma_start3A_68 = arith.constant 544 : i32
        %dma_start3A_69 = arith.constant 0 : i32
        %dma_start3A_70 = tpu.memref_slice %arg5[%select_n3A, %dma_start3A_68, %dma_start3A_69] : memref<16x1160x1156xf32, #tpu.memory_space<hbm>> -> memref<1x34x1156xf32, #tpu.memory_space<hbm>>
        %dma_start3A_71 = tpu.memref_squeeze %dma_start3A_70 : memref<1x34x1156xf32, #tpu.memory_space<hbm>> -> memref<34x1156xf32, #tpu.memory_space<hbm>>
        %dma_start3A_72 = arith.constant 544 : i32
        %dma_start3A_73 = arith.constant 0 : i32
        %dma_start3A_74 = tpu.memref_slice %arg5[%select_n3A, %dma_start3A_72, %dma_start3A_73] : memref<16x1160x1156xf32, #tpu.memory_space<hbm>> -> memref<1x34x1156xf32, #tpu.memory_space<hbm>>
        %dma_start3A_75 = tpu.memref_squeeze %dma_start3A_74 : memref<1x34x1156xf32, #tpu.memory_space<hbm>> -> memref<34x1156xf32, #tpu.memory_space<hbm>>
        tpu.enqueue_dma source(%arg8 : memref<34x1156xf32, #tpu.memory_space<vmem>>) target(%dma_start3A_75 : memref<34x1156xf32, #tpu.memory_space<hbm>>) target_semaphore(%run_scoped3A : memref<!tpu.dma_semaphore, #tpu.memory_space<semaphore_mem>>)
        %dma_wait3A_76 = arith.constant 544 : i32
        %dma_wait3A_77 = arith.constant 0 : i32
        %dma_wait3A_78 = tpu.memref_slice %arg5[%select_n3A, %dma_wait3A_76, %dma_wait3A_77] : memref<16x1160x1156xf32, #tpu.memory_space<hbm>> -> memref<1x34x1156xf32, #tpu.memory_space<hbm>>
        %dma_wait3A_79 = tpu.memref_squeeze %dma_wait3A_78 : memref<1x34x1156xf32, #tpu.memory_space<hbm>> -> memref<34x1156xf32, #tpu.memory_space<hbm>>
        %dma_wait3A_80 = arith.constant 544 : i32
        %dma_wait3A_81 = arith.constant 0 : i32
        %dma_wait3A_82 = tpu.memref_slice %arg5[%select_n3A, %dma_wait3A_80, %dma_wait3A_81] : memref<16x1160x1156xf32, #tpu.memory_space<hbm>> -> memref<1x34x1156xf32, #tpu.memory_space<hbm>>
        %dma_wait3A_83 = tpu.memref_squeeze %dma_wait3A_82 : memref<1x34x1156xf32, #tpu.memory_space<hbm>> -> memref<34x1156xf32, #tpu.memory_space<hbm>>
        tpu.wait_dma2 semaphore(%run_scoped3A : memref<!tpu.dma_semaphore, #tpu.memory_space<semaphore_mem>>) src(%arg8 : memref<34x1156xf32, #tpu.memory_space<vmem>>) dst(%dma_wait3A_83 : memref<34x1156xf32, #tpu.memory_space<hbm>>)
        tpu.yield
      }) : () -> ()
    } else {
    }
    %add3A_39 = arith.constant 0 : i32
    %add3A_40 = arith.addi %add3A_35, %add3A_39 : i32
    %add3A_41 = arith.constant 0 : i32
    %add3A_42 = arith.addi %add3A_40, %add3A_41 : i32
    %dma_start3A = arith.constant 0 : i32
    %dma_start3A_43 = tpu.memref_slice %arg2[%add3A_42, %dma_start3A] : memref<16384x1024xf32, #tpu.memory_space<hbm>> -> memref<16x1024xf32, #tpu.memory_space<hbm>>
    %dma_start3A_44 = arith.constant 0 : i32
    %dma_start3A_45 = tpu.memref_slice %arg2[%add3A_42, %dma_start3A_44] : memref<16384x1024xf32, #tpu.memory_space<hbm>> -> memref<16x1024xf32, #tpu.memory_space<hbm>>
    tpu.enqueue_dma source(%dma_start3A_45 : memref<16x1024xf32, #tpu.memory_space<hbm>>) target(%arg6 : memref<16x1024xf32, #tpu.memory_space<vmem>>) target_semaphore(%arg11 : memref<!tpu.dma_semaphore, #tpu.memory_space<semaphore_mem>>)
    %scan3A = arith.constant 0 : i32
    %scan3A_46 = arith.constant 0 : i32
    %scan3A_47 = arith.constant 8 : i32
    %scan3A_48 = arith.addi %scan3A_46, %scan3A_47 : i32
    %scan3A_49 = arith.constant 1 : i32
    scf.for %scan3A_68 = %scan3A_46 to %scan3A_48 step %scan3A_49  : i32 {
      %mul3A_69 = arith.constant 2 : i32
      %mul3A_70 = arith.muli %mul3A_69, %scan3A_68 : i32
      %add3A_71 = arith.constant 0 : i32
      %add3A_72 = arith.addi %mul3A_70, %add3A_71 : i32
      %dma_wait3A_73 = arith.constant 0 : i32
      %dma_wait3A_74 = arith.constant 0 : i32
      %dma_wait3A_75 = tpu.memref_slice %arg2[%dma_wait3A_73, %dma_wait3A_74] : memref<16384x1024xf32, #tpu.memory_space<hbm>> -> memref<16x1024xf32, #tpu.memory_space<hbm>>
      %dma_wait3A_76 = arith.constant 0 : i32
      %dma_wait3A_77 = arith.constant 0 : i32
      %dma_wait3A_78 = tpu.memref_slice %arg2[%dma_wait3A_76, %dma_wait3A_77] : memref<16384x1024xf32, #tpu.memory_space<hbm>> -> memref<16x1024xf32, #tpu.memory_space<hbm>>
      tpu.wait_dma2 semaphore(%arg11 : memref<!tpu.dma_semaphore, #tpu.memory_space<semaphore_mem>>) src(%dma_wait3A_78 : memref<16x1024xf32, #tpu.memory_space<hbm>>) dst(%arg6 : memref<16x1024xf32, #tpu.memory_space<vmem>>)
      %mul3A_79 = arith.constant 32 : i32
      %mul3A_80 = arith.muli %add3A_72, %mul3A_79 : i32
      %add3A_81 = arith.addi %add3A_35, %mul3A_80 : i32
      %add3A_82 = arith.constant 16 : i32
      %add3A_83 = arith.addi %add3A_81, %add3A_82 : i32
      %dma_start3A_84 = arith.constant 0 : i32
      %dma_start3A_85 = tpu.memref_slice %arg2[%add3A_83, %dma_start3A_84] : memref<16384x1024xf32, #tpu.memory_space<hbm>> -> memref<16x1024xf32, #tpu.memory_space<hbm>>
      %dma_start3A_86 = arith.constant 0 : i32
      %dma_start3A_87 = tpu.memref_slice %arg2[%add3A_83, %dma_start3A_86] : memref<16384x1024xf32, #tpu.memory_space<hbm>> -> memref<16x1024xf32, #tpu.memory_space<hbm>>
      tpu.enqueue_dma source(%dma_start3A_87 : memref<16x1024xf32, #tpu.memory_space<hbm>>) target(%arg7 : memref<16x1024xf32, #tpu.memory_space<vmem>>) target_semaphore(%arg12 : memref<!tpu.dma_semaphore, #tpu.memory_space<semaphore_mem>>)
      %ge3A = arith.constant 1 : i32
      %ge3A_88 = arith.cmpi sge, %scan3A_68, %ge3A : i32
      %convert_element_type3A_89 = arith.extui %ge3A_88 : i1 to i32
      %cond3A_90 = arith.constant 0 : i32
      %cond3A_91 = arith.cmpi ne, %convert_element_type3A_89, %cond3A_90 : i32
      scf.if %cond3A_91 {
        %dma_wait3A_332 = arith.constant 0 : i32
        %dma_wait3A_333 = arith.constant 0 : i32
        %dma_wait3A_334 = arith.constant 0 : i32
        %dma_wait3A_335 = tpu.memref_slice %arg5[%dma_wait3A_332, %dma_wait3A_333, %dma_wait3A_334] : memref<16x1160x1156xf32, #tpu.memory_space<hbm>> -> memref<1x34x1156xf32, #tpu.memory_space<hbm>>
        %dma_wait3A_336 = tpu.memref_squeeze %dma_wait3A_335 : memref<1x34x1156xf32, #tpu.memory_space<hbm>> -> memref<34x1156xf32, #tpu.memory_space<hbm>>
        %dma_wait3A_337 = arith.constant 0 : i32
        %dma_wait3A_338 = arith.constant 0 : i32
        %dma_wait3A_339 = tpu.memref_slice %arg5[%dma_wait3A_332, %dma_wait3A_337, %dma_wait3A_338] : memref<16x1160x1156xf32, #tpu.memory_space<hbm>> -> memref<1x34x1156xf32, #tpu.memory_space<hbm>>
        %dma_wait3A_340 = tpu.memref_squeeze %dma_wait3A_339 : memref<1x34x1156xf32, #tpu.memory_space<hbm>> -> memref<34x1156xf32, #tpu.memory_space<hbm>>
        tpu.wait_dma2 semaphore(%arg13 : memref<!tpu.dma_semaphore, #tpu.memory_space<semaphore_mem>>) src(%arg8 : memref<34x1156xf32, #tpu.memory_space<vmem>>) dst(%dma_wait3A_340 : memref<34x1156xf32, #tpu.memory_space<hbm>>)
      } else {
      }
      %broadcast_in_dim3A = arith.constant 0 : i32
      %broadcast_in_dim3A_92 = vector.broadcast %broadcast_in_dim3A : i32 to vector<16xi32>
      %broadcast_in_dim3A_93 = arith.constant 1 : i32
      %broadcast_in_dim3A_94 = vector.broadcast %broadcast_in_dim3A_93 : i32 to vector<16xi32>
      %broadcast_in_dim3A_95 = arith.constant 2 : i32
      %broadcast_in_dim3A_96 = vector.broadcast %broadcast_in_dim3A_95 : i32 to vector<16xi32>
      %broadcast_in_dim3A_97 = arith.constant 3 : i32
      %broadcast_in_dim3A_98 = vector.broadcast %broadcast_in_dim3A_97 : i32 to vector<16xi32>
      %broadcast_in_dim3A_99 = arith.constant 4 : i32
      %broadcast_in_dim3A_100 = vector.broadcast %broadcast_in_dim3A_99 : i32 to vector<16xi32>
      %broadcast_in_dim3A_101 = arith.constant 6 : i32
      %broadcast_in_dim3A_102 = vector.broadcast %broadcast_in_dim3A_101 : i32 to vector<16xi32>
      %broadcast_in_dim3A_103 = arith.constant 7 : i32
      %broadcast_in_dim3A_104 = vector.broadcast %broadcast_in_dim3A_103 : i32 to vector<16xi32>
      %broadcast_in_dim3A_105 = arith.constant 8 : i32
      %broadcast_in_dim3A_106 = vector.broadcast %broadcast_in_dim3A_105 : i32 to vector<16xi32>
      %parallel_loop3A = arith.constant 0 : i32
      %parallel_loop3A_107 = arith.constant 64 : i32
      %parallel_loop3A_108 = arith.constant 1 : i32
      scf.for %parallel_loop3A_332 = %parallel_loop3A to %parallel_loop3A_107 step %parallel_loop3A_108  : i32 {
        %parallel_loop3A_333 = arith.constant 16 : i32
        %parallel_loop3A_334 = arith.muli %parallel_loop3A_332, %parallel_loop3A_333 : i32
        %parallel_loop3A_335 = arith.index_cast %parallel_loop3A_334 : i32 to index
        %parallel_loop3A_336 = tpu.vector_load %arg10[%parallel_loop3A_335] {strides = array<i32>} : memref<1024xi32, #tpu.memory_space<vmem>>, vector<16xi32>,
        %parallel_loop3A_337 = arith.constant 16 : i32
        %parallel_loop3A_338 = arith.muli %parallel_loop3A_332, %parallel_loop3A_337 : i32
        %parallel_loop3A_339 = arith.constant 0 : i32
        %parallel_loop3A_340 = arith.index_cast %parallel_loop3A_339 : i32 to index
        %parallel_loop3A_341 = arith.index_cast %parallel_loop3A_338 : i32 to index
        %parallel_loop3A_342 = tpu.vector_load %arg6[%parallel_loop3A_340, %parallel_loop3A_341] {strides = array<i32>} : memref<16x1024xf32, #tpu.memory_space<vmem>>, vector<16xf32>,
        tpu.vector_store_idx %arg8[%broadcast_in_dim3A_92, %parallel_loop3A_336], %parallel_loop3A_342 : memref<34x1156xf32, #tpu.memory_space<vmem>>[vector<16xi32>, vector<16xi32>], vector<16xf32>,
        %parallel_loop3A_343 = arith.constant 16 : i32
        %parallel_loop3A_344 = arith.muli %parallel_loop3A_332, %parallel_loop3A_343 : i32
        %parallel_loop3A_345 = arith.constant 1 : i32
        %parallel_loop3A_346 = arith.index_cast %parallel_loop3A_345 : i32 to index
        %parallel_loop3A_347 = arith.index_cast %parallel_loop3A_344 : i32 to index
        %parallel_loop3A_348 = tpu.vector_load %arg6[%parallel_loop3A_346, %parallel_loop3A_347] {strides = array<i32>} : memref<16x1024xf32, #tpu.memory_space<vmem>>, vector<16xf32>,
        tpu.vector_store_idx %arg8[%broadcast_in_dim3A_94, %parallel_loop3A_336], %parallel_loop3A_348 : memref<34x1156xf32, #tpu.memory_space<vmem>>[vector<16xi32>, vector<16xi32>], vector<16xf32>,
        %parallel_loop3A_349 = arith.constant 16 : i32
        %parallel_loop3A_350 = arith.muli %parallel_loop3A_332, %parallel_loop3A_349 : i32
        %parallel_loop3A_351 = arith.constant 2 : i32
        %parallel_loop3A_352 = arith.index_cast %parallel_loop3A_351 : i32 to index
        %parallel_loop3A_353 = arith.index_cast %parallel_loop3A_350 : i32 to index
        %parallel_loop3A_354 = tpu.vector_load %arg6[%parallel_loop3A_352, %parallel_loop3A_353] {strides = array<i32>} : memref<16x1024xf32, #tpu.memory_space<vmem>>, vector<16xf32>,
        tpu.vector_store_idx %arg8[%broadcast_in_dim3A_96, %parallel_loop3A_336], %parallel_loop3A_354 : memref<34x1156xf32, #tpu.memory_space<vmem>>[vector<16xi32>, vector<16xi32>], vector<16xf32>,
        %parallel_loop3A_355 = arith.constant 16 : i32
        %parallel_loop3A_356 = arith.muli %parallel_loop3A_332, %parallel_loop3A_355 : i32
        %parallel_loop3A_357 = arith.constant 3 : i32
        %parallel_loop3A_358 = arith.index_cast %parallel_loop3A_357 : i32 to index
        %parallel_loop3A_359 = arith.index_cast %parallel_loop3A_356 : i32 to index
        %parallel_loop3A_360 = tpu.vector_load %arg6[%parallel_loop3A_358, %parallel_loop3A_359] {strides = array<i32>} : memref<16x1024xf32, #tpu.memory_space<vmem>>, vector<16xf32>,
        tpu.vector_store_idx %arg8[%broadcast_in_dim3A_98, %parallel_loop3A_336], %parallel_loop3A_360 : memref<34x1156xf32, #tpu.memory_space<vmem>>[vector<16xi32>, vector<16xi32>], vector<16xf32>,
        %parallel_loop3A_361 = arith.constant 16 : i32
        %parallel_loop3A_362 = arith.muli %parallel_loop3A_332, %parallel_loop3A_361 : i32
        %parallel_loop3A_363 = arith.constant 4 : i32
        %parallel_loop3A_364 = arith.index_cast %parallel_loop3A_363 : i32 to index
        %parallel_loop3A_365 = arith.index_cast %parallel_loop3A_362 : i32 to index
        %parallel_loop3A_366 = tpu.vector_load %arg6[%parallel_loop3A_364, %parallel_loop3A_365] {strides = array<i32>} : memref<16x1024xf32, #tpu.memory_space<vmem>>, vector<16xf32>,
        tpu.vector_store_idx %arg8[%broadcast_in_dim3A_100, %parallel_loop3A_336], %parallel_loop3A_366 : memref<34x1156xf32, #tpu.memory_space<vmem>>[vector<16xi32>, vector<16xi32>], vector<16xf32>,
        %parallel_loop3A_367 = arith.constant 16 : i32
        %parallel_loop3A_368 = arith.muli %parallel_loop3A_332, %parallel_loop3A_367 : i32
        %parallel_loop3A_369 = arith.constant 5 : i32
        %parallel_loop3A_370 = arith.index_cast %parallel_loop3A_369 : i32 to index
        %parallel_loop3A_371 = arith.index_cast %parallel_loop3A_368 : i32 to index
        %parallel_loop3A_372 = tpu.vector_load %arg6[%parallel_loop3A_370, %parallel_loop3A_371] {strides = array<i32>} : memref<16x1024xf32, #tpu.memory_space<vmem>>, vector<16xf32>,
        tpu.vector_store_idx %arg8[%broadcast_in_dim3A_102, %parallel_loop3A_336], %parallel_loop3A_372 : memref<34x1156xf32, #tpu.memory_space<vmem>>[vector<16xi32>, vector<16xi32>], vector<16xf32>,
        %parallel_loop3A_373 = arith.constant 16 : i32
        %parallel_loop3A_374 = arith.muli %parallel_loop3A_332, %parallel_loop3A_373 : i32
        %parallel_loop3A_375 = arith.constant 6 : i32
        %parallel_loop3A_376 = arith.index_cast %parallel_loop3A_375 : i32 to index
        %parallel_loop3A_377 = arith.index_cast %parallel_loop3A_374 : i32 to index
        %parallel_loop3A_378 = tpu.vector_load %arg6[%parallel_loop3A_376, %parallel_loop3A_377] {strides = array<i32>} : memref<16x1024xf32, #tpu.memory_space<vmem>>, vector<16xf32>,
        tpu.vector_store_idx %arg8[%broadcast_in_dim3A_104, %parallel_loop3A_336], %parallel_loop3A_378 : memref<34x1156xf32, #tpu.memory_space<vmem>>[vector<16xi32>, vector<16xi32>], vector<16xf32>,
        %parallel_loop3A_379 = arith.constant 16 : i32
        %parallel_loop3A_380 = arith.muli %parallel_loop3A_332, %parallel_loop3A_379 : i32
        %parallel_loop3A_381 = arith.constant 7 : i32
        %parallel_loop3A_382 = arith.index_cast %parallel_loop3A_381 : i32 to index
        %parallel_loop3A_383 = arith.index_cast %parallel_loop3A_380 : i32 to index
        %parallel_loop3A_384 = tpu.vector_load %arg6[%parallel_loop3A_382, %parallel_loop3A_383] {strides = array<i32>} : memref<16x1024xf32, #tpu.memory_space<vmem>>, vector<16xf32>,
        tpu.vector_store_idx %arg8[%broadcast_in_dim3A_106, %parallel_loop3A_336], %parallel_loop3A_384 : memref<34x1156xf32, #tpu.memory_space<vmem>>[vector<16xi32>, vector<16xi32>], vector<16xf32>,
      } {sc.loop_unroll_factor = 4 : i64, sc.parallel_access}
      %broadcast_in_dim3A_109 = arith.constant 9 : i32
      %broadcast_in_dim3A_110 = vector.broadcast %broadcast_in_dim3A_109 : i32 to vector<16xi32>
      %broadcast_in_dim3A_111 = arith.constant 10 : i32
      %broadcast_in_dim3A_112 = vector.broadcast %broadcast_in_dim3A_111 : i32 to vector<16xi32>
      %broadcast_in_dim3A_113 = arith.constant 11 : i32
      %broadcast_in_dim3A_114 = vector.broadcast %broadcast_in_dim3A_113 : i32 to vector<16xi32>
      %broadcast_in_dim3A_115 = arith.constant 12 : i32
      %broadcast_in_dim3A_116 = vector.broadcast %broadcast_in_dim3A_115 : i32 to vector<16xi32>
      %broadcast_in_dim3A_117 = arith.constant 13 : i32
      %broadcast_in_dim3A_118 = vector.broadcast %broadcast_in_dim3A_117 : i32 to vector<16xi32>
      %broadcast_in_dim3A_119 = arith.constant 14 : i32
      %broadcast_in_dim3A_120 = vector.broadcast %broadcast_in_dim3A_119 : i32 to vector<16xi32>
      %broadcast_in_dim3A_121 = arith.constant 15 : i32
      %broadcast_in_dim3A_122 = vector.broadcast %broadcast_in_dim3A_121 : i32 to vector<16xi32>
      %broadcast_in_dim3A_123 = arith.constant 17 : i32
      %broadcast_in_dim3A_124 = vector.broadcast %broadcast_in_dim3A_123 : i32 to vector<16xi32>
      %parallel_loop3A_125 = arith.constant 0 : i32
      %parallel_loop3A_126 = arith.constant 64 : i32
      %parallel_loop3A_127 = arith.constant 1 : i32
      scf.for %parallel_loop3A_332 = %parallel_loop3A_125 to %parallel_loop3A_126 step %parallel_loop3A_127  : i32 {
        %parallel_loop3A_333 = arith.constant 16 : i32
        %parallel_loop3A_334 = arith.muli %parallel_loop3A_332, %parallel_loop3A_333 : i32
        %parallel_loop3A_335 = arith.index_cast %parallel_loop3A_334 : i32 to index
        %parallel_loop3A_336 = tpu.vector_load %arg10[%parallel_loop3A_335] {strides = array<i32>} : memref<1024xi32, #tpu.memory_space<vmem>>, vector<16xi32>,
        %parallel_loop3A_337 = arith.constant 16 : i32
        %parallel_loop3A_338 = arith.muli %parallel_loop3A_332, %parallel_loop3A_337 : i32
        %parallel_loop3A_339 = arith.constant 8 : i32
        %parallel_loop3A_340 = arith.index_cast %parallel_loop3A_339 : i32 to index
        %parallel_loop3A_341 = arith.index_cast %parallel_loop3A_338 : i32 to index
        %parallel_loop3A_342 = tpu.vector_load %arg6[%parallel_loop3A_340, %parallel_loop3A_341] {strides = array<i32>} : memref<16x1024xf32, #tpu.memory_space<vmem>>, vector<16xf32>,
        tpu.vector_store_idx %arg8[%broadcast_in_dim3A_110, %parallel_loop3A_336], %parallel_loop3A_342 : memref<34x1156xf32, #tpu.memory_space<vmem>>[vector<16xi32>, vector<16xi32>], vector<16xf32>,
        %parallel_loop3A_343 = arith.constant 16 : i32
        %parallel_loop3A_344 = arith.muli %parallel_loop3A_332, %parallel_loop3A_343 : i32
        %parallel_loop3A_345 = arith.constant 9 : i32
        %parallel_loop3A_346 = arith.index_cast %parallel_loop3A_345 : i32 to index
        %parallel_loop3A_347 = arith.index_cast %parallel_loop3A_344 : i32 to index
        %parallel_loop3A_348 = tpu.vector_load %arg6[%parallel_loop3A_346, %parallel_loop3A_347] {strides = array<i32>} : memref<16x1024xf32, #tpu.memory_space<vmem>>, vector<16xf32>,
        tpu.vector_store_idx %arg8[%broadcast_in_dim3A_112, %parallel_loop3A_336], %parallel_loop3A_348 : memref<34x1156xf32, #tpu.memory_space<vmem>>[vector<16xi32>, vector<16xi32>], vector<16xf32>,
        %parallel_loop3A_349 = arith.constant 16 : i32
        %parallel_loop3A_350 = arith.muli %parallel_loop3A_332, %parallel_loop3A_349 : i32
        %parallel_loop3A_351 = arith.constant 10 : i32
        %parallel_loop3A_352 = arith.index_cast %parallel_loop3A_351 : i32 to index
        %parallel_loop3A_353 = arith.index_cast %parallel_loop3A_350 : i32 to index
        %parallel_loop3A_354 = tpu.vector_load %arg6[%parallel_loop3A_352, %parallel_loop3A_353] {strides = array<i32>} : memref<16x1024xf32, #tpu.memory_space<vmem>>, vector<16xf32>,
        tpu.vector_store_idx %arg8[%broadcast_in_dim3A_114, %parallel_loop3A_336], %parallel_loop3A_354 : memref<34x1156xf32, #tpu.memory_space<vmem>>[vector<16xi32>, vector<16xi32>], vector<16xf32>,
        %parallel_loop3A_355 = arith.constant 16 : i32
        %parallel_loop3A_356 = arith.muli %parallel_loop3A_332, %parallel_loop3A_355 : i32
        %parallel_loop3A_357 = arith.constant 11 : i32
        %parallel_loop3A_358 = arith.index_cast %parallel_loop3A_357 : i32 to index
        %parallel_loop3A_359 = arith.index_cast %parallel_loop3A_356 : i32 to index
        %parallel_loop3A_360 = tpu.vector_load %arg6[%parallel_loop3A_358, %parallel_loop3A_359] {strides = array<i32>} : memref<16x1024xf32, #tpu.memory_space<vmem>>, vector<16xf32>,
        tpu.vector_store_idx %arg8[%broadcast_in_dim3A_116, %parallel_loop3A_336], %parallel_loop3A_360 : memref<34x1156xf32, #tpu.memory_space<vmem>>[vector<16xi32>, vector<16xi32>], vector<16xf32>,
        %parallel_loop3A_361 = arith.constant 16 : i32
        %parallel_loop3A_362 = arith.muli %parallel_loop3A_332, %parallel_loop3A_361 : i32
        %parallel_loop3A_363 = arith.constant 12 : i32
        %parallel_loop3A_364 = arith.index_cast %parallel_loop3A_363 : i32 to index
        %parallel_loop3A_365 = arith.index_cast %parallel_loop3A_362 : i32 to index
        %parallel_loop3A_366 = tpu.vector_load %arg6[%parallel_loop3A_364, %parallel_loop3A_365] {strides = array<i32>} : memref<16x1024xf32, #tpu.memory_space<vmem>>, vector<16xf32>,
        tpu.vector_store_idx %arg8[%broadcast_in_dim3A_118, %parallel_loop3A_336], %parallel_loop3A_366 : memref<34x1156xf32, #tpu.memory_space<vmem>>[vector<16xi32>, vector<16xi32>], vector<16xf32>,
        %parallel_loop3A_367 = arith.constant 16 : i32
        %parallel_loop3A_368 = arith.muli %parallel_loop3A_332, %parallel_loop3A_367 : i32
        %parallel_loop3A_369 = arith.constant 13 : i32
        %parallel_loop3A_370 = arith.index_cast %parallel_loop3A_369 : i32 to index
        %parallel_loop3A_371 = arith.index_cast %parallel_loop3A_368 : i32 to index
        %parallel_loop3A_372 = tpu.vector_load %arg6[%parallel_loop3A_370, %parallel_loop3A_371] {strides = array<i32>} : memref<16x1024xf32, #tpu.memory_space<vmem>>, vector<16xf32>,
        tpu.vector_store_idx %arg8[%broadcast_in_dim3A_120, %parallel_loop3A_336], %parallel_loop3A_372 : memref<34x1156xf32, #tpu.memory_space<vmem>>[vector<16xi32>, vector<16xi32>], vector<16xf32>,
        %parallel_loop3A_373 = arith.constant 16 : i32
        %parallel_loop3A_374 = arith.muli %parallel_loop3A_332, %parallel_loop3A_373 : i32
        %parallel_loop3A_375 = arith.constant 14 : i32
        %parallel_loop3A_376 = arith.index_cast %parallel_loop3A_375 : i32 to index
        %parallel_loop3A_377 = arith.index_cast %parallel_loop3A_374 : i32 to index
        %parallel_loop3A_378 = tpu.vector_load %arg6[%parallel_loop3A_376, %parallel_loop3A_377] {strides = array<i32>} : memref<16x1024xf32, #tpu.memory_space<vmem>>, vector<16xf32>,
        tpu.vector_store_idx %arg8[%broadcast_in_dim3A_122, %parallel_loop3A_336], %parallel_loop3A_378 : memref<34x1156xf32, #tpu.memory_space<vmem>>[vector<16xi32>, vector<16xi32>], vector<16xf32>,
        %parallel_loop3A_379 = arith.constant 16 : i32
        %parallel_loop3A_380 = arith.muli %parallel_loop3A_332, %parallel_loop3A_379 : i32
        %parallel_loop3A_381 = arith.constant 15 : i32
        %parallel_loop3A_382 = arith.index_cast %parallel_loop3A_381 : i32 to index
        %parallel_loop3A_383 = arith.index_cast %parallel_loop3A_380 : i32 to index
        %parallel_loop3A_384 = tpu.vector_load %arg6[%parallel_loop3A_382, %parallel_loop3A_383] {strides = array<i32>} : memref<16x1024xf32, #tpu.memory_space<vmem>>, vector<16xf32>,
        tpu.vector_store_idx %arg8[%broadcast_in_dim3A_124, %parallel_loop3A_336], %parallel_loop3A_384 : memref<34x1156xf32, #tpu.memory_space<vmem>>[vector<16xi32>, vector<16xi32>], vector<16xf32>,
      } {sc.loop_unroll_factor = 4 : i64, sc.parallel_access}
      %dma_wait3A_128 = arith.constant 0 : i32
      %dma_wait3A_129 = arith.constant 0 : i32
      %dma_wait3A_130 = tpu.memref_slice %arg2[%dma_wait3A_128, %dma_wait3A_129] : memref<16384x1024xf32, #tpu.memory_space<hbm>> -> memref<16x1024xf32, #tpu.memory_space<hbm>>
      %dma_wait3A_131 = arith.constant 0 : i32
      %dma_wait3A_132 = arith.constant 0 : i32
      %dma_wait3A_133 = tpu.memref_slice %arg2[%dma_wait3A_131, %dma_wait3A_132] : memref<16384x1024xf32, #tpu.memory_space<hbm>> -> memref<16x1024xf32, #tpu.memory_space<hbm>>
      tpu.wait_dma2 semaphore(%arg12 : memref<!tpu.dma_semaphore, #tpu.memory_space<semaphore_mem>>) src(%dma_wait3A_133 : memref<16x1024xf32, #tpu.memory_space<hbm>>) dst(%arg7 : memref<16x1024xf32, #tpu.memory_space<vmem>>)
      %add3A_134 = arith.constant 1 : i32
      %add3A_135 = arith.addi %add3A_72, %add3A_134 : i32
      %mul3A_136 = arith.constant 32 : i32
      %mul3A_137 = arith.muli %add3A_135, %mul3A_136 : i32
      %add3A_138 = arith.addi %add3A_35, %mul3A_137 : i32
      %add3A_139 = arith.constant 0 : i32
      %add3A_140 = arith.addi %add3A_138, %add3A_139 : i32
      %dma_start3A_141 = arith.constant 0 : i32
      %dma_start3A_142 = tpu.memref_slice %arg2[%add3A_140, %dma_start3A_141] : memref<16384x1024xf32, #tpu.memory_space<hbm>> -> memref<16x1024xf32, #tpu.memory_space<hbm>>
      %dma_start3A_143 = arith.constant 0 : i32
      %dma_start3A_144 = tpu.memref_slice %arg2[%add3A_140, %dma_start3A_143] : memref<16384x1024xf32, #tpu.memory_space<hbm>> -> memref<16x1024xf32, #tpu.memory_space<hbm>>
      tpu.enqueue_dma source(%dma_start3A_144 : memref<16x1024xf32, #tpu.memory_space<hbm>>) target(%arg6 : memref<16x1024xf32, #tpu.memory_space<vmem>>) target_semaphore(%arg11 : memref<!tpu.dma_semaphore, #tpu.memory_space<semaphore_mem>>)
      %broadcast_in_dim3A_145 = arith.constant 18 : i32
      %broadcast_in_dim3A_146 = vector.broadcast %broadcast_in_dim3A_145 : i32 to vector<16xi32>
      %broadcast_in_dim3A_147 = arith.constant 19 : i32
      %broadcast_in_dim3A_148 = vector.broadcast %broadcast_in_dim3A_147 : i32 to vector<16xi32>
      %broadcast_in_dim3A_149 = arith.constant 20 : i32
      %broadcast_in_dim3A_150 = vector.broadcast %broadcast_in_dim3A_149 : i32 to vector<16xi32>
      %broadcast_in_dim3A_151 = arith.constant 21 : i32
      %broadcast_in_dim3A_152 = vector.broadcast %broadcast_in_dim3A_151 : i32 to vector<16xi32>
      %broadcast_in_dim3A_153 = arith.constant 22 : i32
      %broadcast_in_dim3A_154 = vector.broadcast %broadcast_in_dim3A_153 : i32 to vector<16xi32>
      %broadcast_in_dim3A_155 = arith.constant 23 : i32
      %broadcast_in_dim3A_156 = vector.broadcast %broadcast_in_dim3A_155 : i32 to vector<16xi32>
      %broadcast_in_dim3A_157 = arith.constant 24 : i32
      %broadcast_in_dim3A_158 = vector.broadcast %broadcast_in_dim3A_157 : i32 to vector<16xi32>
      %broadcast_in_dim3A_159 = arith.constant 25 : i32
      %broadcast_in_dim3A_160 = vector.broadcast %broadcast_in_dim3A_159 : i32 to vector<16xi32>
      %parallel_loop3A_161 = arith.constant 0 : i32
      %parallel_loop3A_162 = arith.constant 64 : i32
      %parallel_loop3A_163 = arith.constant 1 : i32
      scf.for %parallel_loop3A_332 = %parallel_loop3A_161 to %parallel_loop3A_162 step %parallel_loop3A_163  : i32 {
        %parallel_loop3A_333 = arith.constant 16 : i32
        %parallel_loop3A_334 = arith.muli %parallel_loop3A_332, %parallel_loop3A_333 : i32
        %parallel_loop3A_335 = arith.index_cast %parallel_loop3A_334 : i32 to index
        %parallel_loop3A_336 = tpu.vector_load %arg10[%parallel_loop3A_335] {strides = array<i32>} : memref<1024xi32, #tpu.memory_space<vmem>>, vector<16xi32>,
        %parallel_loop3A_337 = arith.constant 16 : i32
        %parallel_loop3A_338 = arith.muli %parallel_loop3A_332, %parallel_loop3A_337 : i32
        %parallel_loop3A_339 = arith.constant 0 : i32
        %parallel_loop3A_340 = arith.index_cast %parallel_loop3A_339 : i32 to index
        %parallel_loop3A_341 = arith.index_cast %parallel_loop3A_338 : i32 to index
        %parallel_loop3A_342 = tpu.vector_load %arg7[%parallel_loop3A_340, %parallel_loop3A_341] {strides = array<i32>} : memref<16x1024xf32, #tpu.memory_space<vmem>>, vector<16xf32>,
        tpu.vector_store_idx %arg8[%broadcast_in_dim3A_146, %parallel_loop3A_336], %parallel_loop3A_342 : memref<34x1156xf32, #tpu.memory_space<vmem>>[vector<16xi32>, vector<16xi32>], vector<16xf32>,
        %parallel_loop3A_343 = arith.constant 16 : i32
        %parallel_loop3A_344 = arith.muli %parallel_loop3A_332, %parallel_loop3A_343 : i32
        %parallel_loop3A_345 = arith.constant 1 : i32
        %parallel_loop3A_346 = arith.index_cast %parallel_loop3A_345 : i32 to index
        %parallel_loop3A_347 = arith.index_cast %parallel_loop3A_344 : i32 to index
        %parallel_loop3A_348 = tpu.vector_load %arg7[%parallel_loop3A_346, %parallel_loop3A_347] {strides = array<i32>} : memref<16x1024xf32, #tpu.memory_space<vmem>>, vector<16xf32>,
        tpu.vector_store_idx %arg8[%broadcast_in_dim3A_148, %parallel_loop3A_336], %parallel_loop3A_348 : memref<34x1156xf32, #tpu.memory_space<vmem>>[vector<16xi32>, vector<16xi32>], vector<16xf32>,
        %parallel_loop3A_349 = arith.constant 16 : i32
        %parallel_loop3A_350 = arith.muli %parallel_loop3A_332, %parallel_loop3A_349 : i32
        %parallel_loop3A_351 = arith.constant 2 : i32
        %parallel_loop3A_352 = arith.index_cast %parallel_loop3A_351 : i32 to index
        %parallel_loop3A_353 = arith.index_cast %parallel_loop3A_350 : i32 to index
        %parallel_loop3A_354 = tpu.vector_load %arg7[%parallel_loop3A_352, %parallel_loop3A_353] {strides = array<i32>} : memref<16x1024xf32, #tpu.memory_space<vmem>>, vector<16xf32>,
        tpu.vector_store_idx %arg8[%broadcast_in_dim3A_150, %parallel_loop3A_336], %parallel_loop3A_354 : memref<34x1156xf32, #tpu.memory_space<vmem>>[vector<16xi32>, vector<16xi32>], vector<16xf32>,
        %parallel_loop3A_355 = arith.constant 16 : i32
        %parallel_loop3A_356 = arith.muli %parallel_loop3A_332, %parallel_loop3A_355 : i32
        %parallel_loop3A_357 = arith.constant 3 : i32
        %parallel_loop3A_358 = arith.index_cast %parallel_loop3A_357 : i32 to index
        %parallel_loop3A_359 = arith.index_cast %parallel_loop3A_356 : i32 to index
        %parallel_loop3A_360 = tpu.vector_load %arg7[%parallel_loop3A_358, %parallel_loop3A_359] {strides = array<i32>} : memref<16x1024xf32, #tpu.memory_space<vmem>>, vector<16xf32>,
        tpu.vector_store_idx %arg8[%broadcast_in_dim3A_152, %parallel_loop3A_336], %parallel_loop3A_360 : memref<34x1156xf32, #tpu.memory_space<vmem>>[vector<16xi32>, vector<16xi32>], vector<16xf32>,
        %parallel_loop3A_361 = arith.constant 16 : i32
        %parallel_loop3A_362 = arith.muli %parallel_loop3A_332, %parallel_loop3A_361 : i32
        %parallel_loop3A_363 = arith.constant 4 : i32
        %parallel_loop3A_364 = arith.index_cast %parallel_loop3A_363 : i32 to index
        %parallel_loop3A_365 = arith.index_cast %parallel_loop3A_362 : i32 to index
        %parallel_loop3A_366 = tpu.vector_load %arg7[%parallel_loop3A_364, %parallel_loop3A_365] {strides = array<i32>} : memref<16x1024xf32, #tpu.memory_space<vmem>>, vector<16xf32>,
        tpu.vector_store_idx %arg8[%broadcast_in_dim3A_154, %parallel_loop3A_336], %parallel_loop3A_366 : memref<34x1156xf32, #tpu.memory_space<vmem>>[vector<16xi32>, vector<16xi32>], vector<16xf32>,
        %parallel_loop3A_367 = arith.constant 16 : i32
        %parallel_loop3A_368 = arith.muli %parallel_loop3A_332, %parallel_loop3A_367 : i32
        %parallel_loop3A_369 = arith.constant 5 : i32
        %parallel_loop3A_370 = arith.index_cast %parallel_loop3A_369 : i32 to index
        %parallel_loop3A_371 = arith.index_cast %parallel_loop3A_368 : i32 to index
        %parallel_loop3A_372 = tpu.vector_load %arg7[%parallel_loop3A_370, %parallel_loop3A_371] {strides = array<i32>} : memref<16x1024xf32, #tpu.memory_space<vmem>>, vector<16xf32>,
        tpu.vector_store_idx %arg8[%broadcast_in_dim3A_156, %parallel_loop3A_336], %parallel_loop3A_372 : memref<34x1156xf32, #tpu.memory_space<vmem>>[vector<16xi32>, vector<16xi32>], vector<16xf32>,
        %parallel_loop3A_373 = arith.constant 16 : i32
        %parallel_loop3A_374 = arith.muli %parallel_loop3A_332, %parallel_loop3A_373 : i32
        %parallel_loop3A_375 = arith.constant 6 : i32
        %parallel_loop3A_376 = arith.index_cast %parallel_loop3A_375 : i32 to index
        %parallel_loop3A_377 = arith.index_cast %parallel_loop3A_374 : i32 to index
        %parallel_loop3A_378 = tpu.vector_load %arg7[%parallel_loop3A_376, %parallel_loop3A_377] {strides = array<i32>} : memref<16x1024xf32, #tpu.memory_space<vmem>>, vector<16xf32>,
        tpu.vector_store_idx %arg8[%broadcast_in_dim3A_158, %parallel_loop3A_336], %parallel_loop3A_378 : memref<34x1156xf32, #tpu.memory_space<vmem>>[vector<16xi32>, vector<16xi32>], vector<16xf32>,
        %parallel_loop3A_379 = arith.constant 16 : i32
        %parallel_loop3A_380 = arith.muli %parallel_loop3A_332, %parallel_loop3A_379 : i32
        %parallel_loop3A_381 = arith.constant 7 : i32
        %parallel_loop3A_382 = arith.index_cast %parallel_loop3A_381 : i32 to index
        %parallel_loop3A_383 = arith.index_cast %parallel_loop3A_380 : i32 to index
        %parallel_loop3A_384 = tpu.vector_load %arg7[%parallel_loop3A_382, %parallel_loop3A_383] {strides = array<i32>} : memref<16x1024xf32, #tpu.memory_space<vmem>>, vector<16xf32>,
        tpu.vector_store_idx %arg8[%broadcast_in_dim3A_160, %parallel_loop3A_336], %parallel_loop3A_384 : memref<34x1156xf32, #tpu.memory_space<vmem>>[vector<16xi32>, vector<16xi32>], vector<16xf32>,
      } {sc.loop_unroll_factor = 4 : i64, sc.parallel_access}
      %broadcast_in_dim3A_164 = arith.constant 26 : i32
      %broadcast_in_dim3A_165 = vector.broadcast %broadcast_in_dim3A_164 : i32 to vector<16xi32>
      %broadcast_in_dim3A_166 = arith.constant 27 : i32
      %broadcast_in_dim3A_167 = vector.broadcast %broadcast_in_dim3A_166 : i32 to vector<16xi32>
      %broadcast_in_dim3A_168 = arith.constant 28 : i32
      %broadcast_in_dim3A_169 = vector.broadcast %broadcast_in_dim3A_168 : i32 to vector<16xi32>
      %broadcast_in_dim3A_170 = arith.constant 29 : i32
      %broadcast_in_dim3A_171 = vector.broadcast %broadcast_in_dim3A_170 : i32 to vector<16xi32>
      %broadcast_in_dim3A_172 = arith.constant 30 : i32
      %broadcast_in_dim3A_173 = vector.broadcast %broadcast_in_dim3A_172 : i32 to vector<16xi32>
      %broadcast_in_dim3A_174 = arith.constant 31 : i32
      %broadcast_in_dim3A_175 = vector.broadcast %broadcast_in_dim3A_174 : i32 to vector<16xi32>
      %broadcast_in_dim3A_176 = arith.constant 32 : i32
      %broadcast_in_dim3A_177 = vector.broadcast %broadcast_in_dim3A_176 : i32 to vector<16xi32>
      %broadcast_in_dim3A_178 = arith.constant 33 : i32
      %broadcast_in_dim3A_179 = vector.broadcast %broadcast_in_dim3A_178 : i32 to vector<16xi32>
      %parallel_loop3A_180 = arith.constant 0 : i32
      %parallel_loop3A_181 = arith.constant 64 : i32
      %parallel_loop3A_182 = arith.constant 1 : i32
      scf.for %parallel_loop3A_332 = %parallel_loop3A_180 to %parallel_loop3A_181 step %parallel_loop3A_182  : i32 {
        %parallel_loop3A_333 = arith.constant 16 : i32
        %parallel_loop3A_334 = arith.muli %parallel_loop3A_332, %parallel_loop3A_333 : i32
        %parallel_loop3A_335 = arith.index_cast %parallel_loop3A_334 : i32 to index
        %parallel_loop3A_336 = tpu.vector_load %arg10[%parallel_loop3A_335] {strides = array<i32>} : memref<1024xi32, #tpu.memory_space<vmem>>, vector<16xi32>,
        %parallel_loop3A_337 = arith.constant 16 : i32
        %parallel_loop3A_338 = arith.muli %parallel_loop3A_332, %parallel_loop3A_337 : i32
        %parallel_loop3A_339 = arith.constant 8 : i32
        %parallel_loop3A_340 = arith.index_cast %parallel_loop3A_339 : i32 to index
        %parallel_loop3A_341 = arith.index_cast %parallel_loop3A_338 : i32 to index
        %parallel_loop3A_342 = tpu.vector_load %arg7[%parallel_loop3A_340, %parallel_loop3A_341] {strides = array<i32>} : memref<16x1024xf32, #tpu.memory_space<vmem>>, vector<16xf32>,
        tpu.vector_store_idx %arg8[%broadcast_in_dim3A_165, %parallel_loop3A_336], %parallel_loop3A_342 : memref<34x1156xf32, #tpu.memory_space<vmem>>[vector<16xi32>, vector<16xi32>], vector<16xf32>,
        %parallel_loop3A_343 = arith.constant 16 : i32
        %parallel_loop3A_344 = arith.muli %parallel_loop3A_332, %parallel_loop3A_343 : i32
        %parallel_loop3A_345 = arith.constant 9 : i32
        %parallel_loop3A_346 = arith.index_cast %parallel_loop3A_345 : i32 to index
        %parallel_loop3A_347 = arith.index_cast %parallel_loop3A_344 : i32 to index
        %parallel_loop3A_348 = tpu.vector_load %arg7[%parallel_loop3A_346, %parallel_loop3A_347] {strides = array<i32>} : memref<16x1024xf32, #tpu.memory_space<vmem>>, vector<16xf32>,
        tpu.vector_store_idx %arg8[%broadcast_in_dim3A_167, %parallel_loop3A_336], %parallel_loop3A_348 : memref<34x1156xf32, #tpu.memory_space<vmem>>[vector<16xi32>, vector<16xi32>], vector<16xf32>,
        %parallel_loop3A_349 = arith.constant 16 : i32
        %parallel_loop3A_350 = arith.muli %parallel_loop3A_332, %parallel_loop3A_349 : i32
        %parallel_loop3A_351 = arith.constant 10 : i32
        %parallel_loop3A_352 = arith.index_cast %parallel_loop3A_351 : i32 to index
        %parallel_loop3A_353 = arith.index_cast %parallel_loop3A_350 : i32 to index
        %parallel_loop3A_354 = tpu.vector_load %arg7[%parallel_loop3A_352, %parallel_loop3A_353] {strides = array<i32>} : memref<16x1024xf32, #tpu.memory_space<vmem>>, vector<16xf32>,
        tpu.vector_store_idx %arg8[%broadcast_in_dim3A_169, %parallel_loop3A_336], %parallel_loop3A_354 : memref<34x1156xf32, #tpu.memory_space<vmem>>[vector<16xi32>, vector<16xi32>], vector<16xf32>,
        %parallel_loop3A_355 = arith.constant 16 : i32
        %parallel_loop3A_356 = arith.muli %parallel_loop3A_332, %parallel_loop3A_355 : i32
        %parallel_loop3A_357 = arith.constant 11 : i32
        %parallel_loop3A_358 = arith.index_cast %parallel_loop3A_357 : i32 to index
        %parallel_loop3A_359 = arith.index_cast %parallel_loop3A_356 : i32 to index
        %parallel_loop3A_360 = tpu.vector_load %arg7[%parallel_loop3A_358, %parallel_loop3A_359] {strides = array<i32>} : memref<16x1024xf32, #tpu.memory_space<vmem>>, vector<16xf32>,
        tpu.vector_store_idx %arg8[%broadcast_in_dim3A_171, %parallel_loop3A_336], %parallel_loop3A_360 : memref<34x1156xf32, #tpu.memory_space<vmem>>[vector<16xi32>, vector<16xi32>], vector<16xf32>,
        %parallel_loop3A_361 = arith.constant 16 : i32
        %parallel_loop3A_362 = arith.muli %parallel_loop3A_332, %parallel_loop3A_361 : i32
        %parallel_loop3A_363 = arith.constant 12 : i32
        %parallel_loop3A_364 = arith.index_cast %parallel_loop3A_363 : i32 to index
        %parallel_loop3A_365 = arith.index_cast %parallel_loop3A_362 : i32 to index
        %parallel_loop3A_366 = tpu.vector_load %arg7[%parallel_loop3A_364, %parallel_loop3A_365] {strides = array<i32>} : memref<16x1024xf32, #tpu.memory_space<vmem>>, vector<16xf32>,
        tpu.vector_store_idx %arg8[%broadcast_in_dim3A_173, %parallel_loop3A_336], %parallel_loop3A_366 : memref<34x1156xf32, #tpu.memory_space<vmem>>[vector<16xi32>, vector<16xi32>], vector<16xf32>,
        %parallel_loop3A_367 = arith.constant 16 : i32
        %parallel_loop3A_368 = arith.muli %parallel_loop3A_332, %parallel_loop3A_367 : i32
        %parallel_loop3A_369 = arith.constant 13 : i32
        %parallel_loop3A_370 = arith.index_cast %parallel_loop3A_369 : i32 to index
        %parallel_loop3A_371 = arith.index_cast %parallel_loop3A_368 : i32 to index
        %parallel_loop3A_372 = tpu.vector_load %arg7[%parallel_loop3A_370, %parallel_loop3A_371] {strides = array<i32>} : memref<16x1024xf32, #tpu.memory_space<vmem>>, vector<16xf32>,
        tpu.vector_store_idx %arg8[%broadcast_in_dim3A_175, %parallel_loop3A_336], %parallel_loop3A_372 : memref<34x1156xf32, #tpu.memory_space<vmem>>[vector<16xi32>, vector<16xi32>], vector<16xf32>,
        %parallel_loop3A_373 = arith.constant 16 : i32
        %parallel_loop3A_374 = arith.muli %parallel_loop3A_332, %parallel_loop3A_373 : i32
        %parallel_loop3A_375 = arith.constant 14 : i32
        %parallel_loop3A_376 = arith.index_cast %parallel_loop3A_375 : i32 to index
        %parallel_loop3A_377 = arith.index_cast %parallel_loop3A_374 : i32 to index
        %parallel_loop3A_378 = tpu.vector_load %arg7[%parallel_loop3A_376, %parallel_loop3A_377] {strides = array<i32>} : memref<16x1024xf32, #tpu.memory_space<vmem>>, vector<16xf32>,
        tpu.vector_store_idx %arg8[%broadcast_in_dim3A_177, %parallel_loop3A_336], %parallel_loop3A_378 : memref<34x1156xf32, #tpu.memory_space<vmem>>[vector<16xi32>, vector<16xi32>], vector<16xf32>,
        %parallel_loop3A_379 = arith.constant 16 : i32
        %parallel_loop3A_380 = arith.muli %parallel_loop3A_332, %parallel_loop3A_379 : i32
        %parallel_loop3A_381 = arith.constant 15 : i32
        %parallel_loop3A_382 = arith.index_cast %parallel_loop3A_381 : i32 to index
        %parallel_loop3A_383 = arith.index_cast %parallel_loop3A_380 : i32 to index
        %parallel_loop3A_384 = tpu.vector_load %arg7[%parallel_loop3A_382, %parallel_loop3A_383] {strides = array<i32>} : memref<16x1024xf32, #tpu.memory_space<vmem>>, vector<16xf32>,
        tpu.vector_store_idx %arg8[%broadcast_in_dim3A_179, %parallel_loop3A_336], %parallel_loop3A_384 : memref<34x1156xf32, #tpu.memory_space<vmem>>[vector<16xi32>, vector<16xi32>], vector<16xf32>,
      } {sc.loop_unroll_factor = 4 : i64, sc.parallel_access}
      %mul3A_183 = arith.constant 16 : i32
      %mul3A_184 = arith.muli %select_n3A_30, %mul3A_183 : i32
      %add3A_185 = arith.addi %mul3A_184, %add3A_72 : i32
      %ge3A_186 = arith.constant 5 : i32
      %ge3A_187 = arith.cmpi sge, %add3A_185, %ge3A_186 : i32
      %convert_element_type3A_188 = arith.extui %ge3A_187 : i1 to i32
      %add3A_189 = arith.addi %add3A_185, %convert_element_type3A_188 : i32
      %ge3A_190 = arith.constant 15 : i32
      %ge3A_191 = arith.cmpi sge, %add3A_185, %ge3A_190 : i32
      %convert_element_type3A_192 = arith.extui %ge3A_191 : i1 to i32
      %add3A_193 = arith.addi %add3A_189, %convert_element_type3A_192 : i32
      %mul3A_194 = arith.constant 34 : i32
      %mul3A_195 = arith.muli %add3A_193, %mul3A_194 : i32
      %dma_start3A_196 = arith.constant 0 : i32
      %dma_start3A_197 = tpu.memref_slice %arg5[%select_n3A, %mul3A_195, %dma_start3A_196] : memref<16x1160x1156xf32, #tpu.memory_space<hbm>> -> memref<1x34x1156xf32, #tpu.memory_space<hbm>>
      %dma_start3A_198 = tpu.memref_squeeze %dma_start3A_197 : memref<1x34x1156xf32, #tpu.memory_space<hbm>> -> memref<34x1156xf32, #tpu.memory_space<hbm>>
      %dma_start3A_199 = arith.constant 0 : i32
      %dma_start3A_200 = tpu.memref_slice %arg5[%select_n3A, %mul3A_195, %dma_start3A_199] : memref<16x1160x1156xf32, #tpu.memory_space<hbm>> -> memref<1x34x1156xf32, #tpu.memory_space<hbm>>
      %dma_start3A_201 = tpu.memref_squeeze %dma_start3A_200 : memref<1x34x1156xf32, #tpu.memory_space<hbm>> -> memref<34x1156xf32, #tpu.memory_space<hbm>>
      tpu.enqueue_dma source(%arg8 : memref<34x1156xf32, #tpu.memory_space<vmem>>) target(%dma_start3A_201 : memref<34x1156xf32, #tpu.memory_space<hbm>>) target_semaphore(%arg13 : memref<!tpu.dma_semaphore, #tpu.memory_space<semaphore_mem>>)
      %mul3A_202 = arith.constant 2 : i32
      %mul3A_203 = arith.muli %mul3A_202, %scan3A_68 : i32
      %add3A_204 = arith.constant 1 : i32
      %add3A_205 = arith.addi %mul3A_203, %add3A_204 : i32
      %dma_wait3A_206 = arith.constant 0 : i32
      %dma_wait3A_207 = arith.constant 0 : i32
      %dma_wait3A_208 = tpu.memref_slice %arg2[%dma_wait3A_206, %dma_wait3A_207] : memref<16384x1024xf32, #tpu.memory_space<hbm>> -> memref<16x1024xf32, #tpu.memory_space<hbm>>
      %dma_wait3A_209 = arith.constant 0 : i32
      %dma_wait3A_210 = arith.constant 0 : i32
      %dma_wait3A_211 = tpu.memref_slice %arg2[%dma_wait3A_209, %dma_wait3A_210] : memref<16384x1024xf32, #tpu.memory_space<hbm>> -> memref<16x1024xf32, #tpu.memory_space<hbm>>
      tpu.wait_dma2 semaphore(%arg11 : memref<!tpu.dma_semaphore, #tpu.memory_space<semaphore_mem>>) src(%dma_wait3A_211 : memref<16x1024xf32, #tpu.memory_space<hbm>>) dst(%arg6 : memref<16x1024xf32, #tpu.memory_space<vmem>>)
      %mul3A_212 = arith.constant 32 : i32
      %mul3A_213 = arith.muli %add3A_205, %mul3A_212 : i32
      %add3A_214 = arith.addi %add3A_35, %mul3A_213 : i32
      %add3A_215 = arith.constant 16 : i32
      %add3A_216 = arith.addi %add3A_214, %add3A_215 : i32
      %dma_start3A_217 = arith.constant 0 : i32
      %dma_start3A_218 = tpu.memref_slice %arg2[%add3A_216, %dma_start3A_217] : memref<16384x1024xf32, #tpu.memory_space<hbm>> -> memref<16x1024xf32, #tpu.memory_space<hbm>>
      %dma_start3A_219 = arith.constant 0 : i32
      %dma_start3A_220 = tpu.memref_slice %arg2[%add3A_216, %dma_start3A_219] : memref<16384x1024xf32, #tpu.memory_space<hbm>> -> memref<16x1024xf32, #tpu.memory_space<hbm>>
      tpu.enqueue_dma source(%dma_start3A_220 : memref<16x1024xf32, #tpu.memory_space<hbm>>) target(%arg7 : memref<16x1024xf32, #tpu.memory_space<vmem>>) target_semaphore(%arg12 : memref<!tpu.dma_semaphore, #tpu.memory_space<semaphore_mem>>)
      %ge3A_221 = arith.constant 1 : i32
      %ge3A_222 = arith.cmpi sge, %scan3A_68, %ge3A_221 : i32
      %convert_element_type3A_223 = arith.extui %ge3A_222 : i1 to i32
      %cond3A_224 = arith.constant 0 : i32
      %cond3A_225 = arith.cmpi ne, %convert_element_type3A_223, %cond3A_224 : i32
      scf.if %cond3A_225 {
        %dma_wait3A_332 = arith.constant 0 : i32
        %dma_wait3A_333 = arith.constant 0 : i32
        %dma_wait3A_334 = arith.constant 0 : i32
        %dma_wait3A_335 = tpu.memref_slice %arg5[%dma_wait3A_332, %dma_wait3A_333, %dma_wait3A_334] : memref<16x1160x1156xf32, #tpu.memory_space<hbm>> -> memref<1x34x1156xf32, #tpu.memory_space<hbm>>
        %dma_wait3A_336 = tpu.memref_squeeze %dma_wait3A_335 : memref<1x34x1156xf32, #tpu.memory_space<hbm>> -> memref<34x1156xf32, #tpu.memory_space<hbm>>
        %dma_wait3A_337 = arith.constant 0 : i32
        %dma_wait3A_338 = arith.constant 0 : i32
        %dma_wait3A_339 = tpu.memref_slice %arg5[%dma_wait3A_332, %dma_wait3A_337, %dma_wait3A_338] : memref<16x1160x1156xf32, #tpu.memory_space<hbm>> -> memref<1x34x1156xf32, #tpu.memory_space<hbm>>
        %dma_wait3A_340 = tpu.memref_squeeze %dma_wait3A_339 : memref<1x34x1156xf32, #tpu.memory_space<hbm>> -> memref<34x1156xf32, #tpu.memory_space<hbm>>
        tpu.wait_dma2 semaphore(%arg14 : memref<!tpu.dma_semaphore, #tpu.memory_space<semaphore_mem>>) src(%arg9 : memref<34x1156xf32, #tpu.memory_space<vmem>>) dst(%dma_wait3A_340 : memref<34x1156xf32, #tpu.memory_space<hbm>>)
      } else {
      }
      %broadcast_in_dim3A_226 = arith.constant 0 : i32
      %broadcast_in_dim3A_227 = vector.broadcast %broadcast_in_dim3A_226 : i32 to vector<16xi32>
      %broadcast_in_dim3A_228 = arith.constant 1 : i32
      %broadcast_in_dim3A_229 = vector.broadcast %broadcast_in_dim3A_228 : i32 to vector<16xi32>
      %broadcast_in_dim3A_230 = arith.constant 2 : i32
      %broadcast_in_dim3A_231 = vector.broadcast %broadcast_in_dim3A_230 : i32 to vector<16xi32>
      %broadcast_in_dim3A_232 = arith.constant 3 : i32
      %broadcast_in_dim3A_233 = vector.broadcast %broadcast_in_dim3A_232 : i32 to vector<16xi32>
      %broadcast_in_dim3A_234 = arith.constant 4 : i32
      %broadcast_in_dim3A_235 = vector.broadcast %broadcast_in_dim3A_234 : i32 to vector<16xi32>
      %broadcast_in_dim3A_236 = arith.constant 6 : i32
      %broadcast_in_dim3A_237 = vector.broadcast %broadcast_in_dim3A_236 : i32 to vector<16xi32>
      %broadcast_in_dim3A_238 = arith.constant 7 : i32
      %broadcast_in_dim3A_239 = vector.broadcast %broadcast_in_dim3A_238 : i32 to vector<16xi32>
      %broadcast_in_dim3A_240 = arith.constant 8 : i32
      %broadcast_in_dim3A_241 = vector.broadcast %broadcast_in_dim3A_240 : i32 to vector<16xi32>
      %parallel_loop3A_242 = arith.constant 0 : i32
      %parallel_loop3A_243 = arith.constant 64 : i32
      %parallel_loop3A_244 = arith.constant 1 : i32
      scf.for %parallel_loop3A_332 = %parallel_loop3A_242 to %parallel_loop3A_243 step %parallel_loop3A_244  : i32 {
        %parallel_loop3A_333 = arith.constant 16 : i32
        %parallel_loop3A_334 = arith.muli %parallel_loop3A_332, %parallel_loop3A_333 : i32
        %parallel_loop3A_335 = arith.index_cast %parallel_loop3A_334 : i32 to index
        %parallel_loop3A_336 = tpu.vector_load %arg10[%parallel_loop3A_335] {strides = array<i32>} : memref<1024xi32, #tpu.memory_space<vmem>>, vector<16xi32>,
        %parallel_loop3A_337 = arith.constant 16 : i32
        %parallel_loop3A_338 = arith.muli %parallel_loop3A_332, %parallel_loop3A_337 : i32
        %parallel_loop3A_339 = arith.constant 0 : i32
        %parallel_loop3A_340 = arith.index_cast %parallel_loop3A_339 : i32 to index
        %parallel_loop3A_341 = arith.index_cast %parallel_loop3A_338 : i32 to index
        %parallel_loop3A_342 = tpu.vector_load %arg6[%parallel_loop3A_340, %parallel_loop3A_341] {strides = array<i32>} : memref<16x1024xf32, #tpu.memory_space<vmem>>, vector<16xf32>,
        tpu.vector_store_idx %arg9[%broadcast_in_dim3A_227, %parallel_loop3A_336], %parallel_loop3A_342 : memref<34x1156xf32, #tpu.memory_space<vmem>>[vector<16xi32>, vector<16xi32>], vector<16xf32>,
        %parallel_loop3A_343 = arith.constant 16 : i32
        %parallel_loop3A_344 = arith.muli %parallel_loop3A_332, %parallel_loop3A_343 : i32
        %parallel_loop3A_345 = arith.constant 1 : i32
        %parallel_loop3A_346 = arith.index_cast %parallel_loop3A_345 : i32 to index
        %parallel_loop3A_347 = arith.index_cast %parallel_loop3A_344 : i32 to index
        %parallel_loop3A_348 = tpu.vector_load %arg6[%parallel_loop3A_346, %parallel_loop3A_347] {strides = array<i32>} : memref<16x1024xf32, #tpu.memory_space<vmem>>, vector<16xf32>,
        tpu.vector_store_idx %arg9[%broadcast_in_dim3A_229, %parallel_loop3A_336], %parallel_loop3A_348 : memref<34x1156xf32, #tpu.memory_space<vmem>>[vector<16xi32>, vector<16xi32>], vector<16xf32>,
        %parallel_loop3A_349 = arith.constant 16 : i32
        %parallel_loop3A_350 = arith.muli %parallel_loop3A_332, %parallel_loop3A_349 : i32
        %parallel_loop3A_351 = arith.constant 2 : i32
        %parallel_loop3A_352 = arith.index_cast %parallel_loop3A_351 : i32 to index
        %parallel_loop3A_353 = arith.index_cast %parallel_loop3A_350 : i32 to index
        %parallel_loop3A_354 = tpu.vector_load %arg6[%parallel_loop3A_352, %parallel_loop3A_353] {strides = array<i32>} : memref<16x1024xf32, #tpu.memory_space<vmem>>, vector<16xf32>,
        tpu.vector_store_idx %arg9[%broadcast_in_dim3A_231, %parallel_loop3A_336], %parallel_loop3A_354 : memref<34x1156xf32, #tpu.memory_space<vmem>>[vector<16xi32>, vector<16xi32>], vector<16xf32>,
        %parallel_loop3A_355 = arith.constant 16 : i32
        %parallel_loop3A_356 = arith.muli %parallel_loop3A_332, %parallel_loop3A_355 : i32
        %parallel_loop3A_357 = arith.constant 3 : i32
        %parallel_loop3A_358 = arith.index_cast %parallel_loop3A_357 : i32 to index
        %parallel_loop3A_359 = arith.index_cast %parallel_loop3A_356 : i32 to index
        %parallel_loop3A_360 = tpu.vector_load %arg6[%parallel_loop3A_358, %parallel_loop3A_359] {strides = array<i32>} : memref<16x1024xf32, #tpu.memory_space<vmem>>, vector<16xf32>,
        tpu.vector_store_idx %arg9[%broadcast_in_dim3A_233, %parallel_loop3A_336], %parallel_loop3A_360 : memref<34x1156xf32, #tpu.memory_space<vmem>>[vector<16xi32>, vector<16xi32>], vector<16xf32>,
        %parallel_loop3A_361 = arith.constant 16 : i32
        %parallel_loop3A_362 = arith.muli %parallel_loop3A_332, %parallel_loop3A_361 : i32
        %parallel_loop3A_363 = arith.constant 4 : i32
        %parallel_loop3A_364 = arith.index_cast %parallel_loop3A_363 : i32 to index
        %parallel_loop3A_365 = arith.index_cast %parallel_loop3A_362 : i32 to index
        %parallel_loop3A_366 = tpu.vector_load %arg6[%parallel_loop3A_364, %parallel_loop3A_365] {strides = array<i32>} : memref<16x1024xf32, #tpu.memory_space<vmem>>, vector<16xf32>,
        tpu.vector_store_idx %arg9[%broadcast_in_dim3A_235, %parallel_loop3A_336], %parallel_loop3A_366 : memref<34x1156xf32, #tpu.memory_space<vmem>>[vector<16xi32>, vector<16xi32>], vector<16xf32>,
        %parallel_loop3A_367 = arith.constant 16 : i32
        %parallel_loop3A_368 = arith.muli %parallel_loop3A_332, %parallel_loop3A_367 : i32
        %parallel_loop3A_369 = arith.constant 5 : i32
        %parallel_loop3A_370 = arith.index_cast %parallel_loop3A_369 : i32 to index
        %parallel_loop3A_371 = arith.index_cast %parallel_loop3A_368 : i32 to index
        %parallel_loop3A_372 = tpu.vector_load %arg6[%parallel_loop3A_370, %parallel_loop3A_371] {strides = array<i32>} : memref<16x1024xf32, #tpu.memory_space<vmem>>, vector<16xf32>,
        tpu.vector_store_idx %arg9[%broadcast_in_dim3A_237, %parallel_loop3A_336], %parallel_loop3A_372 : memref<34x1156xf32, #tpu.memory_space<vmem>>[vector<16xi32>, vector<16xi32>], vector<16xf32>,
        %parallel_loop3A_373 = arith.constant 16 : i32
        %parallel_loop3A_374 = arith.muli %parallel_loop3A_332, %parallel_loop3A_373 : i32
        %parallel_loop3A_375 = arith.constant 6 : i32
        %parallel_loop3A_376 = arith.index_cast %parallel_loop3A_375 : i32 to index
        %parallel_loop3A_377 = arith.index_cast %parallel_loop3A_374 : i32 to index
        %parallel_loop3A_378 = tpu.vector_load %arg6[%parallel_loop3A_376, %parallel_loop3A_377] {strides = array<i32>} : memref<16x1024xf32, #tpu.memory_space<vmem>>, vector<16xf32>,
        tpu.vector_store_idx %arg9[%broadcast_in_dim3A_239, %parallel_loop3A_336], %parallel_loop3A_378 : memref<34x1156xf32, #tpu.memory_space<vmem>>[vector<16xi32>, vector<16xi32>], vector<16xf32>,
        %parallel_loop3A_379 = arith.constant 16 : i32
        %parallel_loop3A_380 = arith.muli %parallel_loop3A_332, %parallel_loop3A_379 : i32
        %parallel_loop3A_381 = arith.constant 7 : i32
        %parallel_loop3A_382 = arith.index_cast %parallel_loop3A_381 : i32 to index
        %parallel_loop3A_383 = arith.index_cast %parallel_loop3A_380 : i32 to index
        %parallel_loop3A_384 = tpu.vector_load %arg6[%parallel_loop3A_382, %parallel_loop3A_383] {strides = array<i32>} : memref<16x1024xf32, #tpu.memory_space<vmem>>, vector<16xf32>,
        tpu.vector_store_idx %arg9[%broadcast_in_dim3A_241, %parallel_loop3A_336], %parallel_loop3A_384 : memref<34x1156xf32, #tpu.memory_space<vmem>>[vector<16xi32>, vector<16xi32>], vector<16xf32>,
      } {sc.loop_unroll_factor = 4 : i64, sc.parallel_access}
      %broadcast_in_dim3A_245 = arith.constant 9 : i32
      %broadcast_in_dim3A_246 = vector.broadcast %broadcast_in_dim3A_245 : i32 to vector<16xi32>
      %broadcast_in_dim3A_247 = arith.constant 10 : i32
      %broadcast_in_dim3A_248 = vector.broadcast %broadcast_in_dim3A_247 : i32 to vector<16xi32>
      %broadcast_in_dim3A_249 = arith.constant 11 : i32
      %broadcast_in_dim3A_250 = vector.broadcast %broadcast_in_dim3A_249 : i32 to vector<16xi32>
      %broadcast_in_dim3A_251 = arith.constant 12 : i32
      %broadcast_in_dim3A_252 = vector.broadcast %broadcast_in_dim3A_251 : i32 to vector<16xi32>
      %broadcast_in_dim3A_253 = arith.constant 13 : i32
      %broadcast_in_dim3A_254 = vector.broadcast %broadcast_in_dim3A_253 : i32 to vector<16xi32>
      %broadcast_in_dim3A_255 = arith.constant 14 : i32
      %broadcast_in_dim3A_256 = vector.broadcast %broadcast_in_dim3A_255 : i32 to vector<16xi32>
      %broadcast_in_dim3A_257 = arith.constant 15 : i32
      %broadcast_in_dim3A_258 = vector.broadcast %broadcast_in_dim3A_257 : i32 to vector<16xi32>
      %broadcast_in_dim3A_259 = arith.constant 17 : i32
      %broadcast_in_dim3A_260 = vector.broadcast %broadcast_in_dim3A_259 : i32 to vector<16xi32>
      %parallel_loop3A_261 = arith.constant 0 : i32
      %parallel_loop3A_262 = arith.constant 64 : i32
      %parallel_loop3A_263 = arith.constant 1 : i32
      scf.for %parallel_loop3A_332 = %parallel_loop3A_261 to %parallel_loop3A_262 step %parallel_loop3A_263  : i32 {
        %parallel_loop3A_333 = arith.constant 16 : i32
        %parallel_loop3A_334 = arith.muli %parallel_loop3A_332, %parallel_loop3A_333 : i32
        %parallel_loop3A_335 = arith.index_cast %parallel_loop3A_334 : i32 to index
        %parallel_loop3A_336 = tpu.vector_load %arg10[%parallel_loop3A_335] {strides = array<i32>} : memref<1024xi32, #tpu.memory_space<vmem>>, vector<16xi32>,
        %parallel_loop3A_337 = arith.constant 16 : i32
        %parallel_loop3A_338 = arith.muli %parallel_loop3A_332, %parallel_loop3A_337 : i32
        %parallel_loop3A_339 = arith.constant 8 : i32
        %parallel_loop3A_340 = arith.index_cast %parallel_loop3A_339 : i32 to index
        %parallel_loop3A_341 = arith.index_cast %parallel_loop3A_338 : i32 to index
        %parallel_loop3A_342 = tpu.vector_load %arg6[%parallel_loop3A_340, %parallel_loop3A_341] {strides = array<i32>} : memref<16x1024xf32, #tpu.memory_space<vmem>>, vector<16xf32>,
        tpu.vector_store_idx %arg9[%broadcast_in_dim3A_246, %parallel_loop3A_336], %parallel_loop3A_342 : memref<34x1156xf32, #tpu.memory_space<vmem>>[vector<16xi32>, vector<16xi32>], vector<16xf32>,
        %parallel_loop3A_343 = arith.constant 16 : i32
        %parallel_loop3A_344 = arith.muli %parallel_loop3A_332, %parallel_loop3A_343 : i32
        %parallel_loop3A_345 = arith.constant 9 : i32
        %parallel_loop3A_346 = arith.index_cast %parallel_loop3A_345 : i32 to index
        %parallel_loop3A_347 = arith.index_cast %parallel_loop3A_344 : i32 to index
        %parallel_loop3A_348 = tpu.vector_load %arg6[%parallel_loop3A_346, %parallel_loop3A_347] {strides = array<i32>} : memref<16x1024xf32, #tpu.memory_space<vmem>>, vector<16xf32>,
        tpu.vector_store_idx %arg9[%broadcast_in_dim3A_248, %parallel_loop3A_336], %parallel_loop3A_348 : memref<34x1156xf32, #tpu.memory_space<vmem>>[vector<16xi32>, vector<16xi32>], vector<16xf32>,
        %parallel_loop3A_349 = arith.constant 16 : i32
        %parallel_loop3A_350 = arith.muli %parallel_loop3A_332, %parallel_loop3A_349 : i32
        %parallel_loop3A_351 = arith.constant 10 : i32
        %parallel_loop3A_352 = arith.index_cast %parallel_loop3A_351 : i32 to index
        %parallel_loop3A_353 = arith.index_cast %parallel_loop3A_350 : i32 to index
        %parallel_loop3A_354 = tpu.vector_load %arg6[%parallel_loop3A_352, %parallel_loop3A_353] {strides = array<i32>} : memref<16x1024xf32, #tpu.memory_space<vmem>>, vector<16xf32>,
        tpu.vector_store_idx %arg9[%broadcast_in_dim3A_250, %parallel_loop3A_336], %parallel_loop3A_354 : memref<34x1156xf32, #tpu.memory_space<vmem>>[vector<16xi32>, vector<16xi32>], vector<16xf32>,
        %parallel_loop3A_355 = arith.constant 16 : i32
        %parallel_loop3A_356 = arith.muli %parallel_loop3A_332, %parallel_loop3A_355 : i32
        %parallel_loop3A_357 = arith.constant 11 : i32
        %parallel_loop3A_358 = arith.index_cast %parallel_loop3A_357 : i32 to index
        %parallel_loop3A_359 = arith.index_cast %parallel_loop3A_356 : i32 to index
        %parallel_loop3A_360 = tpu.vector_load %arg6[%parallel_loop3A_358, %parallel_loop3A_359] {strides = array<i32>} : memref<16x1024xf32, #tpu.memory_space<vmem>>, vector<16xf32>,
        tpu.vector_store_idx %arg9[%broadcast_in_dim3A_252, %parallel_loop3A_336], %parallel_loop3A_360 : memref<34x1156xf32, #tpu.memory_space<vmem>>[vector<16xi32>, vector<16xi32>], vector<16xf32>,
        %parallel_loop3A_361 = arith.constant 16 : i32
        %parallel_loop3A_362 = arith.muli %parallel_loop3A_332, %parallel_loop3A_361 : i32
        %parallel_loop3A_363 = arith.constant 12 : i32
        %parallel_loop3A_364 = arith.index_cast %parallel_loop3A_363 : i32 to index
        %parallel_loop3A_365 = arith.index_cast %parallel_loop3A_362 : i32 to index
        %parallel_loop3A_366 = tpu.vector_load %arg6[%parallel_loop3A_364, %parallel_loop3A_365] {strides = array<i32>} : memref<16x1024xf32, #tpu.memory_space<vmem>>, vector<16xf32>,
        tpu.vector_store_idx %arg9[%broadcast_in_dim3A_254, %parallel_loop3A_336], %parallel_loop3A_366 : memref<34x1156xf32, #tpu.memory_space<vmem>>[vector<16xi32>, vector<16xi32>], vector<16xf32>,
        %parallel_loop3A_367 = arith.constant 16 : i32
        %parallel_loop3A_368 = arith.muli %parallel_loop3A_332, %parallel_loop3A_367 : i32
        %parallel_loop3A_369 = arith.constant 13 : i32
        %parallel_loop3A_370 = arith.index_cast %parallel_loop3A_369 : i32 to index
        %parallel_loop3A_371 = arith.index_cast %parallel_loop3A_368 : i32 to index
        %parallel_loop3A_372 = tpu.vector_load %arg6[%parallel_loop3A_370, %parallel_loop3A_371] {strides = array<i32>} : memref<16x1024xf32, #tpu.memory_space<vmem>>, vector<16xf32>,
        tpu.vector_store_idx %arg9[%broadcast_in_dim3A_256, %parallel_loop3A_336], %parallel_loop3A_372 : memref<34x1156xf32, #tpu.memory_space<vmem>>[vector<16xi32>, vector<16xi32>], vector<16xf32>,
        %parallel_loop3A_373 = arith.constant 16 : i32
        %parallel_loop3A_374 = arith.muli %parallel_loop3A_332, %parallel_loop3A_373 : i32
        %parallel_loop3A_375 = arith.constant 14 : i32
        %parallel_loop3A_376 = arith.index_cast %parallel_loop3A_375 : i32 to index
        %parallel_loop3A_377 = arith.index_cast %parallel_loop3A_374 : i32 to index
        %parallel_loop3A_378 = tpu.vector_load %arg6[%parallel_loop3A_376, %parallel_loop3A_377] {strides = array<i32>} : memref<16x1024xf32, #tpu.memory_space<vmem>>, vector<16xf32>,
        tpu.vector_store_idx %arg9[%broadcast_in_dim3A_258, %parallel_loop3A_336], %parallel_loop3A_378 : memref<34x1156xf32, #tpu.memory_space<vmem>>[vector<16xi32>, vector<16xi32>], vector<16xf32>,
        %parallel_loop3A_379 = arith.constant 16 : i32
        %parallel_loop3A_380 = arith.muli %parallel_loop3A_332, %parallel_loop3A_379 : i32
        %parallel_loop3A_381 = arith.constant 15 : i32
        %parallel_loop3A_382 = arith.index_cast %parallel_loop3A_381 : i32 to index
        %parallel_loop3A_383 = arith.index_cast %parallel_loop3A_380 : i32 to index
        %parallel_loop3A_384 = tpu.vector_load %arg6[%parallel_loop3A_382, %parallel_loop3A_383] {strides = array<i32>} : memref<16x1024xf32, #tpu.memory_space<vmem>>, vector<16xf32>,
        tpu.vector_store_idx %arg9[%broadcast_in_dim3A_260, %parallel_loop3A_336], %parallel_loop3A_384 : memref<34x1156xf32, #tpu.memory_space<vmem>>[vector<16xi32>, vector<16xi32>], vector<16xf32>,
      } {sc.loop_unroll_factor = 4 : i64, sc.parallel_access}
      %dma_wait3A_264 = arith.constant 0 : i32
      %dma_wait3A_265 = arith.constant 0 : i32
      %dma_wait3A_266 = tpu.memref_slice %arg2[%dma_wait3A_264, %dma_wait3A_265] : memref<16384x1024xf32, #tpu.memory_space<hbm>> -> memref<16x1024xf32, #tpu.memory_space<hbm>>
      %dma_wait3A_267 = arith.constant 0 : i32
      %dma_wait3A_268 = arith.constant 0 : i32
      %dma_wait3A_269 = tpu.memref_slice %arg2[%dma_wait3A_267, %dma_wait3A_268] : memref<16384x1024xf32, #tpu.memory_space<hbm>> -> memref<16x1024xf32, #tpu.memory_space<hbm>>
      tpu.wait_dma2 semaphore(%arg12 : memref<!tpu.dma_semaphore, #tpu.memory_space<semaphore_mem>>) src(%dma_wait3A_269 : memref<16x1024xf32, #tpu.memory_space<hbm>>) dst(%arg7 : memref<16x1024xf32, #tpu.memory_space<vmem>>)
      %lt3A_270 = arith.constant 7 : i32
      %lt3A_271 = arith.cmpi slt, %scan3A_68, %lt3A_270 : i32
      %convert_element_type3A_272 = arith.extui %lt3A_271 : i1 to i32
      %cond3A_273 = arith.constant 0 : i32
      %cond3A_274 = arith.cmpi ne, %convert_element_type3A_272, %cond3A_273 : i32
      scf.if %cond3A_274 {
        %add3A_332 = arith.constant 1 : i32
        %add3A_333 = arith.addi %add3A_205, %add3A_332 : i32
        %mul3A_334 = arith.constant 32 : i32
        %mul3A_335 = arith.muli %add3A_333, %mul3A_334 : i32
        %add3A_336 = arith.addi %add3A_35, %mul3A_335 : i32
        %add3A_337 = arith.constant 0 : i32
        %add3A_338 = arith.addi %add3A_336, %add3A_337 : i32
        %dma_start3A_339 = arith.constant 0 : i32
        %dma_start3A_340 = tpu.memref_slice %arg2[%add3A_338, %dma_start3A_339] : memref<16384x1024xf32, #tpu.memory_space<hbm>> -> memref<16x1024xf32, #tpu.memory_space<hbm>>
        %dma_start3A_341 = arith.constant 0 : i32
        %dma_start3A_342 = tpu.memref_slice %arg2[%add3A_338, %dma_start3A_341] : memref<16384x1024xf32, #tpu.memory_space<hbm>> -> memref<16x1024xf32, #tpu.memory_space<hbm>>
        tpu.enqueue_dma source(%dma_start3A_342 : memref<16x1024xf32, #tpu.memory_space<hbm>>) target(%arg6 : memref<16x1024xf32, #tpu.memory_space<vmem>>) target_semaphore(%arg11 : memref<!tpu.dma_semaphore, #tpu.memory_space<semaphore_mem>>)
      } else {
      }
      %broadcast_in_dim3A_275 = arith.constant 18 : i32
      %broadcast_in_dim3A_276 = vector.broadcast %broadcast_in_dim3A_275 : i32 to vector<16xi32>
      %broadcast_in_dim3A_277 = arith.constant 19 : i32
      %broadcast_in_dim3A_278 = vector.broadcast %broadcast_in_dim3A_277 : i32 to vector<16xi32>
      %broadcast_in_dim3A_279 = arith.constant 20 : i32
      %broadcast_in_dim3A_280 = vector.broadcast %broadcast_in_dim3A_279 : i32 to vector<16xi32>
      %broadcast_in_dim3A_281 = arith.constant 21 : i32
      %broadcast_in_dim3A_282 = vector.broadcast %broadcast_in_dim3A_281 : i32 to vector<16xi32>
      %broadcast_in_dim3A_283 = arith.constant 22 : i32
      %broadcast_in_dim3A_284 = vector.broadcast %broadcast_in_dim3A_283 : i32 to vector<16xi32>
      %broadcast_in_dim3A_285 = arith.constant 23 : i32
      %broadcast_in_dim3A_286 = vector.broadcast %broadcast_in_dim3A_285 : i32 to vector<16xi32>
      %broadcast_in_dim3A_287 = arith.constant 24 : i32
      %broadcast_in_dim3A_288 = vector.broadcast %broadcast_in_dim3A_287 : i32 to vector<16xi32>
      %broadcast_in_dim3A_289 = arith.constant 25 : i32
      %broadcast_in_dim3A_290 = vector.broadcast %broadcast_in_dim3A_289 : i32 to vector<16xi32>
      %parallel_loop3A_291 = arith.constant 0 : i32
      %parallel_loop3A_292 = arith.constant 64 : i32
      %parallel_loop3A_293 = arith.constant 1 : i32
      scf.for %parallel_loop3A_332 = %parallel_loop3A_291 to %parallel_loop3A_292 step %parallel_loop3A_293  : i32 {
        %parallel_loop3A_333 = arith.constant 16 : i32
        %parallel_loop3A_334 = arith.muli %parallel_loop3A_332, %parallel_loop3A_333 : i32
        %parallel_loop3A_335 = arith.index_cast %parallel_loop3A_334 : i32 to index
        %parallel_loop3A_336 = tpu.vector_load %arg10[%parallel_loop3A_335] {strides = array<i32>} : memref<1024xi32, #tpu.memory_space<vmem>>, vector<16xi32>,
        %parallel_loop3A_337 = arith.constant 16 : i32
        %parallel_loop3A_338 = arith.muli %parallel_loop3A_332, %parallel_loop3A_337 : i32
        %parallel_loop3A_339 = arith.constant 0 : i32
        %parallel_loop3A_340 = arith.index_cast %parallel_loop3A_339 : i32 to index
        %parallel_loop3A_341 = arith.index_cast %parallel_loop3A_338 : i32 to index
        %parallel_loop3A_342 = tpu.vector_load %arg7[%parallel_loop3A_340, %parallel_loop3A_341] {strides = array<i32>} : memref<16x1024xf32, #tpu.memory_space<vmem>>, vector<16xf32>,
        tpu.vector_store_idx %arg9[%broadcast_in_dim3A_276, %parallel_loop3A_336], %parallel_loop3A_342 : memref<34x1156xf32, #tpu.memory_space<vmem>>[vector<16xi32>, vector<16xi32>], vector<16xf32>,
        %parallel_loop3A_343 = arith.constant 16 : i32
        %parallel_loop3A_344 = arith.muli %parallel_loop3A_332, %parallel_loop3A_343 : i32
        %parallel_loop3A_345 = arith.constant 1 : i32
        %parallel_loop3A_346 = arith.index_cast %parallel_loop3A_345 : i32 to index
        %parallel_loop3A_347 = arith.index_cast %parallel_loop3A_344 : i32 to index
        %parallel_loop3A_348 = tpu.vector_load %arg7[%parallel_loop3A_346, %parallel_loop3A_347] {strides = array<i32>} : memref<16x1024xf32, #tpu.memory_space<vmem>>, vector<16xf32>,
        tpu.vector_store_idx %arg9[%broadcast_in_dim3A_278, %parallel_loop3A_336], %parallel_loop3A_348 : memref<34x1156xf32, #tpu.memory_space<vmem>>[vector<16xi32>, vector<16xi32>], vector<16xf32>,
        %parallel_loop3A_349 = arith.constant 16 : i32
        %parallel_loop3A_350 = arith.muli %parallel_loop3A_332, %parallel_loop3A_349 : i32
        %parallel_loop3A_351 = arith.constant 2 : i32
        %parallel_loop3A_352 = arith.index_cast %parallel_loop3A_351 : i32 to index
        %parallel_loop3A_353 = arith.index_cast %parallel_loop3A_350 : i32 to index
        %parallel_loop3A_354 = tpu.vector_load %arg7[%parallel_loop3A_352, %parallel_loop3A_353] {strides = array<i32>} : memref<16x1024xf32, #tpu.memory_space<vmem>>, vector<16xf32>,
        tpu.vector_store_idx %arg9[%broadcast_in_dim3A_280, %parallel_loop3A_336], %parallel_loop3A_354 : memref<34x1156xf32, #tpu.memory_space<vmem>>[vector<16xi32>, vector<16xi32>], vector<16xf32>,
        %parallel_loop3A_355 = arith.constant 16 : i32
        %parallel_loop3A_356 = arith.muli %parallel_loop3A_332, %parallel_loop3A_355 : i32
        %parallel_loop3A_357 = arith.constant 3 : i32
        %parallel_loop3A_358 = arith.index_cast %parallel_loop3A_357 : i32 to index
        %parallel_loop3A_359 = arith.index_cast %parallel_loop3A_356 : i32 to index
        %parallel_loop3A_360 = tpu.vector_load %arg7[%parallel_loop3A_358, %parallel_loop3A_359] {strides = array<i32>} : memref<16x1024xf32, #tpu.memory_space<vmem>>, vector<16xf32>,
        tpu.vector_store_idx %arg9[%broadcast_in_dim3A_282, %parallel_loop3A_336], %parallel_loop3A_360 : memref<34x1156xf32, #tpu.memory_space<vmem>>[vector<16xi32>, vector<16xi32>], vector<16xf32>,
        %parallel_loop3A_361 = arith.constant 16 : i32
        %parallel_loop3A_362 = arith.muli %parallel_loop3A_332, %parallel_loop3A_361 : i32
        %parallel_loop3A_363 = arith.constant 4 : i32
        %parallel_loop3A_364 = arith.index_cast %parallel_loop3A_363 : i32 to index
        %parallel_loop3A_365 = arith.index_cast %parallel_loop3A_362 : i32 to index
        %parallel_loop3A_366 = tpu.vector_load %arg7[%parallel_loop3A_364, %parallel_loop3A_365] {strides = array<i32>} : memref<16x1024xf32, #tpu.memory_space<vmem>>, vector<16xf32>,
        tpu.vector_store_idx %arg9[%broadcast_in_dim3A_284, %parallel_loop3A_336], %parallel_loop3A_366 : memref<34x1156xf32, #tpu.memory_space<vmem>>[vector<16xi32>, vector<16xi32>], vector<16xf32>,
        %parallel_loop3A_367 = arith.constant 16 : i32
        %parallel_loop3A_368 = arith.muli %parallel_loop3A_332, %parallel_loop3A_367 : i32
        %parallel_loop3A_369 = arith.constant 5 : i32
        %parallel_loop3A_370 = arith.index_cast %parallel_loop3A_369 : i32 to index
        %parallel_loop3A_371 = arith.index_cast %parallel_loop3A_368 : i32 to index
        %parallel_loop3A_372 = tpu.vector_load %arg7[%parallel_loop3A_370, %parallel_loop3A_371] {strides = array<i32>} : memref<16x1024xf32, #tpu.memory_space<vmem>>, vector<16xf32>,
        tpu.vector_store_idx %arg9[%broadcast_in_dim3A_286, %parallel_loop3A_336], %parallel_loop3A_372 : memref<34x1156xf32, #tpu.memory_space<vmem>>[vector<16xi32>, vector<16xi32>], vector<16xf32>,
        %parallel_loop3A_373 = arith.constant 16 : i32
        %parallel_loop3A_374 = arith.muli %parallel_loop3A_332, %parallel_loop3A_373 : i32
        %parallel_loop3A_375 = arith.constant 6 : i32
        %parallel_loop3A_376 = arith.index_cast %parallel_loop3A_375 : i32 to index
        %parallel_loop3A_377 = arith.index_cast %parallel_loop3A_374 : i32 to index
        %parallel_loop3A_378 = tpu.vector_load %arg7[%parallel_loop3A_376, %parallel_loop3A_377] {strides = array<i32>} : memref<16x1024xf32, #tpu.memory_space<vmem>>, vector<16xf32>,
        tpu.vector_store_idx %arg9[%broadcast_in_dim3A_288, %parallel_loop3A_336], %parallel_loop3A_378 : memref<34x1156xf32, #tpu.memory_space<vmem>>[vector<16xi32>, vector<16xi32>], vector<16xf32>,
        %parallel_loop3A_379 = arith.constant 16 : i32
        %parallel_loop3A_380 = arith.muli %parallel_loop3A_332, %parallel_loop3A_379 : i32
        %parallel_loop3A_381 = arith.constant 7 : i32
        %parallel_loop3A_382 = arith.index_cast %parallel_loop3A_381 : i32 to index
        %parallel_loop3A_383 = arith.index_cast %parallel_loop3A_380 : i32 to index
        %parallel_loop3A_384 = tpu.vector_load %arg7[%parallel_loop3A_382, %parallel_loop3A_383] {strides = array<i32>} : memref<16x1024xf32, #tpu.memory_space<vmem>>, vector<16xf32>,
        tpu.vector_store_idx %arg9[%broadcast_in_dim3A_290, %parallel_loop3A_336], %parallel_loop3A_384 : memref<34x1156xf32, #tpu.memory_space<vmem>>[vector<16xi32>, vector<16xi32>], vector<16xf32>,
      } {sc.loop_unroll_factor = 4 : i64, sc.parallel_access}
      %broadcast_in_dim3A_294 = arith.constant 26 : i32
      %broadcast_in_dim3A_295 = vector.broadcast %broadcast_in_dim3A_294 : i32 to vector<16xi32>
      %broadcast_in_dim3A_296 = arith.constant 27 : i32
      %broadcast_in_dim3A_297 = vector.broadcast %broadcast_in_dim3A_296 : i32 to vector<16xi32>
      %broadcast_in_dim3A_298 = arith.constant 28 : i32
      %broadcast_in_dim3A_299 = vector.broadcast %broadcast_in_dim3A_298 : i32 to vector<16xi32>
      %broadcast_in_dim3A_300 = arith.constant 29 : i32
      %broadcast_in_dim3A_301 = vector.broadcast %broadcast_in_dim3A_300 : i32 to vector<16xi32>
      %broadcast_in_dim3A_302 = arith.constant 30 : i32
      %broadcast_in_dim3A_303 = vector.broadcast %broadcast_in_dim3A_302 : i32 to vector<16xi32>
      %broadcast_in_dim3A_304 = arith.constant 31 : i32
      %broadcast_in_dim3A_305 = vector.broadcast %broadcast_in_dim3A_304 : i32 to vector<16xi32>
      %broadcast_in_dim3A_306 = arith.constant 32 : i32
      %broadcast_in_dim3A_307 = vector.broadcast %broadcast_in_dim3A_306 : i32 to vector<16xi32>
      %broadcast_in_dim3A_308 = arith.constant 33 : i32
      %broadcast_in_dim3A_309 = vector.broadcast %broadcast_in_dim3A_308 : i32 to vector<16xi32>
      %parallel_loop3A_310 = arith.constant 0 : i32
      %parallel_loop3A_311 = arith.constant 64 : i32
      %parallel_loop3A_312 = arith.constant 1 : i32
      scf.for %parallel_loop3A_332 = %parallel_loop3A_310 to %parallel_loop3A_311 step %parallel_loop3A_312  : i32 {
        %parallel_loop3A_333 = arith.constant 16 : i32
        %parallel_loop3A_334 = arith.muli %parallel_loop3A_332, %parallel_loop3A_333 : i32
        %parallel_loop3A_335 = arith.index_cast %parallel_loop3A_334 : i32 to index
        %parallel_loop3A_336 = tpu.vector_load %arg10[%parallel_loop3A_335] {strides = array<i32>} : memref<1024xi32, #tpu.memory_space<vmem>>, vector<16xi32>,
        %parallel_loop3A_337 = arith.constant 16 : i32
        %parallel_loop3A_338 = arith.muli %parallel_loop3A_332, %parallel_loop3A_337 : i32
        %parallel_loop3A_339 = arith.constant 8 : i32
        %parallel_loop3A_340 = arith.index_cast %parallel_loop3A_339 : i32 to index
        %parallel_loop3A_341 = arith.index_cast %parallel_loop3A_338 : i32 to index
        %parallel_loop3A_342 = tpu.vector_load %arg7[%parallel_loop3A_340, %parallel_loop3A_341] {strides = array<i32>} : memref<16x1024xf32, #tpu.memory_space<vmem>>, vector<16xf32>,
        tpu.vector_store_idx %arg9[%broadcast_in_dim3A_295, %parallel_loop3A_336], %parallel_loop3A_342 : memref<34x1156xf32, #tpu.memory_space<vmem>>[vector<16xi32>, vector<16xi32>], vector<16xf32>,
        %parallel_loop3A_343 = arith.constant 16 : i32
        %parallel_loop3A_344 = arith.muli %parallel_loop3A_332, %parallel_loop3A_343 : i32
        %parallel_loop3A_345 = arith.constant 9 : i32
        %parallel_loop3A_346 = arith.index_cast %parallel_loop3A_345 : i32 to index
        %parallel_loop3A_347 = arith.index_cast %parallel_loop3A_344 : i32 to index
        %parallel_loop3A_348 = tpu.vector_load %arg7[%parallel_loop3A_346, %parallel_loop3A_347] {strides = array<i32>} : memref<16x1024xf32, #tpu.memory_space<vmem>>, vector<16xf32>,
        tpu.vector_store_idx %arg9[%broadcast_in_dim3A_297, %parallel_loop3A_336], %parallel_loop3A_348 : memref<34x1156xf32, #tpu.memory_space<vmem>>[vector<16xi32>, vector<16xi32>], vector<16xf32>,
        %parallel_loop3A_349 = arith.constant 16 : i32
        %parallel_loop3A_350 = arith.muli %parallel_loop3A_332, %parallel_loop3A_349 : i32
        %parallel_loop3A_351 = arith.constant 10 : i32
        %parallel_loop3A_352 = arith.index_cast %parallel_loop3A_351 : i32 to index
        %parallel_loop3A_353 = arith.index_cast %parallel_loop3A_350 : i32 to index
        %parallel_loop3A_354 = tpu.vector_load %arg7[%parallel_loop3A_352, %parallel_loop3A_353] {strides = array<i32>} : memref<16x1024xf32, #tpu.memory_space<vmem>>, vector<16xf32>,
        tpu.vector_store_idx %arg9[%broadcast_in_dim3A_299, %parallel_loop3A_336], %parallel_loop3A_354 : memref<34x1156xf32, #tpu.memory_space<vmem>>[vector<16xi32>, vector<16xi32>], vector<16xf32>,
        %parallel_loop3A_355 = arith.constant 16 : i32
        %parallel_loop3A_356 = arith.muli %parallel_loop3A_332, %parallel_loop3A_355 : i32
        %parallel_loop3A_357 = arith.constant 11 : i32
        %parallel_loop3A_358 = arith.index_cast %parallel_loop3A_357 : i32 to index
        %parallel_loop3A_359 = arith.index_cast %parallel_loop3A_356 : i32 to index
        %parallel_loop3A_360 = tpu.vector_load %arg7[%parallel_loop3A_358, %parallel_loop3A_359] {strides = array<i32>} : memref<16x1024xf32, #tpu.memory_space<vmem>>, vector<16xf32>,
        tpu.vector_store_idx %arg9[%broadcast_in_dim3A_301, %parallel_loop3A_336], %parallel_loop3A_360 : memref<34x1156xf32, #tpu.memory_space<vmem>>[vector<16xi32>, vector<16xi32>], vector<16xf32>,
        %parallel_loop3A_361 = arith.constant 16 : i32
        %parallel_loop3A_362 = arith.muli %parallel_loop3A_332, %parallel_loop3A_361 : i32
        %parallel_loop3A_363 = arith.constant 12 : i32
        %parallel_loop3A_364 = arith.index_cast %parallel_loop3A_363 : i32 to index
        %parallel_loop3A_365 = arith.index_cast %parallel_loop3A_362 : i32 to index
        %parallel_loop3A_366 = tpu.vector_load %arg7[%parallel_loop3A_364, %parallel_loop3A_365] {strides = array<i32>} : memref<16x1024xf32, #tpu.memory_space<vmem>>, vector<16xf32>,
        tpu.vector_store_idx %arg9[%broadcast_in_dim3A_303, %parallel_loop3A_336], %parallel_loop3A_366 : memref<34x1156xf32, #tpu.memory_space<vmem>>[vector<16xi32>, vector<16xi32>], vector<16xf32>,
        %parallel_loop3A_367 = arith.constant 16 : i32
        %parallel_loop3A_368 = arith.muli %parallel_loop3A_332, %parallel_loop3A_367 : i32
        %parallel_loop3A_369 = arith.constant 13 : i32
        %parallel_loop3A_370 = arith.index_cast %parallel_loop3A_369 : i32 to index
        %parallel_loop3A_371 = arith.index_cast %parallel_loop3A_368 : i32 to index
        %parallel_loop3A_372 = tpu.vector_load %arg7[%parallel_loop3A_370, %parallel_loop3A_371] {strides = array<i32>} : memref<16x1024xf32, #tpu.memory_space<vmem>>, vector<16xf32>,
        tpu.vector_store_idx %arg9[%broadcast_in_dim3A_305, %parallel_loop3A_336], %parallel_loop3A_372 : memref<34x1156xf32, #tpu.memory_space<vmem>>[vector<16xi32>, vector<16xi32>], vector<16xf32>,
        %parallel_loop3A_373 = arith.constant 16 : i32
        %parallel_loop3A_374 = arith.muli %parallel_loop3A_332, %parallel_loop3A_373 : i32
        %parallel_loop3A_375 = arith.constant 14 : i32
        %parallel_loop3A_376 = arith.index_cast %parallel_loop3A_375 : i32 to index
        %parallel_loop3A_377 = arith.index_cast %parallel_loop3A_374 : i32 to index
        %parallel_loop3A_378 = tpu.vector_load %arg7[%parallel_loop3A_376, %parallel_loop3A_377] {strides = array<i32>} : memref<16x1024xf32, #tpu.memory_space<vmem>>, vector<16xf32>,
        tpu.vector_store_idx %arg9[%broadcast_in_dim3A_307, %parallel_loop3A_336], %parallel_loop3A_378 : memref<34x1156xf32, #tpu.memory_space<vmem>>[vector<16xi32>, vector<16xi32>], vector<16xf32>,
        %parallel_loop3A_379 = arith.constant 16 : i32
        %parallel_loop3A_380 = arith.muli %parallel_loop3A_332, %parallel_loop3A_379 : i32
        %parallel_loop3A_381 = arith.constant 15 : i32
        %parallel_loop3A_382 = arith.index_cast %parallel_loop3A_381 : i32 to index
        %parallel_loop3A_383 = arith.index_cast %parallel_loop3A_380 : i32 to index
        %parallel_loop3A_384 = tpu.vector_load %arg7[%parallel_loop3A_382, %parallel_loop3A_383] {strides = array<i32>} : memref<16x1024xf32, #tpu.memory_space<vmem>>, vector<16xf32>,
        tpu.vector_store_idx %arg9[%broadcast_in_dim3A_309, %parallel_loop3A_336], %parallel_loop3A_384 : memref<34x1156xf32, #tpu.memory_space<vmem>>[vector<16xi32>, vector<16xi32>], vector<16xf32>,
      } {sc.loop_unroll_factor = 4 : i64, sc.parallel_access}
      %mul3A_313 = arith.constant 16 : i32
      %mul3A_314 = arith.muli %select_n3A_30, %mul3A_313 : i32
      %add3A_315 = arith.addi %mul3A_314, %add3A_205 : i32
      %ge3A_316 = arith.constant 5 : i32
      %ge3A_317 = arith.cmpi sge, %add3A_315, %ge3A_316 : i32
      %convert_element_type3A_318 = arith.extui %ge3A_317 : i1 to i32
      %add3A_319 = arith.addi %add3A_315, %convert_element_type3A_318 : i32
      %ge3A_320 = arith.constant 15 : i32
      %ge3A_321 = arith.cmpi sge, %add3A_315, %ge3A_320 : i32
      %convert_element_type3A_322 = arith.extui %ge3A_321 : i1 to i32
      %add3A_323 = arith.addi %add3A_319, %convert_element_type3A_322 : i32
      %mul3A_324 = arith.constant 34 : i32
      %mul3A_325 = arith.muli %add3A_323, %mul3A_324 : i32
      %dma_start3A_326 = arith.constant 0 : i32
      %dma_start3A_327 = tpu.memref_slice %arg5[%select_n3A, %mul3A_325, %dma_start3A_326] : memref<16x1160x1156xf32, #tpu.memory_space<hbm>> -> memref<1x34x1156xf32, #tpu.memory_space<hbm>>
      %dma_start3A_328 = tpu.memref_squeeze %dma_start3A_327 : memref<1x34x1156xf32, #tpu.memory_space<hbm>> -> memref<34x1156xf32, #tpu.memory_space<hbm>>
      %dma_start3A_329 = arith.constant 0 : i32
      %dma_start3A_330 = tpu.memref_slice %arg5[%select_n3A, %mul3A_325, %dma_start3A_329] : memref<16x1160x1156xf32, #tpu.memory_space<hbm>> -> memref<1x34x1156xf32, #tpu.memory_space<hbm>>
      %dma_start3A_331 = tpu.memref_squeeze %dma_start3A_330 : memref<1x34x1156xf32, #tpu.memory_space<hbm>> -> memref<34x1156xf32, #tpu.memory_space<hbm>>
      tpu.enqueue_dma source(%arg9 : memref<34x1156xf32, #tpu.memory_space<vmem>>) target(%dma_start3A_331 : memref<34x1156xf32, #tpu.memory_space<hbm>>) target_semaphore(%arg14 : memref<!tpu.dma_semaphore, #tpu.memory_space<semaphore_mem>>)
    }
    %scan3A_50 = arith.constant 8 : i32
    %dma_wait3A = arith.constant 0 : i32
    %dma_wait3A_51 = arith.constant 0 : i32
    %dma_wait3A_52 = arith.constant 0 : i32
    %dma_wait3A_53 = tpu.memref_slice %arg5[%dma_wait3A, %dma_wait3A_51, %dma_wait3A_52] : memref<16x1160x1156xf32, #tpu.memory_space<hbm>> -> memref<1x34x1156xf32, #tpu.memory_space<hbm>>
    %dma_wait3A_54 = tpu.memref_squeeze %dma_wait3A_53 : memref<1x34x1156xf32, #tpu.memory_space<hbm>> -> memref<34x1156xf32, #tpu.memory_space<hbm>>
    %dma_wait3A_55 = arith.constant 0 : i32
    %dma_wait3A_56 = arith.constant 0 : i32
    %dma_wait3A_57 = tpu.memref_slice %arg5[%dma_wait3A, %dma_wait3A_55, %dma_wait3A_56] : memref<16x1160x1156xf32, #tpu.memory_space<hbm>> -> memref<1x34x1156xf32, #tpu.memory_space<hbm>>
    %dma_wait3A_58 = tpu.memref_squeeze %dma_wait3A_57 : memref<1x34x1156xf32, #tpu.memory_space<hbm>> -> memref<34x1156xf32, #tpu.memory_space<hbm>>
    tpu.wait_dma2 semaphore(%arg13 : memref<!tpu.dma_semaphore, #tpu.memory_space<semaphore_mem>>) src(%arg8 : memref<34x1156xf32, #tpu.memory_space<vmem>>) dst(%dma_wait3A_58 : memref<34x1156xf32, #tpu.memory_space<hbm>>)
    %dma_wait3A_59 = arith.constant 0 : i32
    %dma_wait3A_60 = arith.constant 0 : i32
    %dma_wait3A_61 = arith.constant 0 : i32
    %dma_wait3A_62 = tpu.memref_slice %arg5[%dma_wait3A_59, %dma_wait3A_60, %dma_wait3A_61] : memref<16x1160x1156xf32, #tpu.memory_space<hbm>> -> memref<1x34x1156xf32, #tpu.memory_space<hbm>>
    %dma_wait3A_63 = tpu.memref_squeeze %dma_wait3A_62 : memref<1x34x1156xf32, #tpu.memory_space<hbm>> -> memref<34x1156xf32, #tpu.memory_space<hbm>>
    %dma_wait3A_64 = arith.constant 0 : i32
    %dma_wait3A_65 = arith.constant 0 : i32
    %dma_wait3A_66 = tpu.memref_slice %arg5[%dma_wait3A_59, %dma_wait3A_64, %dma_wait3A_65] : memref<16x1160x1156xf32, #tpu.memory_space<hbm>> -> memref<1x34x1156xf32, #tpu.memory_space<hbm>>
    %dma_wait3A_67 = tpu.memref_squeeze %dma_wait3A_66 : memref<1x34x1156xf32, #tpu.memory_space<hbm>> -> memref<34x1156xf32, #tpu.memory_space<hbm>>
    tpu.wait_dma2 semaphore(%arg14 : memref<!tpu.dma_semaphore, #tpu.memory_space<semaphore_mem>>) src(%arg9 : memref<34x1156xf32, #tpu.memory_space<vmem>>) dst(%dma_wait3A_67 : memref<34x1156xf32, #tpu.memory_space<hbm>>)
    return
  }
}

</mosaic_0001>

<sc_bundles>
// kernel: kernel.3.cloned.1.call-start
scs
__scs_entry_jumppad:
0x0: {  	(pc) =	sbr.rel $0x88, $3  }
0x1: {  	(tag) =	ssettag $0x0;
	lr =	simm.s32 $0x1  }
0x2: {  	[smem:$0x3FA0] =	sst lr;
	_ =	strace $0xD0000000  }
0x3: {  	_ = 	snop  }
0x4: {  	_ = 	snop  }
0x5: {  	_ = 	snop  }
0x6: {  	_ = 	snop  }
0x7: {  	_ = 	snop  }
__scs_overlays_trampoline_lowered:
0x8: {  	[smem:$0x3FAF] =	sst s0  }
0x9: {  	[smem:$0x3FB0] =	sst s1  }
0xa: {  	[smem:$0x3FB1] =	sst s2  }
0xb: {  	[smem:$0x3FB2] =	sst s3  }
0xc: {  	[smem:$0x3FB3] =	sst s4  }
0xd: {  	[smem:$0x3FB4] =	sst s5  }
0xe: {  	[smem:$0x3FB5] =	sst s6  }
0xf: {  	[smem:$0x3FB6] =	sst s7  }
0x10: {  	[smem:$0x3FB7] =	sst s8  }
0x11: {  	[smem:$0x3FB8] =	sst s9;
	s0 =	simm.s32 @!p0 $0x0  }
0x12: {  	s1 =	sld [smem:$0x3F9E];
	s0 =	simm.s32 @p0 $0x1  }
0x13: {  	[smem:$0x3FB9] =	sst s0;
	s0 =	simm.s32 @!p1 $0x0  }
0x14: {  	s2 =	sld [smem:$0x3F9D];
	s0 =	simm.s32 @p1 $0x1  }
0x15: {  	[smem:$0x3FBA] =	sst s0;
	s0 =	simm.s32 @!p2 $0x0  }
0x16: {  	s3 =	sld [smem:$0x3FDB];
	s0 =	simm.s32 @p2 $0x1  }
0x17: {  	s4 =	simm.s32 $0x1BF5;
	[smem:$0x3FBC] =	sst s0  }
0x18: {  	s0 =	sld [smem:$0x3F9F];
	_ =	swait.ge [sflag:s4], $0x0  }
0x19: {  	s7 =	sld [smem:$0x3FA0]  }
0x1a: {  	s8 =	sadd.s32 $0xFFFFE003, lr  }
0x1b: {  	s9 =	sadd.s32 $0xFFFFFEF7, lr;
	s5 =	simm.s32 $0xFFFFFFFF;
	p2 =	slt.u32 s8, $0xFFFFF086  }
0x1c: {  	p1 =	slt.u32 s9, $0xF7A;
	s5 =	simm.s32 @!p2 $0x0  }
0x1d: {  	s5 =	simm.s32 @p1 $0x1;
	p0 =	seq.s32 s7, s2  }
0x1e: {  	s7 =	smul.u32 @!p0 $0xF7A, s2;
	p2 =	seq.s32 @!p0 s5, $0x0  }
0x1f: {  	s9 =	smul.u32 $0xF7A, s1;
	s8 =	simm.s32 @!p0 $0x1BF5;
	p2 =	por !p2, p0  }
0x20: {  	[sflag:s8] =	ssyncset.s32 @!p0 $0xFFFFF086;
	s6 =	sadd.s32 @!p0 s3, s7;
	s7 =	simm.s32 @!p0 $0x108  }
0x21: {  	s3 =	sadd.s32 s3, s9;
	s6 =	sadd.s32 @!p0 $0x88, s6;
	s7 =	simm.s32 @p2 $0x1082  }
0x22: {  	[simem:s7], [sflag:s8] =	dma.local @!p0 [hbm:s6], $0xF7A  }
0x23: {  	s9 =	sor.u32 $0xD0000000, s2;
	s6 =	simm.s32 $0x108;
	_ =	swait.ge @!p0 [sflag:s8], $0x0  }
0x24: {  	s3 =	sadd.s32 $0x88, s3;
	s6 =	simm.s32 @!p1 $0x1082;
	[sflag:s4] =	ssyncset.s32 $0xFFFFF086  }
0x25: {  	[simem:s6], [sflag:s4] =	dma.local [hbm:s3], $0xF7A  }
0x26: {  	[smem:$0x3FA0] =	sst s1;
	(tag) =	ssettag s2;
	_ =	strace s9  }
0x27: {  	s1 =	sld [smem:$0x3FB0]  }
0x28: {  	s2 =	sld [smem:$0x3FB1]  }
0x29: {  	s4 =	sld [smem:$0x3FB3]  }
0x2a: {  	p0 =	seq.s32 s5, $0x0;
	s5 =	sld [smem:$0x3FB4]  }
0x2b: {  	s6 =	sld [smem:$0x3FB5]  }
0x2c: {  	s7 =	sld [smem:$0x3FB6]  }
0x2d: {  	s3 =	simm.s32 $0x108;
	s8 =	sld [smem:$0x3FB7]  }
0x2e: {  	s3 =	simm.s32 @!p0 $0x1082;
	s9 =	sld [smem:$0x3FB8]  }
0x2f: {  	lr =	sadd.s32 s0, s3;
	s0 =	sld [smem:$0x3FAF]  }
0x30: {  	s3 =	sld [smem:$0x3FB2]  }
0x31: {  	[smem:$0x3FBB] =	sst s10  }
0x32: {  	s10 =	sld [smem:$0x3FB9];
	_ =	sdelay $0x3  }
0x33: {  	p0 =	seq.s32 s10, $0x1;
	s10 =	sld [smem:$0x3FBB];
	_ =	sdelay $0x3  }
0x34: {  	[smem:$0x3FBB] =	sst s10  }
0x35: {  	s10 =	sld [smem:$0x3FBA];
	_ =	sdelay $0x3  }
0x36: {  	p1 =	seq.s32 s10, $0x1;
	s10 =	sld [smem:$0x3FBB];
	_ =	sdelay $0x3  }
0x37: {  	[smem:$0x3FBB] =	sst s10  }
0x38: {  	s10 =	sld [smem:$0x3FBC]  }
0x39: {  	_ = 	snop;
	(pc) =	sbr.ind lr, $3  }
0x3a: {  	_ = 	snop  }
0x3b: {  	_ = 	snop  }
0x3c: {  	p2 =	seq.s32 s10, $0x1;
	s10 =	sld [smem:$0x3FBB]  }
0x3d: {  	_ =	shalt  }
0x3e: {  	_ =	shalt  }
0x3f: {  	_ =	shalt  }
0x40: {  	_ =	shalt  }
0x41: {  	_ =	shalt  }
0x42: {  	_ =	shalt  }
0x43: {  	_ =	shalt  }
0x44: {  	_ =	shalt  }
0x45: {  	_ =	shalt  }
0x46: {  	_ =	shalt  }
0x47: {  	_ =	shalt  }
0x48: {  	_ =	shalt  }
0x49: {  	_ =	shalt  }
0x4a: {  	_ =	shalt  }
0x4b: {  	_ =	shalt  }
0x4c: {  	_ =	shalt  }
0x4d: {  	_ =	shalt  }
0x4e: {  	_ =	shalt  }
0x4f: {  	_ =	shalt  }
0x50: {  	_ =	shalt  }
0x51: {  	_ =	shalt  }
0x52: {  	_ =	shalt  }
0x53: {  	_ =	shalt  }
0x54: {  	_ =	shalt  }
0x55: {  	_ =	shalt  }
0x56: {  	_ =	shalt  }
0x57: {  	_ =	shalt  }
0x58: {  	_ =	shalt  }
0x59: {  	_ =	shalt  }
0x5a: {  	_ =	shalt  }
0x5b: {  	_ =	shalt  }
0x5c: {  	_ =	shalt  }
0x5d: {  	_ =	shalt  }
0x5e: {  	_ =	shalt  }
0x5f: {  	_ =	shalt  }
0x60: {  	_ =	shalt  }
0x61: {  	_ =	shalt  }
0x62: {  	_ =	shalt  }
0x63: {  	_ =	shalt  }
0x64: {  	_ =	shalt  }
0x65: {  	_ =	shalt  }
0x66: {  	_ =	shalt  }
0x67: {  	_ =	shalt  }
0x68: {  	_ =	shalt  }
0x69: {  	_ =	shalt  }
0x6a: {  	_ =	shalt  }
0x6b: {  	_ =	shalt  }
0x6c: {  	_ =	shalt  }
0x6d: {  	_ =	shalt  }
0x6e: {  	_ =	shalt  }
0x6f: {  	_ =	shalt  }
0x70: {  	_ =	shalt  }
0x71: {  	_ =	shalt  }
0x72: {  	_ =	shalt  }
0x73: {  	_ =	shalt  }
0x74: {  	_ =	shalt  }
0x75: {  	_ =	shalt  }
0x76: {  	_ =	shalt  }
0x77: {  	_ =	shalt  }
0x78: {  	_ =	shalt  }
0x79: {  	_ =	shalt  }
0x7a: {  	_ =	shalt  }
0x7b: {  	_ =	shalt  }
0x7c: {  	_ =	shalt  }
0x7d: {  	_ =	shalt  }
0x7e: {  	_ =	shalt  }
0x7f: {  	_ =	shalt  }
0x80: {  	_ =	shalt  }
0x81: {  	_ =	shalt  }
0x82: {  	_ =	shalt  }
0x83: {  	_ =	shalt  }
0x84: {  	_ =	shalt  }
0x85: {  	_ =	shalt  }
0x86: {  	_ =	shalt  }
0x87: {  	_ =	shalt  }
.Lfunc_end0:
.L_simem_size_0:
called_computation.2_lowered:
.L_overlay_start_0:
0x88: {  	s2 =	sld [smem:$0x3FD9]  }
0x89: {  	s3 =	sld [smem:$0x3FFE];
	_ =	sdelay $0x1  }
0x8a: {  	s1 =	srdreg.scid  }
0x8b: {  	s0 =	sand.u32 $0x1, s1  }
0x8c: {  	s17 =	sshll.u32 s0, $0xA;
	s2 =	sadd.s32 s3, s2  }
0x8d: {  	s2 =	sadd.s32 s2, s17  }
0x8e: {  	[smem:$0x3FC7] =	sst s2  }
0x8f: {  	_ = 	snop  }
0x90: {  	s2 =	sld [smem:$0x3FD0];
	(tm) =	ssettm $0x1  }
0x91: {  	s18 =	sld [smem:$0x3FFB];
	_ =	sdelay $0x3  }
0x92: {  	_ =	strace s18  }
0x93: {  	s3 =	sld [smem:$0x3FFC];
	_ =	sdelay $0x3  }
0x94: {  	_ =	strace s3  }
0x95: {  	s3 =	sld [smem:$0x3FFD];
	_ =	sdelay $0x3  }
0x96: {  	_ =	strace s3  }
0x97: {  	_ =	strace $0x8FFFFFFF  }
0x98: {  	s19 =	sld [smem:$0x3FDB];
	_ =	sdelay $0x1  }
0x99: {  	s4 =	simm.s32 $_scs_section_size  }
0x9a: {  	s5 =	simm.s32 $_size__tile_overlayer_lowered;
	s6 =	simm.s32 $_tile_overlayer_lowered  }
0x9b: {  	s22 =	simm.s32 $0x1BFF;
	s21 =	sshll.u32 s6, $0x1;
	s3 =	sadd.s32 s4, s19  }
0x9c: {  	s7 =	simm.s32 $0x0;
	s20 =	sshll.u32 s5, $0x1;
	s5 =	sadd.s32 s21, s3  }
0x9d: {  	[timem:s7], [sflag:s22] =	dma.local [hbm:s5], s20  }
0x9e: {  	_ =	swait.ge [sflag:s22], s20  }
0x9f: {  	s4 =	ssub.s32 $0x0, s20;
	[sflag:s22] =	ssyncset.done $0x0  }
0xa0: {  	[sflag:s22] =	ssyncadd.s32 s4;
	_ =	sdelay $0x1  }
0xa1: {  	s23 =	simm.s32 $0x1B8B  }
0xa2: {  	_ =	swait.ge [sflag:s23], $0x1  }
0xa3: {  	[sflag:s23] =	ssyncset.done $0x0  }
0xa4: {  	s25 =	simm.s32 $0x1B8E;
	s24 =	sld [smem:$0x3FFE];
	[sflag:s23] =	ssyncadd.s32 $0xFFFFFFFF  }
0xa5: {  	s26 =	simm.s32 $execute0_lowered;
	[smem:$0x3FD2] =	sst s25  }
0xa6: {  	s5 =	sshll.u32 s26, $0x1;
	_ =	strace $0x80000049;
	[dreg:$0x1] =	wrdreg $0xFFFFFFFF  }
0xa7: {  	s28 =	simm.s32 $_size_execute0_lowered;
	s3 =	sadd.s32 s3, s5;
	[dreg:$0x0] =	wrdreg $0x0  }
0xa8: {  	s5 =	sshll.u32 s28, $0x1;
	[dreg:$0x2] =	wrdreg s3  }
0xa9: {  	[dreg:$0x3] =	wrdreg s5  }
0xaa: {  	[dreg:$0x4] =	wrdreg $0xC0  }
0xab: {  	_ =	task [dreg:s7], $0x5FFFF  }
0xac: {  	[dreg:$0x1] =	wrdreg $0xFFFFFFFF  }
0xad: {  	[dreg:$0x0] =	wrdreg $0x60  }
0xae: {  	[dreg:$0x2] =	wrdreg s24  }
0xaf: {  	[dreg:$0x3] =	wrdreg s2  }
0xb0: {  	[dreg:$0x4] =	wrdreg $0x9  }
0xb1: {  	_ =	task.clear_ibuf [dreg:s7], $0x5FFFF;
	_ =	strace $0x90000049  }
0xb2: {  	s29 =	simm.s32 $0x9;
	_ =	strace $0x8000004B  }
0xb3: {  	_ =	swait.ge [sflag:s29], $0x1  }
0xb4: {  	[sflag:s29] =	ssyncadd.s32 $0xFFFFFFFF  }
0xb5: {  	_ =	strace $0x9000004B  }
0xb6: {  	_ =	sfence  }
0xb7: {  	s30 =	sld [smem:$0x0];
	_ =	sdelay $0x2  }
0xb8: {  	s31 =	sshll.u32 s1, $0xD;
	s1 =	sshrl.u32 s1, $0x2  }
0xb9: {  	s3 =	sand.u32 $0x4000, s31;
	s1 =	sadd.s32 s1, s30  }
0xba: {  	s0 =	sor.u32 s3, s0;
	s1 =	sshll.u32 s1, $0x11  }
0xbb: {  	s0 =	sor.u32 s1, s0  }
0xbc: {  	s0 =	sadd.s32 $0x8F2B, s0  }
0xbd: {  	[sflag:s0] =	ssyncadd.remote.s32 $0x1  }
0xbe: {  	_ =	sfence.sel $0xFFFF  }
0xbf: {  	[dreg:$0x0] =	wrdreg $0xFFFFFFFF;
	(pc) =	sbr.abs _section_cstart, $3  }
0xc0: {  	[dreg:$0x1] =	wrdreg $0xFFFFFFFF  }
0xc1: {  	_ =	task.clear_ibuf [dreg:s7], $0x2FFFF;
	_ =	strace $0x9FFFFFFF  }
0xc2: {  	(tm) =	ssettm $0x7FFFFFFF  }
0xc3: {  	_ =	shalt  }
tec
execute0_lowered:
.L_overlay_start_1:
0x0: {  	(tag) =	ssettag $0x1  }
0x1: {  	s0 =	srdreg.scid  }
0x2: {  	s6 =	stileid.u32;
	s1 =	rddreg [dreg:$0x0]  }
0x3: {  	s2 =	rddreg [dreg:$0x1];
	s5 =	simm.s32 $0x1;
	s19 =	simm.s32 $0x5  }
0x4: {  	s20 =	simm.s32 $0x8000;
	s21 =	simm.s32 $0x11A10;
	s22 =	simm.s32 $0x4000  }
0x5: {  	s23 =	simm.s32 $0x2;
	s24 =	simm.s32 $0x3;
	s0 =	sand.u32 $0x1, s0  }
0x6: {  	s25 =	simm.s32 $0x4;
	s26 =	simm.s32 $0x0;
	s3 =	sor.u32 s0, s6  }
0x7: {  	s4 =	sadd.s32 $0xE00, s1;
	p1 =	seq.s32 s0, $0x1;
	p0 =	seq.s32 s3, $0x0  }
0x8: {  	s7 =	sadd.s32 $0x202200, s1;
	s14 =	sadd.s32 $0x1600, s1;
	p0 =	por !p0, !p1  }
0x9: {  	s8 =	ssub.s32 $0x2, s0;
	s10 =	sshll.u32 s0, $0x9;
	p0 =	por !p0, !p0  }
0xa: {  	s15 =	sshll.u32 s0, $0x4;
	s3 =	simm.s32 $0x0;
	s5 =	simm.s32 @!p0 $0x0  }
0xb: {  	s30 =	sshrl.u32 s8, $0x1;
	[smem:$0x7FF] =	sst s3;
	s5 =	ssub.s32 s6, s5  }
0xc: {  	_ =	strace $0x8000004A;
	[dreg:$0x3] =	wrdreg s7;
	s6 =	smul.u32 $0x148840, s5  }
0xd: {  	s7 =	sadd.s32 $0x200E00, s1;
	p0 =	sne.s32 s0, $0x0;
	s9 =	sshll.u32 s5, $0xA  }
0xe: {  	s5 =	ssub.s32 s8, s30;
	s10 =	sor.u32 s10, s9;
	s31 =	sshrl.u32 s6, $0x3  }
0xf: {  	s8 =	simm.s32 $0x1;
	s11 =	sshll.u32 s10, $0x7;
	s12 =	sadd.s32 s2, s31  }
0x10: {  	s16 =	smax.u32 s5, $0x1;
	s9 =	sand.u32 $0x1FFF0000, s11;
	s13 =	sadd.s32 $0x604A, s12  }
0x11: {  	s17 =	sor.u32 $0x2000, s11;
	s12 =	sadd.s32 $0x13420, s12;
	[dreg:$0x4] =	wrdreg s13  }
0x12: {  	[dreg:$0x5] =	wrdreg s12;
	s12 =	sadd.s32 s4, s9;
	s13 =	sshll.u32 s10, $0xA  }
.LBB2_1:
0x13: {  	s0 =	rddreg [dreg:$0x3];
	s1 =	simm.s32 $0x1B420  }
0x14: {  	[tilespmem:s1], [sflag:$0x5] =	stream.linear.gather [hbm4b:s0+s3], $0x400, $0x38;
	[tilespmem:$0x1B820] =	vst v63  }
0x15: {  	_ =	swait.ge [sflag:s19], $0x400  }
0x16: {  	[sflag:s19] =	ssyncset.done $0x0  }
0x17: {  	[sflag:s19] =	ssyncadd.s32 $0xFFFFFC00  }
0x18: {  	[tilespmem:s20], [sflag:$0x5] =	stream.linear.gather [hbm4b:s7+s3], $0x9A10, $0x38;
	[tilespmem:$0x1B820] =	vst v63  }
0x19: {  	_ =	swait.ge [sflag:s19], $0x9A10  }
0x1a: {  	[sflag:s19] =	ssyncset.done $0x0  }
0x1b: {  	[sflag:s19] =	ssyncadd.s32 $0xFFFF65F0  }
0x1c: {  	[tilespmem:s21], [sflag:$0x5] =	stream.linear.gather [hbm4b:s7+s3], $0x9A10, $0x38;
	[tilespmem:$0x1B820] =	vst v63  }
0x1d: {  	_ =	swait.ge [sflag:s19], $0x9A10  }
0x1e: {  	s0 =	simm.s32 @!p0 $0x0;
	[sflag:s19] =	ssyncset.done $0x0  }
0x1f: {  	s1 =	simm.s32 @!p0 $0x8000;
	s5 =	rddreg [dreg:$0x4];
	[sflag:s19] =	ssyncadd.s32 $0xFFFF65F0  }
0x20: {  	[hbm4b:s5+s0] =	stream.linear.scatter @!p0 [tilespmem:s1], [sflag:$0x5], $0x9A10, $0x38;
	[tilespmem:$0x1B820] =	vst v63  }
0x21: {  	s5 =	simm.s32 @!p0 $0x5  }
0x22: {  	_ =	swait.ge @!p0 [sflag:s5], $0x9A10  }
0x23: {  	[sflag:s5] =	ssyncset.done @!p0 $0x0  }
0x24: {  	s10 =	rddreg [dreg:$0x5];
	[sflag:s5] =	ssyncadd.s32 @!p0 $0xFFFF65F0  }
0x25: {  	[hbm4b:s10+s0] =	stream.linear.scatter @!p0 [tilespmem:s1], [sflag:$0x5], $0x9A10, $0x38;
	[tilespmem:$0x1B820] =	vst v63  }
0x26: {  	_ =	swait.ge @!p0 [sflag:s5], $0x9A10  }
0x27: {  	[sflag:s5] =	ssyncset.done @!p0 $0x0  }
0x28: {  	s28 =	simm.s32 $0x0;
	[sflag:s5] =	ssyncadd.s32 @!p0 $0xFFFF65F0  }
0x29: {  	[tilespmem:s3], [sflag:$0x1] =	stream.linear.gather [hbm4b:s12+s3], $0x4000, $0x38;
	[tilespmem:$0x1B820] =	vst v63  }
.LBB2_2:
0x2a: {  	s0 =	sshll.u32 s28, $0x10  }
0x2b: {  	_ =	swait.ge [sflag:s8], $0x4000;
	s0 =	sadd.s32 s13, s0  }
0x2c: {  	[sflag:s8] =	ssyncset.done $0x0;
	s0 =	sshrl.u32 s0, $0x3  }
0x2d: {  	p1 =	seq.s32 s28, $0x0;
	[sflag:s8] =	ssyncadd.s32 $0xFFFFC000;
	s0 =	sadd.s32 s0, s14  }
0x2e: {  	[tilespmem:s22], [sflag:$0x2] =	stream.linear.gather [hbm4b:s0+s3], $0x4000, $0x38;
	[tilespmem:$0x1B820] =	vst v63  }
0x2f: {  	s0 =	simm.s32 @!p1 $0x3  }
0x30: {  	_ =	swait.ge @!p1 [sflag:s0], $0x9A10  }
0x31: {  	[sflag:s0] =	ssyncset.done @!p1 $0x0  }
0x32: {  	s1 =	simm.s32 $0x1B440;
	[sflag:s0] =	ssyncadd.s32 @!p1 $0xFFFF65F0  }
0x33: {  	v4 =	vld [tilespmem:s1+$0x10]  }
0x34: {  	s5 =	simm.s32 $0x1000  }
0x35: {  	v0 =	vld [tilespmem:s5+$0xFFFFF030]  }
0x36: {  	v1 =	vld [tilespmem:s1+$0xFFFFFFF0]  }
0x37: {  	v2 =	vld [tilespmem:s1+$0xFFFFFFE0]  }
0x38: {  	v3 =	vld [tilespmem:s1+$0x0]  }
0x39: {  	v5 =	vld [tilespmem:s5+$0xFFFFF010]  }
0x3a: {  	v6 =	vld [tilespmem:s5+$0xFFFFF000]  }
0x3b: {  	[tilespmem:v4+s20+$0x0] =	vst.idx.msk $0xffff, v0  }
0x3c: {  	v7 =	vadd.s32 $0x488, v4;
	v0 =	vld [tilespmem:s5+$0xFFFFF430]  }
0x3d: {  	v8 =	vld [tilespmem:s5+$0xFFFFF020]  }
0x3e: {  	[tilespmem:v1+s20+$0x0] =	vst.idx.msk $0xffff, v5  }
0x3f: {  	v5 =	vadd.s32 $0x488, v1;
	[tilespmem:v2+s20+$0x0] =	vst.idx.msk $0xffff, v6;
	v6 =	vld [tilespmem:s5+$0xFFFFF410]  }
0x40: {  	v9 =	vadd.s32 $0x488, v2;
	v10 =	vld [tilespmem:s5+$0xFFFFF400]  }
0x41: {  	[tilespmem:v7+s20+$0x0] =	vst.idx.msk $0xffff, v0  }
0x42: {  	[tilespmem:v3+s20+$0x0] =	vst.idx.msk $0xffff, v8;
	v7 =	vadd.s32 $0x910, v4;
	v0 =	vld [tilespmem:s5+$0xFFFFF830]  }
0x43: {  	v8 =	vadd.s32 $0x488, v3;
	v11 =	vld [tilespmem:s5+$0xFFFFF420]  }
0x44: {  	[tilespmem:v5+s20+$0x0] =	vst.idx.msk $0xffff, v6  }
0x45: {  	v5 =	vadd.s32 $0x910, v1;
	[tilespmem:v9+s20+$0x0] =	vst.idx.msk $0xffff, v10;
	v6 =	vld [tilespmem:s5+$0xFFFFF810]  }
0x46: {  	v9 =	vadd.s32 $0x910, v2;
	v10 =	vld [tilespmem:s5+$0xFFFFF800]  }
0x47: {  	[tilespmem:v7+s20+$0x0] =	vst.idx.msk $0xffff, v0  }
0x48: {  	[tilespmem:v8+s20+$0x0] =	vst.idx.msk $0xffff, v11;
	v7 =	vadd.s32 $0xD98, v4;
	v0 =	vld [tilespmem:s5+$0xFFFFFC30]  }
0x49: {  	s0 =	simm.s32 $0x1B480;
	v8 =	vadd.s32 $0x910, v3;
	v11 =	vld [tilespmem:s5+$0xFFFFF820]  }
0x4a: {  	v12 =	vld [tilespmem:s0+$0xFFFFFFF0];
	[tilespmem:v5+s20+$0x0] =	vst.idx.msk $0xffff, v6  }
0x4b: {  	v5 =	vadd.s32 $0xD98, v1;
	[tilespmem:v9+s20+$0x0] =	vst.idx.msk $0xffff, v10;
	v6 =	vld [tilespmem:s5+$0xFFFFFC10]  }
0x4c: {  	v9 =	vadd.s32 $0xD98, v2;
	v10 =	vld [tilespmem:s5+$0xFFFFFC00]  }
0x4d: {  	v20 =	vld [tilespmem:s0+$0x0];
	[tilespmem:v7+s20+$0x0] =	vst.idx.msk $0xffff, v0  }
0x4e: {  	[tilespmem:v8+s20+$0x0] =	vst.idx.msk $0xffff, v11;
	v7 =	vadd.s32 $0x1220, v4;
	v0 =	vld [tilespmem:s5+$0x30]  }
0x4f: {  	v8 =	vadd.s32 $0xD98, v3;
	v11 =	vld [tilespmem:s5+$0xFFFFFC20]  }
0x50: {  	v19 =	vld [tilespmem:s0+$0xFFFFFFE0];
	[tilespmem:v5+s20+$0x0] =	vst.idx.msk $0xffff, v6  }
0x51: {  	s18 =	simm.s32 $0x1040;
	[tilespmem:v9+s20+$0x0] =	vst.idx.msk $0xffff, v10;
	v10 =	vadd.s32 $0x1220, v1;
	v5 =	vld [tilespmem:s5+$0x10]  }
0x52: {  	v15 =	vld [tilespmem:s18+$0xFFFFF000]  }
0x53: {  	v6 =	vld [tilespmem:s5+$0x0];
	[tilespmem:v7+s20+$0x0] =	vst.idx.msk $0xffff, v0  }
0x54: {  	[tilespmem:v8+s20+$0x0] =	vst.idx.msk $0xffff, v11;
	v8 =	vadd.s32 $0x1B30, v4;
	v7 =	vld [tilespmem:s5+$0x430]  }
0x55: {  	v13 =	vadd.s32 $0x1220, v2;
	v0 =	vld [tilespmem:s0+$0x10]  }
0x56: {  	[tilespmem:v10+s20+$0x0] =	vst.idx.msk $0xffff, v5;
	v5 =	vld [tilespmem:s18+$0xFFFFF010]  }
0x57: {  	v14 =	vadd.s32 $0x1220, v3;
	v9 =	vld [tilespmem:s5+$0x20]  }
0x58: {  	[tilespmem:v19+s20+$0x0] =	vst.idx.msk $0xffff, v15;
	v10 =	vld [tilespmem:s18+$0xFFFFF020]  }
0x59: {  	v11 =	vld [tilespmem:s18+$0xFFFFF030];
	[tilespmem:v8+s20+$0x0] =	vst.idx.msk $0xffff, v7  }
0x5a: {  	[tilespmem:v13+s20+$0x0] =	vst.idx.msk $0xffff, v6;
	v8 =	vadd.s32 $0x1FB8, v4;
	v7 =	vld [tilespmem:s5+$0x830]  }
0x5b: {  	[tilespmem:v12+s20+$0x0] =	vst.idx.msk $0xffff, v5  }
0x5c: {  	[tilespmem:v14+s20+$0x0] =	vst.idx.msk $0xffff, v9;
	v9 =	vadd.s32 $0x488, v12;
	v13 =	vld [tilespmem:s18+$0xFFFFF410]  }
0x5d: {  	v15 =	vld [tilespmem:s18+$0xFFFFF400];
	v14 =	vadd.s32 $0x488, v19;
	[tilespmem:v20+s20+$0x0] =	vst.idx.msk $0xffff, v10  }
0x5e: {  	v10 =	vadd.s32 $0x488, v20;
	v17 =	vld [tilespmem:s18+$0xFFFFF420];
	[tilespmem:v0+s20+$0x0] =	vst.idx.msk $0xffff, v11  }
0x5f: {  	v16 =	vadd.s32 $0x488, v0;
	v11 =	vld [tilespmem:s18+$0xFFFFF430];
	[tilespmem:v8+s20+$0x0] =	vst.idx.msk $0xffff, v7  }
0x60: {  	v4 =	vadd.s32 $0x2440, v4;
	v6 =	vld [tilespmem:s5+$0xC30]  }
0x61: {  	[tilespmem:v9+s20+$0x0] =	vst.idx.msk $0xffff, v13;
	v7 =	vld [tilespmem:s5+$0x400];
	v8 =	vadd.s32 $0x1B30, v2  }
0x62: {  	[tilespmem:v14+s20+$0x0] =	vst.idx.msk $0xffff, v15;
	v9 =	vadd.s32 $0x910, v12;
	v13 =	vld [tilespmem:s18+$0xFFFFF810]  }
0x63: {  	v14 =	vadd.s32 $0x910, v19;
	v15 =	vld [tilespmem:s18+$0xFFFFF800];
	[tilespmem:v10+s20+$0x0] =	vst.idx.msk $0xffff, v17  }
0x64: {  	v5 =	vld [tilespmem:s5+$0x410];
	[tilespmem:v16+s20+$0x0] =	vst.idx.msk $0xffff, v11;
	v11 =	vadd.s32 $0x1B30, v1  }
0x65: {  	[tilespmem:v4+s20+$0x0] =	vst.idx.msk $0xffff, v6;
	v4 =	vld [tilespmem:s18+$0xFFFFF830];
	v6 =	vadd.s32 $0x910, v0  }
0x66: {  	[tilespmem:v8+s20+$0x0] =	vst.idx.msk $0xffff, v7  }
0x67: {  	v16 =	vld [tilespmem:s5+$0x420];
	v7 =	vadd.s32 $0x1B30, v3;
	[tilespmem:v9+s20+$0x0] =	vst.idx.msk $0xffff, v13  }
0x68: {  	[tilespmem:v14+s20+$0x0] =	vst.idx.msk $0xffff, v15;
	v13 =	vadd.s32 $0xD98, v12;
	v14 =	vld [tilespmem:s18+$0xFFFFFC10]  }
0x69: {  	v8 =	vld [tilespmem:s5+$0x800];
	[tilespmem:v11+s20+$0x0] =	vst.idx.msk $0xffff, v5;
	v5 =	vadd.s32 $0x1FB8, v2  }
0x6a: {  	v17 =	vld [tilespmem:s18+$0xFFFFF820];
	v11 =	vadd.s32 $0x910, v20;
	[tilespmem:v6+s20+$0x0] =	vst.idx.msk $0xffff, v4  }
0x6b: {  	v10 =	vadd.s32 $0xD98, v0;
	v6 =	vld [tilespmem:s18+$0xFFFFFC30]  }
0x6c: {  	[tilespmem:v7+s20+$0x0] =	vst.idx.msk $0xffff, v16  }
0x6d: {  	v18 =	vld [tilespmem:s18+$0xFFFFFC00];
	[tilespmem:v13+s20+$0x0] =	vst.idx.msk $0xffff, v14  }
0x6e: {  	v16 =	vadd.s32 $0xD98, v19;
	v4 =	vld [tilespmem:s5+$0x810];
	[tilespmem:v5+s20+$0x0] =	vst.idx.msk $0xffff, v8  }
0x6f: {  	v7 =	vadd.s32 $0x1FB8, v1;
	v9 =	vld [tilespmem:s5+$0x820];
	[tilespmem:v11+s20+$0x0] =	vst.idx.msk $0xffff, v17  }
0x70: {  	v8 =	vadd.s32 $0x1FB8, v3;
	v17 =	vld [tilespmem:s18+$0x10];
	[tilespmem:v10+s20+$0x0] =	vst.idx.msk $0xffff, v6  }
0x71: {  	v21 =	vadd.s32 $0x1220, v0;
	v6 =	vld [tilespmem:s18+$0x30]  }
0x72: {  	v23 =	vadd.s32 $0xD98, v20;
	v25 =	vadd.s32 $0x2440, v2;
	v24 =	vld [tilespmem:s18+$0xFFFFFC20]  }
0x73: {  	v2 =	vadd.s32 $0x2440, v1;
	v1 =	vadd.s32 $0x2440, v3;
	v14 =	vadd.s32 $0x1220, v19;
	v22 =	vld [tilespmem:s5+$0xC00];
	[tilespmem:v16+s20+$0x0] =	vst.idx.msk $0xffff, v18  }
0x74: {  	v13 =	vadd.s32 $0x2440, v12;
	v11 =	vadd.s32 $0x1220, v12;
	v5 =	vadd.s32 $0x1B30, v12;
	[tilespmem:v7+s20+$0x0] =	vst.idx.msk $0xffff, v4;
	v18 =	vld [tilespmem:s18+$0x0]  }
0x75: {  	v3 =	vadd.s32 $0x1FB8, v12;
	v12 =	vadd.s32 $0x2440, v20;
	v7 =	vadd.s32 $0x1B30, v20;
	v15 =	vld [tilespmem:s5+$0xC10];
	[tilespmem:v8+s20+$0x0] =	vst.idx.msk $0xffff, v9  }
0x76: {  	v4 =	vadd.s32 $0x2440, v19;
	v10 =	vadd.s32 $0x1220, v20;
	v9 =	vadd.s32 $0x1B30, v19;
	v16 =	vld [tilespmem:s5+$0xC20];
	[tilespmem:v21+s20+$0x0] =	vst.idx.msk $0xffff, v6  }
0x77: {  	s30 =	sshll.u32 s28, $0x1;
	v8 =	vadd.s32 $0x1FB8, v19;
	[tilespmem:v23+s20+$0x0] =	vst.idx.msk $0xffff, v24;
	v6 =	vadd.s32 $0x1FB8, v20;
	v20 =	vadd.s32 $0x1B30, v0;
	v19 =	vld [tilespmem:s18+$0x430]  }
0x78: {  	s10 =	simm.s32 $0x4;
	s11 =	simm.s32 $0x1B4C0;
	[tilespmem:v25+s20+$0x0] =	vst.idx.msk $0xffff, v22;
	s5 =	simm.s32 $0x1040;
	v21 =	vld [tilespmem:s18+$0x20]  }
.LBB2_3:
0x79: {  	v22 =	vld [tilespmem:s11+$0x10];
	[tilespmem:v11+s20+$0x0] =	vst.idx.msk $0xffff, v17  }
0x7a: {  	s10 =	sadd.s32 $0x4, s10;
	v17 =	vld [tilespmem:s11+$0xFFFFFFF0];
	[tilespmem:v14+s20+$0x0] =	vst.idx.msk $0xffff, v18  }
0x7b: {  	s18 =	sadd.s32 $0x40, s18;
	p2 =	slt.u32 s10, $0x3C;
	v18 =	vld [tilespmem:s11+$0x0];
	[tilespmem:v2+s20+$0x0] =	vst.idx.msk $0xffff, v15;
	v2 =	vmov v13  }
0x7c: {  	v13 =	vld [tilespmem:s18+$0xFFFFF030];
	[tilespmem:v20+s20+$0x0] =	vst.idx.msk $0xffff, v19  }
0x7d: {  	v15 =	vadd.s32 $0x1FB8, v0;
	[tilespmem:v10+s20+$0x0] =	vst.idx.msk $0xffff, v21;
	v14 =	vld [tilespmem:s5+$0x830]  }
0x7e: {  	v19 =	vld [tilespmem:s11+$0xFFFFFFE0];
	[tilespmem:v1+s20+$0x0] =	vst.idx.msk $0xffff, v16;
	v1 =	vmov v12  }
0x7f: {  	v12 =	vld [tilespmem:s18+$0xFFFFF000];
	v16 =	vadd.s32 $0x488, v17;
	v20 =	vadd.s32 $0x910, v17;
	v21 =	vadd.s32 $0xD98, v17  }
0x80: {  	v23 =	vld [tilespmem:s18+$0xFFFFF010];
	v24 =	vadd.s32 $0x488, v18;
	v25 =	vadd.s32 $0x910, v18;
	v26 =	vadd.s32 $0xD98, v18  }
0x81: {  	v11 =	vadd.s32 $0x1220, v17;
	v27 =	vadd.s32 $0x1B30, v17;
	v10 =	vadd.s32 $0x1220, v18;
	v28 =	vld [tilespmem:s18+$0xFFFFF020];
	[tilespmem:v22+s20+$0x0] =	vst.idx.msk $0xffff, v13  }
0x82: {  	v32 =	vadd.s32 $0x488, v22;
	v29 =	vadd.s32 $0x1FB8, v17;
	v30 =	vadd.s32 $0x1B30, v18;
	v31 =	vld [tilespmem:s18+$0xFFFFF430];
	[tilespmem:v15+s20+$0x0] =	vst.idx.msk $0xffff, v14  }
0x83: {  	v35 =	vadd.s32 $0x2440, v0;
	v0 =	vmovc v22;
	v15 =	vadd.s32 $0x488, v19;
	v33 =	vadd.s32 $0x910, v19;
	v34 =	vld [tilespmem:s5+$0xC30]  }
0x84: {  	v22 =	vadd.s32 $0xD98, v19;
	v14 =	vadd.s32 $0x1220, v19;
	v36 =	vadd.s32 $0x1B30, v19;
	v37 =	vld [tilespmem:s5+$0x400]  }
0x85: {  	v38 =	vadd.s32 $0x1FB8, v19;
	v39 =	vadd.s32 $0x2440, v19;
	[tilespmem:v17+s20+$0x0] =	vst.idx.msk $0xffff, v23;
	v23 =	vadd.s32 $0x1FB8, v18;
	v40 =	vld [tilespmem:s5+$0x410]  }
0x86: {  	v13 =	vadd.s32 $0x2440, v17;
	[tilespmem:v19+s20+$0x0] =	vst.idx.msk $0xffff, v12;
	v19 =	vld [tilespmem:s18+$0xFFFFF410];
	v12 =	vadd.s32 $0x2440, v18  }
0x87: {  	v17 =	vld [tilespmem:s18+$0xFFFFF400];
	[tilespmem:v32+s20+$0x0] =	vst.idx.msk $0xffff, v31  }
0x88: {  	v31 =	vld [tilespmem:s5+$0x420];
	[tilespmem:v35+s20+$0x0] =	vst.idx.msk $0xffff, v34  }
0x89: {  	[tilespmem:v18+s20+$0x0] =	vst.idx.msk $0xffff, v28;
	v18 =	vld [tilespmem:s18+$0xFFFFF830];
	v28 =	vadd.s32 $0x910, v0  }
0x8a: {  	v32 =	vld [tilespmem:s18+$0xFFFFF420];
	[tilespmem:v9+s20+$0x0] =	vst.idx.msk $0xffff, v37;
	v9 =	vmov v36  }
0x8b: {  	[tilespmem:v16+s20+$0x0] =	vst.idx.msk $0xffff, v19;
	v16 =	vld [tilespmem:s5+$0x800]  }
0x8c: {  	[tilespmem:v15+s20+$0x0] =	vst.idx.msk $0xffff, v17;
	v15 =	vld [tilespmem:s18+$0xFFFFF810]  }
0x8d: {  	v17 =	vld [tilespmem:s18+$0xFFFFF800];
	[tilespmem:v5+s20+$0x0] =	vst.idx.msk $0xffff, v40;
	v5 =	vmov v27  }
0x8e: {  	[tilespmem:v28+s20+$0x0] =	vst.idx.msk $0xffff, v18;
	v18 =	vld [tilespmem:s5+$0x810]  }
0x8f: {  	[tilespmem:v24+s20+$0x0] =	vst.idx.msk $0xffff, v32;
	v19 =	vld [tilespmem:s18+$0xFFFFFC30];
	v24 =	vadd.s32 $0xD98, v0  }
0x90: {  	v27 =	vld [tilespmem:s18+$0xFFFFF820];
	[tilespmem:v7+s20+$0x0] =	vst.idx.msk $0xffff, v31;
	v7 =	vmov v30  }
0x91: {  	[tilespmem:v20+s20+$0x0] =	vst.idx.msk $0xffff, v15;
	v20 =	vld [tilespmem:s5+$0x820]  }
0x92: {  	[tilespmem:v33+s20+$0x0] =	vst.idx.msk $0xffff, v17;
	v15 =	vld [tilespmem:s18+$0xFFFFFC10]  }
0x93: {  	v17 =	vld [tilespmem:s18+$0xFFFFFC00];
	[tilespmem:v8+s20+$0x0] =	vst.idx.msk $0xffff, v16;
	v8 =	vmov v38  }
0x94: {  	[tilespmem:v24+s20+$0x0] =	vst.idx.msk $0xffff, v19;
	v24 =	vld [tilespmem:s5+$0xC00]  }
0x95: {  	v19 =	vadd.s32 $0x1220, v0;
	[tilespmem:v25+s20+$0x0] =	vst.idx.msk $0xffff, v27;
	v16 =	vld [tilespmem:s18+$0x30]  }
0x96: {  	v25 =	vld [tilespmem:s18+$0xFFFFFC20];
	[tilespmem:v3+s20+$0x0] =	vst.idx.msk $0xffff, v18;
	v3 =	vmov v29  }
0x97: {  	[tilespmem:v21+s20+$0x0] =	vst.idx.msk $0xffff, v15;
	v15 =	vld [tilespmem:s5+$0xC10]  }
.Ltmp0:
0x98: {  	[tilespmem:v22+s20+$0x0] =	vst.idx.msk $0xffff, v17;
	v17 =	vld [tilespmem:s18+$0x10];
	(pc) =	sbr.rel @p2 .LBB2_3-.Ltmp0, $4  }
0x99: {  	v18 =	vld [tilespmem:s18+$0x0];
	[tilespmem:v6+s20+$0x0] =	vst.idx.msk $0xffff, v20;
	v6 =	vmov v23  }
0x9a: {  	[tilespmem:v19+s20+$0x0] =	vst.idx.msk $0xffff, v16;
	v16 =	vld [tilespmem:s5+$0xC20];
	s5 =	smov.u32 s18  }
0x9b: {  	v20 =	vadd.s32 $0x1B30, v0;
	[tilespmem:v26+s20+$0x0] =	vst.idx.msk $0xffff, v25;
	v19 =	vld [tilespmem:s18+$0x430]  }
0x9c: {  	s11 =	sadd.s32 $0x40, s11;
	v21 =	vld [tilespmem:s18+$0x20];
	[tilespmem:v4+s20+$0x0] =	vst.idx.msk $0xffff, v24;
	v4 =	vmov v39  }
0x9d: {  	_ =	sdelay $0x3  }
0x9e: {  	[tilespmem:v14+s20+$0x0] =	vst.idx.msk $0xffff, v18  }
0x9f: {  	[tilespmem:v11+s20+$0x0] =	vst.idx.msk $0xffff, v17;
	v11 =	vld [tilespmem:s5+$0x400]  }
0xa0: {  	[tilespmem:v10+s20+$0x0] =	vst.idx.msk $0xffff, v21;
	v10 =	vld [tilespmem:s5+$0x410]  }
0xa1: {  	v14 =	vld [tilespmem:s5+$0x420];
	_ =	sdelay $0x1  }
0xa2: {  	[tilespmem:v20+s20+$0x0] =	vst.idx.msk $0xffff, v19  }
0xa3: {  	v18 =	vadd.s32 $0x1FB8, v0;
	v17 =	vld [tilespmem:s5+$0x830];
	[tilespmem:v9+s20+$0x0] =	vst.idx.msk $0xffff, v11  }
0xa4: {  	v9 =	vld [tilespmem:s5+$0x800];
	[tilespmem:v5+s20+$0x0] =	vst.idx.msk $0xffff, v10  }
0xa5: {  	v5 =	vld [tilespmem:s5+$0x810];
	[tilespmem:v7+s20+$0x0] =	vst.idx.msk $0xffff, v14  }
0xa6: {  	v7 =	vld [tilespmem:s5+$0x820];
	_ =	sdelay $0x1  }
0xa7: {  	[tilespmem:v18+s20+$0x0] =	vst.idx.msk $0xffff, v17  }
0xa8: {  	v0 =	vadd.s32 $0x2440, v0;
	v10 =	vld [tilespmem:s5+$0xC30];
	[tilespmem:v8+s20+$0x0] =	vst.idx.msk $0xffff, v9  }
0xa9: {  	v8 =	vld [tilespmem:s5+$0xC00];
	[tilespmem:v3+s20+$0x0] =	vst.idx.msk $0xffff, v5  }
0xaa: {  	v3 =	vld [tilespmem:s5+$0xC10];
	[tilespmem:v6+s20+$0x0] =	vst.idx.msk $0xffff, v7  }
0xab: {  	[tilespmem:v2+s20+$0x0] =	vst.idx.msk $0xffff, v15;
	v2 =	vld [tilespmem:s5+$0xC20]  }
0xac: {  	[tilespmem:v1+s20+$0x0] =	vst.idx.msk $0xffff, v16  }
0xad: {  	[tilespmem:v0+s20+$0x0] =	vst.idx.msk $0xffff, v10  }
0xae: {  	[tilespmem:v4+s20+$0x0] =	vst.idx.msk $0xffff, v8  }
0xaf: {  	[tilespmem:v13+s20+$0x0] =	vst.idx.msk $0xffff, v3  }
0xb0: {  	[tilespmem:v12+s20+$0x0] =	vst.idx.msk $0xffff, v2  }
0xb1: {  	v4 =	vld [tilespmem:s1+$0x10]  }
0xb2: {  	v2 =	vld [tilespmem:s1+$0xFFFFFFE0]  }
0xb3: {  	v1 =	vld [tilespmem:s1+$0xFFFFFFF0];
	_ =	sdelay $0x1  }
0xb4: {  	s31 =	simm.s32 $0x3C30;
	v3 =	vld [tilespmem:s1+$0x0]  }
0xb5: {  	v0 =	vld [tilespmem:s31+$0xFFFFE400];
	v5 =	vadd.s32 $0x28C8, v4  }
0xb6: {  	v6 =	vld [tilespmem:s31+$0xFFFFE3D0];
	v7 =	vadd.s32 $0x28C8, v2  }
0xb7: {  	v9 =	vld [tilespmem:s31+$0xFFFFE3E0];
	v8 =	vadd.s32 $0x28C8, v1;
	_ =	sdelay $0x2  }
0xb8: {  	v11 =	vld [tilespmem:s31+$0xFFFFE3F0];
	v10 =	vadd.s32 $0x28C8, v3;
	[tilespmem:v5+s20+$0x0] =	vst.idx.msk $0xffff, v0  }
0xb9: {  	v5 =	vadd.s32 $0x2D50, v4;
	[tilespmem:v7+s20+$0x0] =	vst.idx.msk $0xffff, v6;
	v0 =	vld [tilespmem:s31+$0xFFFFE800]  }
0xba: {  	v6 =	vadd.s32 $0x2D50, v2;
	[tilespmem:v8+s20+$0x0] =	vst.idx.msk $0xffff, v9;
	v7 =	vld [tilespmem:s31+$0xFFFFE7D0]  }
0xbb: {  	v8 =	vadd.s32 $0x2D50, v1;
	v9 =	vld [tilespmem:s31+$0xFFFFE7E0];
	_ =	sdelay $0x1  }
0xbc: {  	[tilespmem:v10+s20+$0x0] =	vst.idx.msk $0xffff, v11  }
0xbd: {  	v10 =	vadd.s32 $0x2D50, v3;
	v11 =	vld [tilespmem:s31+$0xFFFFE7F0];
	[tilespmem:v5+s20+$0x0] =	vst.idx.msk $0xffff, v0  }
0xbe: {  	v5 =	vadd.s32 $0x31D8, v4;
	[tilespmem:v6+s20+$0x0] =	vst.idx.msk $0xffff, v7;
	v0 =	vld [tilespmem:s31+$0xFFFFEC00]  }
0xbf: {  	v6 =	vadd.s32 $0x31D8, v2;
	[tilespmem:v8+s20+$0x0] =	vst.idx.msk $0xffff, v9;
	v7 =	vld [tilespmem:s31+$0xFFFFEBD0]  }
0xc0: {  	v8 =	vadd.s32 $0x31D8, v1;
	v9 =	vld [tilespmem:s31+$0xFFFFEBE0];
	_ =	sdelay $0x1  }
0xc1: {  	[tilespmem:v10+s20+$0x0] =	vst.idx.msk $0xffff, v11  }
0xc2: {  	v10 =	vadd.s32 $0x31D8, v3;
	v11 =	vld [tilespmem:s31+$0xFFFFEBF0];
	[tilespmem:v5+s20+$0x0] =	vst.idx.msk $0xffff, v0  }
0xc3: {  	v5 =	vadd.s32 $0x3660, v4;
	[tilespmem:v6+s20+$0x0] =	vst.idx.msk $0xffff, v7;
	v0 =	vld [tilespmem:s31+$0xFFFFF000]  }
0xc4: {  	v6 =	vadd.s32 $0x3660, v2;
	[tilespmem:v8+s20+$0x0] =	vst.idx.msk $0xffff, v9;
	v7 =	vld [tilespmem:s31+$0xFFFFEFD0]  }
0xc5: {  	v8 =	vadd.s32 $0x3660, v1;
	v9 =	vld [tilespmem:s31+$0xFFFFEFE0];
	_ =	sdelay $0x1  }
0xc6: {  	[tilespmem:v10+s20+$0x0] =	vst.idx.msk $0xffff, v11  }
0xc7: {  	v10 =	vadd.s32 $0x3660, v3;
	v11 =	vld [tilespmem:s31+$0xFFFFEFF0];
	[tilespmem:v5+s20+$0x0] =	vst.idx.msk $0xffff, v0  }
0xc8: {  	v12 =	vadd.s32 $0x3AE8, v4;
	[tilespmem:v6+s20+$0x0] =	vst.idx.msk $0xffff, v7;
	v5 =	vld [tilespmem:s31+$0xFFFFF400]  }
0xc9: {  	[tilespmem:v8+s20+$0x0] =	vst.idx.msk $0xffff, v9;
	v8 =	vadd.s32 $0x3AE8, v2;
	v6 =	vld [tilespmem:s31+$0xFFFFF3D0]  }
0xca: {  	v20 =	vld [tilespmem:s0+$0x0]  }
0xcb: {  	v14 =	vld [tilespmem:s0+$0xFFFFFFE0]  }
0xcc: {  	[tilespmem:v10+s20+$0x0] =	vst.idx.msk $0xffff, v11;
	v0 =	vld [tilespmem:s0+$0x10]  }
0xcd: {  	v11 =	vadd.s32 $0x3AE8, v1;
	v7 =	vld [tilespmem:s31+$0xFFFFF3E0];
	[tilespmem:v12+s20+$0x0] =	vst.idx.msk $0xffff, v5  }
0xce: {  	v9 =	vld [tilespmem:s31+$0xFFFFF3F0];
	[tilespmem:v8+s20+$0x0] =	vst.idx.msk $0xffff, v6;
	v6 =	vadd.s32 $0x3AE8, v3  }
0xcf: {  	v10 =	vadd.s32 $0x3F70, v4;
	v5 =	vld [tilespmem:s31+$0xFFFFF800]  }
0xd0: {  	v13 =	vld [tilespmem:s0+$0xFFFFFFF0];
	s0 =	simm.s32 $0x3C70  }
0xd1: {  	v15 =	vadd.s32 $0x28C8, v0;
	v12 =	vld [tilespmem:s0+$0xFFFFE400]  }
0xd2: {  	v17 =	vld [tilespmem:s0+$0xFFFFE3D0];
	[tilespmem:v11+s20+$0x0] =	vst.idx.msk $0xffff, v7;
	v7 =	vadd.s32 $0x28C8, v14  }
0xd3: {  	v16 =	vadd.s32 $0x3F70, v2;
	v8 =	vld [tilespmem:s31+$0xFFFFF7D0];
	[tilespmem:v6+s20+$0x0] =	vst.idx.msk $0xffff, v9  }
0xd4: {  	v18 =	vadd.s32 $0x28C8, v20;
	v9 =	vld [tilespmem:s0+$0xFFFFE3F0];
	[tilespmem:v10+s20+$0x0] =	vst.idx.msk $0xffff, v5  }
0xd5: {  	v10 =	vadd.s32 $0x43F8, v4;
	v5 =	vld [tilespmem:s31+$0xFFFFFC00]  }
0xd6: {  	[tilespmem:v15+s20+$0x0] =	vst.idx.msk $0xffff, v12  }
0xd7: {  	v11 =	vld [tilespmem:s0+$0xFFFFE3E0];
	v6 =	vadd.s32 $0x28C8, v13;
	[tilespmem:v7+s20+$0x0] =	vst.idx.msk $0xffff, v17  }
0xd8: {  	v19 =	vadd.s32 $0x2D50, v0;
	v15 =	vld [tilespmem:s0+$0xFFFFE800];
	[tilespmem:v16+s20+$0x0] =	vst.idx.msk $0xffff, v8  }
0xd9: {  	v12 =	vld [tilespmem:s31+$0xFFFFF7E0];
	v8 =	vadd.s32 $0x3F70, v1;
	[tilespmem:v18+s20+$0x0] =	vst.idx.msk $0xffff, v9  }
0xda: {  	v9 =	vadd.s32 $0x2D50, v20;
	v17 =	vld [tilespmem:s0+$0xFFFFE7F0];
	[tilespmem:v10+s20+$0x0] =	vst.idx.msk $0xffff, v5  }
0xdb: {  	v4 =	vadd.s32 $0x4D08, v4;
	v5 =	vld [tilespmem:s31+$0x0]  }
0xdc: {  	v16 =	vld [tilespmem:s0+$0xFFFFE7D0];
	[tilespmem:v6+s20+$0x0] =	vst.idx.msk $0xffff, v11;
	v10 =	vadd.s32 $0x2D50, v14  }
0xdd: {  	v6 =	vadd.s32 $0x2D50, v13;
	v11 =	vld [tilespmem:s0+$0xFFFFE7E0];
	[tilespmem:v19+s20+$0x0] =	vst.idx.msk $0xffff, v15  }
0xde: {  	v7 =	vld [tilespmem:s31+$0xFFFFF7F0];
	v15 =	vadd.s32 $0x3F70, v3;
	[tilespmem:v8+s20+$0x0] =	vst.idx.msk $0xffff, v12  }
0xdf: {  	v18 =	vld [tilespmem:s31+$0xFFFFFBD0];
	v8 =	vadd.s32 $0x43F8, v2;
	[tilespmem:v9+s20+$0x0] =	vst.idx.msk $0xffff, v17  }
0xe0: {  	[tilespmem:v4+s20+$0x0] =	vst.idx.msk $0xffff, v5;
	v4 =	vld [tilespmem:s0+$0xFFFFEC00];
	v5 =	vadd.s32 $0x31D8, v0  }
0xe1: {  	v9 =	vadd.s32 $0x31D8, v20;
	[tilespmem:v10+s20+$0x0] =	vst.idx.msk $0xffff, v16;
	v17 =	vld [tilespmem:s0+$0xFFFFEBF0]  }
0xe2: {  	v12 =	vadd.s32 $0x31D8, v14;
	[tilespmem:v6+s20+$0x0] =	vst.idx.msk $0xffff, v11;
	v16 =	vld [tilespmem:s0+$0xFFFFEBD0]  }
0xe3: {  	v6 =	vadd.s32 $0x31D8, v13;
	[tilespmem:v15+s20+$0x0] =	vst.idx.msk $0xffff, v7;
	v11 =	vld [tilespmem:s0+$0xFFFFEBE0]  }
0xe4: {  	v7 =	vadd.s32 $0x43F8, v1;
	[tilespmem:v8+s20+$0x0] =	vst.idx.msk $0xffff, v18;
	v10 =	vld [tilespmem:s31+$0xFFFFFBE0]  }
0xe5: {  	v8 =	vadd.s32 $0x43F8, v3;
	[tilespmem:v5+s20+$0x0] =	vst.idx.msk $0xffff, v4;
	v4 =	vld [tilespmem:s31+$0xFFFFFBF0]  }
0xe6: {  	v15 =	vadd.s32 $0x3660, v0;
	[tilespmem:v9+s20+$0x0] =	vst.idx.msk $0xffff, v17;
	v5 =	vld [tilespmem:s0+$0xFFFFF000]  }
0xe7: {  	v21 =	vadd.s32 $0x3660, v20;
	[tilespmem:v12+s20+$0x0] =	vst.idx.msk $0xffff, v16;
	v23 =	vld [tilespmem:s0+$0xFFFFEFF0]  }
0xe8: {  	[tilespmem:v6+s20+$0x0] =	vst.idx.msk $0xffff, v11;
	v16 =	vadd.s32 $0x3660, v14;
	v18 =	vld [tilespmem:s0+$0xFFFFEFD0]  }
0xe9: {  	v6 =	vadd.s32 $0x3660, v13;
	[tilespmem:v7+s20+$0x0] =	vst.idx.msk $0xffff, v10;
	v19 =	vld [tilespmem:s0+$0xFFFFEFE0]  }
0xea: {  	v22 =	vld [tilespmem:s31+$0xFFFFFFD0];
	[tilespmem:v8+s20+$0x0] =	vst.idx.msk $0xffff, v4  }
0xeb: {  	v24 =	vadd.s32 $0x4D08, v2;
	[tilespmem:v15+s20+$0x0] =	vst.idx.msk $0xffff, v5;
	v15 =	vld [tilespmem:s31+$0xFFFFFFE0]  }
0xec: {  	v2 =	vadd.s32 $0x4D08, v1;
	v1 =	vadd.s32 $0x4D08, v3;
	[tilespmem:v21+s20+$0x0] =	vst.idx.msk $0xffff, v23;
	v21 =	vadd.s32 $0x3AE8, v0;
	v17 =	vld [tilespmem:s0+$0xFFFFF400]  }
0xed: {  	v3 =	vadd.s32 $0x4D08, v14;
	v11 =	vadd.s32 $0x3AE8, v14;
	v10 =	vadd.s32 $0x3AE8, v13;
	[tilespmem:v16+s20+$0x0] =	vst.idx.msk $0xffff, v18;
	v16 =	vld [tilespmem:s31+$0xFFFFFFF0]  }
0xee: {  	v9 =	vadd.s32 $0x3F70, v14;
	v7 =	vadd.s32 $0x3F70, v20;
	v12 =	vadd.s32 $0x3AE8, v20;
	[tilespmem:v6+s20+$0x0] =	vst.idx.msk $0xffff, v19;
	v18 =	vld [tilespmem:s0+$0xFFFFF3D0]  }
0xef: {  	v8 =	vadd.s32 $0x3F70, v13;
	v4 =	vadd.s32 $0x43F8, v14;
	v6 =	vadd.s32 $0x43F8, v13;
	v19 =	vld [tilespmem:s0+$0xFFFFF3E0]  }
0xf0: {  	s10 =	simm.s32 $0x1B4C0;
	s5 =	simm.s32 $0x4;
	s1 =	simm.s32 $0x3C70;
	[tilespmem:v24+s20+$0x0] =	vst.idx.msk $0xffff, v22;
	v14 =	vadd.s32 $0x4D08, v13;
	v13 =	vadd.s32 $0x4D08, v20;
	v5 =	vadd.s32 $0x43F8, v20;
	v20 =	vld [tilespmem:s0+$0xFFFFF3F0]  }
.LBB2_5:
0xf1: {  	v22 =	vld [tilespmem:s10+$0x10];
	[tilespmem:v21+s20+$0x0] =	vst.idx.msk $0xffff, v17  }
0xf2: {  	v21 =	vadd.s32 $0x3F70, v0;
	v17 =	vld [tilespmem:s0+$0xFFFFF800];
	[tilespmem:v2+s20+$0x0] =	vst.idx.msk $0xffff, v15;
	v2 =	vmov v14  }
0xf3: {  	s5 =	sadd.s32 $0x4, s5;
	v14 =	vld [tilespmem:s10+$0xFFFFFFF0];
	[tilespmem:v11+s20+$0x0] =	vst.idx.msk $0xffff, v18  }
0xf4: {  	p2 =	slt.u32 s5, $0x3C;
	v15 =	vld [tilespmem:s10+$0x0];
	[tilespmem:v10+s20+$0x0] =	vst.idx.msk $0xffff, v19  }
0xf5: {  	v18 =	vld [tilespmem:s10+$0xFFFFFFE0];
	[tilespmem:v12+s20+$0x0] =	vst.idx.msk $0xffff, v20  }
0xf6: {  	s0 =	sadd.s32 $0x40, s0;
	v10 =	vld [tilespmem:s1+$0xFFFFF7D0];
	[tilespmem:v1+s20+$0x0] =	vst.idx.msk $0xffff, v16;
	v1 =	vmov v13  }
0xf7: {  	v13 =	vadd.s32 $0x28C8, v22;
	v12 =	vld [tilespmem:s0+$0xFFFFE400];
	[tilespmem:v21+s20+$0x0] =	vst.idx.msk $0xffff, v17  }
0xf8: {  	v20 =	vadd.s32 $0x43F8, v0;
	v16 =	vadd.s32 $0x28C8, v14;
	v17 =	vadd.s32 $0x2D50, v14;
	v19 =	vld [tilespmem:s1+$0xFFFFFC00]  }
0xf9: {  	v23 =	vadd.s32 $0x31D8, v14;
	v21 =	vld [tilespmem:s0+$0xFFFFE3D0];
	v24 =	vadd.s32 $0x28C8, v15;
	v25 =	vadd.s32 $0x2D50, v15  }
0xfa: {  	v26 =	vadd.s32 $0x28C8, v18;
	v27 =	vadd.s32 $0x2D50, v18;
	v28 =	vadd.s32 $0x31D8, v18;
	v29 =	vld [tilespmem:s0+$0xFFFFE3E0]  }
0xfb: {  	v31 =	vadd.s32 $0x3660, v14;
	v33 =	vadd.s32 $0x31D8, v15;
	v30 =	vadd.s32 $0x3660, v18;
	v32 =	vld [tilespmem:s0+$0xFFFFE3F0];
	[tilespmem:v9+s20+$0x0] =	vst.idx.msk $0xffff, v10  }
0xfc: {  	v34 =	vadd.s32 $0x3660, v15;
	v11 =	vadd.s32 $0x3AE8, v18;
	v10 =	vadd.s32 $0x3AE8, v14;
	[tilespmem:v13+s20+$0x0] =	vst.idx.msk $0xffff, v12;
	v35 =	vld [tilespmem:s1+$0xFFFFF7E0]  }
0xfd: {  	v37 =	vadd.s32 $0x2D50, v22;
	v9 =	vadd.s32 $0x3F70, v18;
	v12 =	vadd.s32 $0x3AE8, v15;
	v36 =	vld [tilespmem:s0+$0xFFFFE800];
	[tilespmem:v20+s20+$0x0] =	vst.idx.msk $0xffff, v19  }
0xfe: {  	v39 =	vadd.s32 $0x4D08, v0;
	v0 =	vmovc v22;
	v19 =	vadd.s32 $0x3F70, v14;
	v20 =	vadd.s32 $0x3F70, v15;
	v38 =	vld [tilespmem:s1+$0x0]  }
0xff: {  	v22 =	vadd.s32 $0x43F8, v14;
	[tilespmem:v26+s20+$0x0] =	vst.idx.msk $0xffff, v21;
	v21 =	vadd.s32 $0x43F8, v18;
	v26 =	vadd.s32 $0x43F8, v15;
	v40 =	vld [tilespmem:s1+$0xFFFFF7F0]  }
0x100: {  	v42 =	vadd.s32 $0x4D08, v18;
	v13 =	vadd.s32 $0x4D08, v15;
	v14 =	vadd.s32 $0x4D08, v14;
	v41 =	vld [tilespmem:s0+$0xFFFFE7D0];
	[tilespmem:v16+s20+$0x0] =	vst.idx.msk $0xffff, v29  }
0x101: {  	v15 =	vld [tilespmem:s0+$0xFFFFE7E0];
	[tilespmem:v24+s20+$0x0] =	vst.idx.msk $0xffff, v32  }
0x102: {  	v16 =	vld [tilespmem:s0+$0xFFFFE7F0];
	[tilespmem:v37+s20+$0x0] =	vst.idx.msk $0xffff, v36  }
0x103: {  	v18 =	vld [tilespmem:s1+$0xFFFFFBD0];
	[tilespmem:v39+s20+$0x0] =	vst.idx.msk $0xffff, v38  }
0x104: {  	v29 =	vadd.s32 $0x31D8, v0;
	v24 =	vld [tilespmem:s0+$0xFFFFEC00];
	[tilespmem:v8+s20+$0x0] =	vst.idx.msk $0xffff, v35;
	v8 =	vmov v19  }
0x105: {  	[tilespmem:v27+s20+$0x0] =	vst.idx.msk $0xffff, v41;
	v19 =	vld [tilespmem:s1+$0xFFFFFBE0]  }
0x106: {  	v27 =	vld [tilespmem:s0+$0xFFFFEBD0];
	[tilespmem:v17+s20+$0x0] =	vst.idx.msk $0xffff, v15  }
0x107: {  	v15 =	vld [tilespmem:s0+$0xFFFFEBE0];
	[tilespmem:v25+s20+$0x0] =	vst.idx.msk $0xffff, v16  }
0x108: {  	v16 =	vld [tilespmem:s0+$0xFFFFEBF0];
	[tilespmem:v7+s20+$0x0] =	vst.idx.msk $0xffff, v40;
	v7 =	vmov v20  }
0x109: {  	[tilespmem:v29+s20+$0x0] =	vst.idx.msk $0xffff, v24;
	v20 =	vld [tilespmem:s1+$0xFFFFFBF0]  }
0x10a: {  	v24 =	vadd.s32 $0x3660, v0;
	v17 =	vld [tilespmem:s0+$0xFFFFF000];
	[tilespmem:v4+s20+$0x0] =	vst.idx.msk $0xffff, v18;
	v4 =	vmov v21  }
0x10b: {  	[tilespmem:v28+s20+$0x0] =	vst.idx.msk $0xffff, v27;
	v25 =	vld [tilespmem:s1+$0xFFFFFFD0]  }
0x10c: {  	v18 =	vld [tilespmem:s0+$0xFFFFEFD0];
	[tilespmem:v23+s20+$0x0] =	vst.idx.msk $0xffff, v15  }
0x10d: {  	v23 =	vld [tilespmem:s0+$0xFFFFEFE0];
	[tilespmem:v33+s20+$0x0] =	vst.idx.msk $0xffff, v16  }
0x10e: {  	v27 =	vld [tilespmem:s0+$0xFFFFEFF0];
	[tilespmem:v6+s20+$0x0] =	vst.idx.msk $0xffff, v19;
	v6 =	vmov v22  }
0x10f: {  	[tilespmem:v24+s20+$0x0] =	vst.idx.msk $0xffff, v17;
	v15 =	vld [tilespmem:s1+$0xFFFFFFE0]  }
.Ltmp1:
0x110: {  	v21 =	vadd.s32 $0x3AE8, v0;
	v17 =	vld [tilespmem:s0+$0xFFFFF400];
	[tilespmem:v5+s20+$0x0] =	vst.idx.msk $0xffff, v20;
	v5 =	vmov v26;
	(pc) =	sbr.rel @p2 .LBB2_5-.Ltmp1, $4  }
0x111: {  	[tilespmem:v30+s20+$0x0] =	vst.idx.msk $0xffff, v18;
	v16 =	vld [tilespmem:s1+$0xFFFFFFF0];
	s1 =	smov.u32 s0  }
0x112: {  	v18 =	vld [tilespmem:s0+$0xFFFFF3D0];
	[tilespmem:v31+s20+$0x0] =	vst.idx.msk $0xffff, v23  }
0x113: {  	v19 =	vld [tilespmem:s0+$0xFFFFF3E0];
	[tilespmem:v34+s20+$0x0] =	vst.idx.msk $0xffff, v27  }
0x114: {  	s10 =	sadd.s32 $0x40, s10;
	v20 =	vld [tilespmem:s0+$0xFFFFF3F0];
	[tilespmem:v3+s20+$0x0] =	vst.idx.msk $0xffff, v25;
	v3 =	vmov v42  }
0x115: {  	_ =	sdelay $0x3  }
0x116: {  	[tilespmem:v21+s20+$0x0] =	vst.idx.msk $0xffff, v17  }
0x117: {  	v21 =	vadd.s32 $0x3F70, v0;
	v17 =	vld [tilespmem:s0+$0xFFFFF800];
	[tilespmem:v11+s20+$0x0] =	vst.idx.msk $0xffff, v18  }
0x118: {  	[tilespmem:v10+s20+$0x0] =	vst.idx.msk $0xffff, v19;
	v10 =	vld [tilespmem:s1+$0xFFFFF7D0]  }
0x119: {  	[tilespmem:v12+s20+$0x0] =	vst.idx.msk $0xffff, v20;
	v11 =	vld [tilespmem:s1+$0xFFFFF7E0]  }
0x11a: {  	v12 =	vld [tilespmem:s1+$0xFFFFF7F0];
	_ =	sdelay $0x1  }
0x11b: {  	[tilespmem:v21+s20+$0x0] =	vst.idx.msk $0xffff, v17  }
0x11c: {  	v18 =	vadd.s32 $0x43F8, v0;
	v17 =	vld [tilespmem:s1+$0xFFFFFC00];
	[tilespmem:v9+s20+$0x0] =	vst.idx.msk $0xffff, v10  }
0x11d: {  	v9 =	vld [tilespmem:s1+$0xFFFFFBD0];
	[tilespmem:v8+s20+$0x0] =	vst.idx.msk $0xffff, v11  }
0x11e: {  	v8 =	vld [tilespmem:s1+$0xFFFFFBE0];
	[tilespmem:v7+s20+$0x0] =	vst.idx.msk $0xffff, v12  }
0x11f: {  	v7 =	vld [tilespmem:s1+$0xFFFFFBF0];
	_ =	sdelay $0x1  }
0x120: {  	[tilespmem:v18+s20+$0x0] =	vst.idx.msk $0xffff, v17  }
0x121: {  	v0 =	vadd.s32 $0x4D08, v0;
	v10 =	vld [tilespmem:s1+$0x0];
	[tilespmem:v4+s20+$0x0] =	vst.idx.msk $0xffff, v9  }
0x122: {  	v4 =	vld [tilespmem:s1+$0xFFFFFFD0];
	[tilespmem:v6+s20+$0x0] =	vst.idx.msk $0xffff, v8  }
0x123: {  	v6 =	vld [tilespmem:s1+$0xFFFFFFE0];
	[tilespmem:v5+s20+$0x0] =	vst.idx.msk $0xffff, v7  }
0x124: {  	[tilespmem:v2+s20+$0x0] =	vst.idx.msk $0xffff, v15;
	v2 =	vld [tilespmem:s1+$0xFFFFFFF0]  }
0x125: {  	[tilespmem:v1+s20+$0x0] =	vst.idx.msk $0xffff, v16  }
0x126: {  	[tilespmem:v0+s20+$0x0] =	vst.idx.msk $0xffff, v10  }
0x127: {  	[tilespmem:v3+s20+$0x0] =	vst.idx.msk $0xffff, v4  }
0x128: {  	[tilespmem:v14+s20+$0x0] =	vst.idx.msk $0xffff, v6  }
0x129: {  	s29 =	sor.u32 $0x1, s30;
	[tilespmem:v13+s20+$0x0] =	vst.idx.msk $0xffff, v2  }
0x12a: {  	s18 =	sshll.u32 s29, $0xC;
	_ =	swait.ge [sflag:s23], $0x4000  }
0x12b: {  	s31 =	sadd.s32 s9, s18;
	[sflag:s23] =	ssyncset.done $0x0  }
0x12c: {  	s0 =	sadd.s32 s4, s31;
	[sflag:s23] =	ssyncadd.s32 $0xFFFFC000  }
0x12d: {  	[tilespmem:s3], [sflag:$0x1] =	stream.linear.gather [hbm4b:s0+s3], $0x4000, $0x38;
	[tilespmem:$0x1B820] =	vst v63  }
0x12e: {  	s0 =	simm.s32 $0x1B440  }
0x12f: {  	v4 =	vld [tilespmem:s0+$0x10]  }
0x130: {  	v2 =	vld [tilespmem:s0+$0xFFFFFFE0]  }
0x131: {  	v1 =	vld [tilespmem:s0+$0xFFFFFFF0];
	_ =	sdelay $0x1  }
0x132: {  	s5 =	simm.s32 $0x5000;
	v3 =	vld [tilespmem:s0+$0x0]  }
0x133: {  	v0 =	vld [tilespmem:s5+$0xFFFFF030];
	v5 =	vadd.s32 $0x5190, v4  }
0x134: {  	v6 =	vld [tilespmem:s5+$0xFFFFF000];
	v7 =	vadd.s32 $0x5190, v2  }
0x135: {  	v9 =	vld [tilespmem:s5+$0xFFFFF010];
	v8 =	vadd.s32 $0x5190, v1;
	_ =	sdelay $0x2  }
0x136: {  	v11 =	vld [tilespmem:s5+$0xFFFFF020];
	v10 =	vadd.s32 $0x5190, v3;
	[tilespmem:v5+s20+$0x0] =	vst.idx.msk $0xffff, v0  }
0x137: {  	v5 =	vadd.s32 $0x5618, v4;
	[tilespmem:v7+s20+$0x0] =	vst.idx.msk $0xffff, v6;
	v0 =	vld [tilespmem:s5+$0xFFFFF430]  }
0x138: {  	v6 =	vadd.s32 $0x5618, v2;
	[tilespmem:v8+s20+$0x0] =	vst.idx.msk $0xffff, v9;
	v7 =	vld [tilespmem:s5+$0xFFFFF400]  }
0x139: {  	v8 =	vadd.s32 $0x5618, v1;
	v9 =	vld [tilespmem:s5+$0xFFFFF410];
	_ =	sdelay $0x1  }
0x13a: {  	[tilespmem:v10+s20+$0x0] =	vst.idx.msk $0xffff, v11  }
0x13b: {  	v10 =	vadd.s32 $0x5618, v3;
	v11 =	vld [tilespmem:s5+$0xFFFFF420];
	[tilespmem:v5+s20+$0x0] =	vst.idx.msk $0xffff, v0  }
0x13c: {  	v5 =	vadd.s32 $0x5AA0, v4;
	[tilespmem:v6+s20+$0x0] =	vst.idx.msk $0xffff, v7;
	v0 =	vld [tilespmem:s5+$0xFFFFF830]  }
0x13d: {  	v6 =	vadd.s32 $0x5AA0, v2;
	[tilespmem:v8+s20+$0x0] =	vst.idx.msk $0xffff, v9;
	v7 =	vld [tilespmem:s5+$0xFFFFF800]  }
0x13e: {  	v8 =	vadd.s32 $0x5AA0, v1;
	v9 =	vld [tilespmem:s5+$0xFFFFF810];
	_ =	sdelay $0x1  }
0x13f: {  	[tilespmem:v10+s20+$0x0] =	vst.idx.msk $0xffff, v11  }
0x140: {  	v10 =	vadd.s32 $0x5AA0, v3;
	v11 =	vld [tilespmem:s5+$0xFFFFF820];
	[tilespmem:v5+s20+$0x0] =	vst.idx.msk $0xffff, v0  }
0x141: {  	v5 =	vadd.s32 $0x5F28, v4;
	[tilespmem:v6+s20+$0x0] =	vst.idx.msk $0xffff, v7;
	v0 =	vld [tilespmem:s5+$0xFFFFFC30]  }
0x142: {  	v6 =	vadd.s32 $0x5F28, v2;
	[tilespmem:v8+s20+$0x0] =	vst.idx.msk $0xffff, v9;
	v7 =	vld [tilespmem:s5+$0xFFFFFC00]  }
0x143: {  	v8 =	vadd.s32 $0x5F28, v1;
	v9 =	vld [tilespmem:s5+$0xFFFFFC10];
	_ =	sdelay $0x1  }
0x144: {  	[tilespmem:v10+s20+$0x0] =	vst.idx.msk $0xffff, v11  }
0x145: {  	v10 =	vadd.s32 $0x5F28, v3;
	v11 =	vld [tilespmem:s5+$0xFFFFFC20];
	[tilespmem:v5+s20+$0x0] =	vst.idx.msk $0xffff, v0  }
0x146: {  	v12 =	vadd.s32 $0x63B0, v4;
	[tilespmem:v6+s20+$0x0] =	vst.idx.msk $0xffff, v7;
	v5 =	vld [tilespmem:s5+$0x30]  }
0x147: {  	s1 =	simm.s32 $0x1B480;
	[tilespmem:v8+s20+$0x0] =	vst.idx.msk $0xffff, v9;
	v8 =	vadd.s32 $0x63B0, v2;
	v6 =	vld [tilespmem:s5+$0x0]  }
0x148: {  	v20 =	vld [tilespmem:s1+$0x0]  }
0x149: {  	v14 =	vld [tilespmem:s1+$0xFFFFFFE0]  }
0x14a: {  	[tilespmem:v10+s20+$0x0] =	vst.idx.msk $0xffff, v11;
	v0 =	vld [tilespmem:s1+$0x10]  }
0x14b: {  	v11 =	vadd.s32 $0x63B0, v1;
	v7 =	vld [tilespmem:s5+$0x10];
	[tilespmem:v12+s20+$0x0] =	vst.idx.msk $0xffff, v5  }
0x14c: {  	v9 =	vld [tilespmem:s5+$0x20];
	[tilespmem:v8+s20+$0x0] =	vst.idx.msk $0xffff, v6;
	v6 =	vadd.s32 $0x63B0, v3  }
0x14d: {  	v10 =	vadd.s32 $0x6838, v4;
	v5 =	vld [tilespmem:s5+$0x430]  }
0x14e: {  	s18 =	simm.s32 $0x5040;
	v13 =	vld [tilespmem:s1+$0xFFFFFFF0]  }
0x14f: {  	v15 =	vadd.s32 $0x5190, v0;
	v12 =	vld [tilespmem:s18+$0xFFFFF030]  }
0x150: {  	v17 =	vld [tilespmem:s18+$0xFFFFF000];
	[tilespmem:v11+s20+$0x0] =	vst.idx.msk $0xffff, v7;
	v7 =	vadd.s32 $0x5190, v14  }
0x151: {  	v16 =	vadd.s32 $0x6838, v2;
	v8 =	vld [tilespmem:s5+$0x400];
	[tilespmem:v6+s20+$0x0] =	vst.idx.msk $0xffff, v9  }
0x152: {  	v18 =	vadd.s32 $0x5190, v20;
	v9 =	vld [tilespmem:s18+$0xFFFFF020];
	[tilespmem:v10+s20+$0x0] =	vst.idx.msk $0xffff, v5  }
0x153: {  	v10 =	vadd.s32 $0x6CC0, v4;
	v5 =	vld [tilespmem:s5+$0x830]  }
0x154: {  	[tilespmem:v15+s20+$0x0] =	vst.idx.msk $0xffff, v12  }
0x155: {  	v11 =	vld [tilespmem:s18+$0xFFFFF010];
	v6 =	vadd.s32 $0x5190, v13;
	[tilespmem:v7+s20+$0x0] =	vst.idx.msk $0xffff, v17  }
0x156: {  	v19 =	vadd.s32 $0x5618, v0;
	v15 =	vld [tilespmem:s18+$0xFFFFF430];
	[tilespmem:v16+s20+$0x0] =	vst.idx.msk $0xffff, v8  }
0x157: {  	v12 =	vld [tilespmem:s5+$0x410];
	v8 =	vadd.s32 $0x6838, v1;
	[tilespmem:v18+s20+$0x0] =	vst.idx.msk $0xffff, v9  }
0x158: {  	v9 =	vadd.s32 $0x5618, v20;
	v17 =	vld [tilespmem:s18+$0xFFFFF420];
	[tilespmem:v10+s20+$0x0] =	vst.idx.msk $0xffff, v5  }
0x159: {  	v4 =	vadd.s32 $0x7148, v4;
	v5 =	vld [tilespmem:s5+$0xC30]  }
0x15a: {  	v16 =	vld [tilespmem:s18+$0xFFFFF400];
	[tilespmem:v6+s20+$0x0] =	vst.idx.msk $0xffff, v11;
	v10 =	vadd.s32 $0x5618, v14  }
0x15b: {  	v6 =	vadd.s32 $0x5618, v13;
	v11 =	vld [tilespmem:s18+$0xFFFFF410];
	[tilespmem:v19+s20+$0x0] =	vst.idx.msk $0xffff, v15  }
0x15c: {  	v7 =	vld [tilespmem:s5+$0x420];
	v15 =	vadd.s32 $0x6838, v3;
	[tilespmem:v8+s20+$0x0] =	vst.idx.msk $0xffff, v12  }
0x15d: {  	v18 =	vld [tilespmem:s5+$0x800];
	v8 =	vadd.s32 $0x6CC0, v2;
	[tilespmem:v9+s20+$0x0] =	vst.idx.msk $0xffff, v17  }
0x15e: {  	[tilespmem:v4+s20+$0x0] =	vst.idx.msk $0xffff, v5;
	v4 =	vld [tilespmem:s18+$0xFFFFF830];
	v5 =	vadd.s32 $0x5AA0, v0  }
0x15f: {  	v9 =	vadd.s32 $0x5AA0, v20;
	[tilespmem:v10+s20+$0x0] =	vst.idx.msk $0xffff, v16;
	v17 =	vld [tilespmem:s18+$0xFFFFF820]  }
0x160: {  	v12 =	vadd.s32 $0x5AA0, v14;
	[tilespmem:v6+s20+$0x0] =	vst.idx.msk $0xffff, v11;
	v16 =	vld [tilespmem:s18+$0xFFFFF800]  }
0x161: {  	v6 =	vadd.s32 $0x5AA0, v13;
	[tilespmem:v15+s20+$0x0] =	vst.idx.msk $0xffff, v7;
	v11 =	vld [tilespmem:s18+$0xFFFFF810]  }
0x162: {  	v7 =	vadd.s32 $0x6CC0, v1;
	[tilespmem:v8+s20+$0x0] =	vst.idx.msk $0xffff, v18;
	v10 =	vld [tilespmem:s5+$0x810]  }
0x163: {  	v8 =	vadd.s32 $0x6CC0, v3;
	[tilespmem:v5+s20+$0x0] =	vst.idx.msk $0xffff, v4;
	v4 =	vld [tilespmem:s5+$0x820]  }
0x164: {  	v15 =	vadd.s32 $0x5F28, v0;
	[tilespmem:v9+s20+$0x0] =	vst.idx.msk $0xffff, v17;
	v5 =	vld [tilespmem:s18+$0xFFFFFC30]  }
0x165: {  	v21 =	vadd.s32 $0x5F28, v20;
	[tilespmem:v12+s20+$0x0] =	vst.idx.msk $0xffff, v16;
	v23 =	vld [tilespmem:s18+$0xFFFFFC20]  }
0x166: {  	[tilespmem:v6+s20+$0x0] =	vst.idx.msk $0xffff, v11;
	v16 =	vadd.s32 $0x5F28, v14;
	v18 =	vld [tilespmem:s18+$0xFFFFFC00]  }
0x167: {  	v6 =	vadd.s32 $0x5F28, v13;
	[tilespmem:v7+s20+$0x0] =	vst.idx.msk $0xffff, v10;
	v19 =	vld [tilespmem:s18+$0xFFFFFC10]  }
0x168: {  	v22 =	vld [tilespmem:s5+$0xC00];
	[tilespmem:v8+s20+$0x0] =	vst.idx.msk $0xffff, v4  }
0x169: {  	v24 =	vadd.s32 $0x7148, v2;
	[tilespmem:v15+s20+$0x0] =	vst.idx.msk $0xffff, v5;
	v15 =	vld [tilespmem:s5+$0xC10]  }
0x16a: {  	v2 =	vadd.s32 $0x7148, v1;
	v1 =	vadd.s32 $0x7148, v3;
	[tilespmem:v21+s20+$0x0] =	vst.idx.msk $0xffff, v23;
	v21 =	vadd.s32 $0x63B0, v0;
	v17 =	vld [tilespmem:s18+$0x30]  }
0x16b: {  	v3 =	vadd.s32 $0x7148, v14;
	v11 =	vadd.s32 $0x63B0, v14;
	v10 =	vadd.s32 $0x63B0, v13;
	[tilespmem:v16+s20+$0x0] =	vst.idx.msk $0xffff, v18;
	v16 =	vld [tilespmem:s5+$0xC20]  }
0x16c: {  	v9 =	vadd.s32 $0x6838, v14;
	v7 =	vadd.s32 $0x6838, v20;
	v12 =	vadd.s32 $0x63B0, v20;
	[tilespmem:v6+s20+$0x0] =	vst.idx.msk $0xffff, v19;
	v18 =	vld [tilespmem:s18+$0x0]  }
0x16d: {  	v8 =	vadd.s32 $0x6838, v13;
	v4 =	vadd.s32 $0x6CC0, v14;
	v6 =	vadd.s32 $0x6CC0, v13;
	v19 =	vld [tilespmem:s18+$0x10]  }
0x16e: {  	s10 =	simm.s32 $0x4;
	s11 =	simm.s32 $0x1B4C0;
	[tilespmem:v24+s20+$0x0] =	vst.idx.msk $0xffff, v22;
	v14 =	vadd.s32 $0x7148, v13;
	v13 =	vadd.s32 $0x7148, v20;
	v5 =	vadd.s32 $0x6CC0, v20;
	v20 =	vld [tilespmem:s18+$0x20];
	s5 =	simm.s32 $0x5040  }
.LBB2_7:
0x16f: {  	v22 =	vld [tilespmem:s11+$0x10];
	[tilespmem:v21+s20+$0x0] =	vst.idx.msk $0xffff, v17  }
0x170: {  	v21 =	vadd.s32 $0x6838, v0;
	v17 =	vld [tilespmem:s18+$0x430];
	[tilespmem:v2+s20+$0x0] =	vst.idx.msk $0xffff, v15;
	v2 =	vmov v14  }
0x171: {  	s10 =	sadd.s32 $0x4, s10;
	v14 =	vld [tilespmem:s11+$0xFFFFFFF0];
	[tilespmem:v11+s20+$0x0] =	vst.idx.msk $0xffff, v18  }
0x172: {  	p2 =	slt.u32 s10, $0x3C;
	v15 =	vld [tilespmem:s11+$0x0];
	[tilespmem:v10+s20+$0x0] =	vst.idx.msk $0xffff, v19  }
0x173: {  	v18 =	vld [tilespmem:s11+$0xFFFFFFE0];
	[tilespmem:v12+s20+$0x0] =	vst.idx.msk $0xffff, v20  }
0x174: {  	s18 =	sadd.s32 $0x40, s18;
	v10 =	vld [tilespmem:s5+$0x400];
	[tilespmem:v1+s20+$0x0] =	vst.idx.msk $0xffff, v16;
	v1 =	vmov v13  }
0x175: {  	v13 =	vadd.s32 $0x5190, v22;
	v12 =	vld [tilespmem:s18+$0xFFFFF030];
	[tilespmem:v21+s20+$0x0] =	vst.idx.msk $0xffff, v17  }
0x176: {  	v20 =	vadd.s32 $0x6CC0, v0;
	v16 =	vadd.s32 $0x5190, v14;
	v17 =	vadd.s32 $0x5618, v14;
	v19 =	vld [tilespmem:s5+$0x830]  }
0x177: {  	v23 =	vadd.s32 $0x5AA0, v14;
	v21 =	vld [tilespmem:s18+$0xFFFFF000];
	v24 =	vadd.s32 $0x5190, v15;
	v25 =	vadd.s32 $0x5618, v15  }
0x178: {  	v26 =	vadd.s32 $0x5190, v18;
	v27 =	vadd.s32 $0x5618, v18;
	v28 =	vadd.s32 $0x5AA0, v18;
	v29 =	vld [tilespmem:s18+$0xFFFFF010]  }
0x179: {  	v31 =	vadd.s32 $0x5F28, v14;
	v33 =	vadd.s32 $0x5AA0, v15;
	v30 =	vadd.s32 $0x5F28, v18;
	v32 =	vld [tilespmem:s18+$0xFFFFF020];
	[tilespmem:v9+s20+$0x0] =	vst.idx.msk $0xffff, v10  }
0x17a: {  	v34 =	vadd.s32 $0x5F28, v15;
	v11 =	vadd.s32 $0x63B0, v18;
	v10 =	vadd.s32 $0x63B0, v14;
	[tilespmem:v13+s20+$0x0] =	vst.idx.msk $0xffff, v12;
	v35 =	vld [tilespmem:s5+$0x410]  }
0x17b: {  	v37 =	vadd.s32 $0x5618, v22;
	v9 =	vadd.s32 $0x6838, v18;
	v12 =	vadd.s32 $0x63B0, v15;
	v36 =	vld [tilespmem:s18+$0xFFFFF430];
	[tilespmem:v20+s20+$0x0] =	vst.idx.msk $0xffff, v19  }
0x17c: {  	v39 =	vadd.s32 $0x7148, v0;
	v0 =	vmovc v22;
	v19 =	vadd.s32 $0x6838, v14;
	v20 =	vadd.s32 $0x6838, v15;
	v38 =	vld [tilespmem:s5+$0xC30]  }
0x17d: {  	v22 =	vadd.s32 $0x6CC0, v14;
	[tilespmem:v26+s20+$0x0] =	vst.idx.msk $0xffff, v21;
	v21 =	vadd.s32 $0x6CC0, v18;
	v26 =	vadd.s32 $0x6CC0, v15;
	v40 =	vld [tilespmem:s5+$0x420]  }
0x17e: {  	v42 =	vadd.s32 $0x7148, v18;
	v13 =	vadd.s32 $0x7148, v15;
	v14 =	vadd.s32 $0x7148, v14;
	v41 =	vld [tilespmem:s18+$0xFFFFF400];
	[tilespmem:v16+s20+$0x0] =	vst.idx.msk $0xffff, v29  }
0x17f: {  	v15 =	vld [tilespmem:s18+$0xFFFFF410];
	[tilespmem:v24+s20+$0x0] =	vst.idx.msk $0xffff, v32  }
0x180: {  	v16 =	vld [tilespmem:s18+$0xFFFFF420];
	[tilespmem:v37+s20+$0x0] =	vst.idx.msk $0xffff, v36  }
0x181: {  	v18 =	vld [tilespmem:s5+$0x800];
	[tilespmem:v39+s20+$0x0] =	vst.idx.msk $0xffff, v38  }
0x182: {  	v29 =	vadd.s32 $0x5AA0, v0;
	v24 =	vld [tilespmem:s18+$0xFFFFF830];
	[tilespmem:v8+s20+$0x0] =	vst.idx.msk $0xffff, v35;
	v8 =	vmov v19  }
0x183: {  	[tilespmem:v27+s20+$0x0] =	vst.idx.msk $0xffff, v41;
	v19 =	vld [tilespmem:s5+$0x810]  }
0x184: {  	v27 =	vld [tilespmem:s18+$0xFFFFF800];
	[tilespmem:v17+s20+$0x0] =	vst.idx.msk $0xffff, v15  }
0x185: {  	v15 =	vld [tilespmem:s18+$0xFFFFF810];
	[tilespmem:v25+s20+$0x0] =	vst.idx.msk $0xffff, v16  }
0x186: {  	v16 =	vld [tilespmem:s18+$0xFFFFF820];
	[tilespmem:v7+s20+$0x0] =	vst.idx.msk $0xffff, v40;
	v7 =	vmov v20  }
0x187: {  	[tilespmem:v29+s20+$0x0] =	vst.idx.msk $0xffff, v24;
	v20 =	vld [tilespmem:s5+$0x820]  }
0x188: {  	v24 =	vadd.s32 $0x5F28, v0;
	v17 =	vld [tilespmem:s18+$0xFFFFFC30];
	[tilespmem:v4+s20+$0x0] =	vst.idx.msk $0xffff, v18;
	v4 =	vmov v21  }
0x189: {  	[tilespmem:v28+s20+$0x0] =	vst.idx.msk $0xffff, v27;
	v25 =	vld [tilespmem:s5+$0xC00]  }
0x18a: {  	v18 =	vld [tilespmem:s18+$0xFFFFFC00];
	[tilespmem:v23+s20+$0x0] =	vst.idx.msk $0xffff, v15  }
0x18b: {  	v23 =	vld [tilespmem:s18+$0xFFFFFC10];
	[tilespmem:v33+s20+$0x0] =	vst.idx.msk $0xffff, v16  }
0x18c: {  	v27 =	vld [tilespmem:s18+$0xFFFFFC20];
	[tilespmem:v6+s20+$0x0] =	vst.idx.msk $0xffff, v19;
	v6 =	vmov v22  }
0x18d: {  	[tilespmem:v24+s20+$0x0] =	vst.idx.msk $0xffff, v17;
	v15 =	vld [tilespmem:s5+$0xC10]  }
.Ltmp2:
0x18e: {  	v21 =	vadd.s32 $0x63B0, v0;
	v17 =	vld [tilespmem:s18+$0x30];
	[tilespmem:v5+s20+$0x0] =	vst.idx.msk $0xffff, v20;
	v5 =	vmov v26;
	(pc) =	sbr.rel @p2 .LBB2_7-.Ltmp2, $4  }
0x18f: {  	[tilespmem:v30+s20+$0x0] =	vst.idx.msk $0xffff, v18;
	v16 =	vld [tilespmem:s5+$0xC20];
	s5 =	smov.u32 s18  }
0x190: {  	v18 =	vld [tilespmem:s18+$0x0];
	[tilespmem:v31+s20+$0x0] =	vst.idx.msk $0xffff, v23  }
0x191: {  	v19 =	vld [tilespmem:s18+$0x10];
	[tilespmem:v34+s20+$0x0] =	vst.idx.msk $0xffff, v27  }
0x192: {  	s11 =	sadd.s32 $0x40, s11;
	v20 =	vld [tilespmem:s18+$0x20];
	[tilespmem:v3+s20+$0x0] =	vst.idx.msk $0xffff, v25;
	v3 =	vmov v42  }
0x193: {  	_ =	sdelay $0x3  }
0x194: {  	[tilespmem:v21+s20+$0x0] =	vst.idx.msk $0xffff, v17  }
0x195: {  	v21 =	vadd.s32 $0x6838, v0;
	v17 =	vld [tilespmem:s18+$0x430];
	[tilespmem:v11+s20+$0x0] =	vst.idx.msk $0xffff, v18  }
0x196: {  	[tilespmem:v10+s20+$0x0] =	vst.idx.msk $0xffff, v19;
	v10 =	vld [tilespmem:s5+$0x400]  }
0x197: {  	[tilespmem:v12+s20+$0x0] =	vst.idx.msk $0xffff, v20;
	v11 =	vld [tilespmem:s5+$0x410]  }
0x198: {  	v12 =	vld [tilespmem:s5+$0x420];
	_ =	sdelay $0x1  }
0x199: {  	[tilespmem:v21+s20+$0x0] =	vst.idx.msk $0xffff, v17  }
0x19a: {  	v18 =	vadd.s32 $0x6CC0, v0;
	v17 =	vld [tilespmem:s5+$0x830];
	[tilespmem:v9+s20+$0x0] =	vst.idx.msk $0xffff, v10  }
0x19b: {  	v9 =	vld [tilespmem:s5+$0x800];
	[tilespmem:v8+s20+$0x0] =	vst.idx.msk $0xffff, v11  }
0x19c: {  	v8 =	vld [tilespmem:s5+$0x810];
	[tilespmem:v7+s20+$0x0] =	vst.idx.msk $0xffff, v12  }
0x19d: {  	v7 =	vld [tilespmem:s5+$0x820];
	_ =	sdelay $0x1  }
0x19e: {  	[tilespmem:v18+s20+$0x0] =	vst.idx.msk $0xffff, v17  }
0x19f: {  	v0 =	vadd.s32 $0x7148, v0;
	v10 =	vld [tilespmem:s5+$0xC30];
	[tilespmem:v4+s20+$0x0] =	vst.idx.msk $0xffff, v9  }
0x1a0: {  	v4 =	vld [tilespmem:s5+$0xC00];
	[tilespmem:v6+s20+$0x0] =	vst.idx.msk $0xffff, v8  }
0x1a1: {  	v6 =	vld [tilespmem:s5+$0xC10];
	[tilespmem:v5+s20+$0x0] =	vst.idx.msk $0xffff, v7  }
0x1a2: {  	[tilespmem:v2+s20+$0x0] =	vst.idx.msk $0xffff, v15;
	v2 =	vld [tilespmem:s5+$0xC20]  }
0x1a3: {  	[tilespmem:v1+s20+$0x0] =	vst.idx.msk $0xffff, v16  }
0x1a4: {  	[tilespmem:v0+s20+$0x0] =	vst.idx.msk $0xffff, v10  }
0x1a5: {  	[tilespmem:v3+s20+$0x0] =	vst.idx.msk $0xffff, v4  }
0x1a6: {  	[tilespmem:v14+s20+$0x0] =	vst.idx.msk $0xffff, v6  }
0x1a7: {  	[tilespmem:v13+s20+$0x0] =	vst.idx.msk $0xffff, v2  }
0x1a8: {  	v4 =	vld [tilespmem:s0+$0x10]  }
0x1a9: {  	v2 =	vld [tilespmem:s0+$0xFFFFFFE0]  }
0x1aa: {  	v1 =	vld [tilespmem:s0+$0xFFFFFFF0];
	_ =	sdelay $0x1  }
0x1ab: {  	s18 =	simm.s32 $0x7C30;
	v3 =	vld [tilespmem:s0+$0x0]  }
0x1ac: {  	v0 =	vld [tilespmem:s18+$0xFFFFE400];
	v5 =	vadd.s32 $0x75D0, v4  }
0x1ad: {  	v6 =	vld [tilespmem:s18+$0xFFFFE3D0];
	v7 =	vadd.s32 $0x75D0, v2  }
0x1ae: {  	v9 =	vld [tilespmem:s18+$0xFFFFE3E0];
	v8 =	vadd.s32 $0x75D0, v1;
	_ =	sdelay $0x2  }
0x1af: {  	v11 =	vld [tilespmem:s18+$0xFFFFE3F0];
	v10 =	vadd.s32 $0x75D0, v3;
	[tilespmem:v5+s20+$0x0] =	vst.idx.msk $0xffff, v0  }
0x1b0: {  	v5 =	vadd.s32 $0x7A58, v4;
	[tilespmem:v7+s20+$0x0] =	vst.idx.msk $0xffff, v6;
	v0 =	vld [tilespmem:s18+$0xFFFFE800]  }
0x1b1: {  	v6 =	vadd.s32 $0x7A58, v2;
	[tilespmem:v8+s20+$0x0] =	vst.idx.msk $0xffff, v9;
	v7 =	vld [tilespmem:s18+$0xFFFFE7D0]  }
0x1b2: {  	v8 =	vadd.s32 $0x7A58, v1;
	v9 =	vld [tilespmem:s18+$0xFFFFE7E0];
	_ =	sdelay $0x1  }
0x1b3: {  	[tilespmem:v10+s20+$0x0] =	vst.idx.msk $0xffff, v11  }
0x1b4: {  	v10 =	vadd.s32 $0x7A58, v3;
	v11 =	vld [tilespmem:s18+$0xFFFFE7F0];
	[tilespmem:v5+s20+$0x0] =	vst.idx.msk $0xffff, v0  }
0x1b5: {  	v5 =	vadd.s32 $0x7EE0, v4;
	[tilespmem:v6+s20+$0x0] =	vst.idx.msk $0xffff, v7;
	v0 =	vld [tilespmem:s18+$0xFFFFEC00]  }
0x1b6: {  	v6 =	vadd.s32 $0x7EE0, v2;
	[tilespmem:v8+s20+$0x0] =	vst.idx.msk $0xffff, v9;
	v7 =	vld [tilespmem:s18+$0xFFFFEBD0]  }
0x1b7: {  	v8 =	vadd.s32 $0x7EE0, v1;
	v9 =	vld [tilespmem:s18+$0xFFFFEBE0];
	_ =	sdelay $0x1  }
0x1b8: {  	[tilespmem:v10+s20+$0x0] =	vst.idx.msk $0xffff, v11  }
0x1b9: {  	v10 =	vadd.s32 $0x7EE0, v3;
	v11 =	vld [tilespmem:s18+$0xFFFFEBF0];
	[tilespmem:v5+s20+$0x0] =	vst.idx.msk $0xffff, v0  }
0x1ba: {  	v5 =	vadd.s32 $0x8368, v4;
	[tilespmem:v6+s20+$0x0] =	vst.idx.msk $0xffff, v7;
	v0 =	vld [tilespmem:s18+$0xFFFFF000]  }
0x1bb: {  	v6 =	vadd.s32 $0x8368, v2;
	[tilespmem:v8+s20+$0x0] =	vst.idx.msk $0xffff, v9;
	v7 =	vld [tilespmem:s18+$0xFFFFEFD0]  }
0x1bc: {  	v8 =	vadd.s32 $0x8368, v1;
	v9 =	vld [tilespmem:s18+$0xFFFFEFE0];
	_ =	sdelay $0x1  }
0x1bd: {  	[tilespmem:v10+s20+$0x0] =	vst.idx.msk $0xffff, v11  }
0x1be: {  	v10 =	vadd.s32 $0x8368, v3;
	v11 =	vld [tilespmem:s18+$0xFFFFEFF0];
	[tilespmem:v5+s20+$0x0] =	vst.idx.msk $0xffff, v0  }
0x1bf: {  	v12 =	vadd.s32 $0x87F0, v4;
	[tilespmem:v6+s20+$0x0] =	vst.idx.msk $0xffff, v7;
	v5 =	vld [tilespmem:s18+$0xFFFFF400]  }
0x1c0: {  	[tilespmem:v8+s20+$0x0] =	vst.idx.msk $0xffff, v9;
	v8 =	vadd.s32 $0x87F0, v2;
	v6 =	vld [tilespmem:s18+$0xFFFFF3D0];
	_ =	sdelay $0x1  }
0x1c1: {  	v14 =	vld [tilespmem:s1+$0xFFFFFFF0]  }
0x1c2: {  	[tilespmem:v10+s20+$0x0] =	vst.idx.msk $0xffff, v11;
	v0 =	vld [tilespmem:s1+$0x10]  }
0x1c3: {  	v11 =	vadd.s32 $0x87F0, v1;
	v7 =	vld [tilespmem:s18+$0xFFFFF3E0];
	[tilespmem:v12+s20+$0x0] =	vst.idx.msk $0xffff, v5  }
0x1c4: {  	v9 =	vld [tilespmem:s18+$0xFFFFF3F0];
	[tilespmem:v8+s20+$0x0] =	vst.idx.msk $0xffff, v6;
	v6 =	vadd.s32 $0x87F0, v3  }
0x1c5: {  	v10 =	vadd.s32 $0x8C78, v4;
	v5 =	vld [tilespmem:s18+$0xFFFFF800]  }
0x1c6: {  	v20 =	vld [tilespmem:s1+$0x0]  }
0x1c7: {  	v19 =	vld [tilespmem:s1+$0xFFFFFFE0];
	s0 =	simm.s32 $0x7C70  }
0x1c8: {  	v13 =	vadd.s32 $0x75D0, v0;
	v12 =	vld [tilespmem:s0+$0xFFFFE400];
	[tilespmem:v11+s20+$0x0] =	vst.idx.msk $0xffff, v7  }
0x1c9: {  	v15 =	vadd.s32 $0x8C78, v2;
	v8 =	vld [tilespmem:s18+$0xFFFFF7D0];
	[tilespmem:v6+s20+$0x0] =	vst.idx.msk $0xffff, v9  }
0x1ca: {  	v11 =	vld [tilespmem:s0+$0xFFFFE3E0];
	v6 =	vadd.s32 $0x75D0, v14;
	[tilespmem:v10+s20+$0x0] =	vst.idx.msk $0xffff, v5  }
0x1cb: {  	v10 =	vadd.s32 $0x9100, v4;
	v5 =	vld [tilespmem:s18+$0xFFFFFC00]  }
0x1cc: {  	v16 =	vld [tilespmem:s0+$0xFFFFE3D0];
	v7 =	vadd.s32 $0x75D0, v19  }
0x1cd: {  	v17 =	vadd.s32 $0x75D0, v20;
	v9 =	vld [tilespmem:s0+$0xFFFFE3F0];
	[tilespmem:v13+s20+$0x0] =	vst.idx.msk $0xffff, v12  }
0x1ce: {  	v18 =	vadd.s32 $0x7A58, v0;
	v13 =	vld [tilespmem:s0+$0xFFFFE800];
	[tilespmem:v15+s20+$0x0] =	vst.idx.msk $0xffff, v8  }
0x1cf: {  	v12 =	vld [tilespmem:s18+$0xFFFFF7E0];
	v8 =	vadd.s32 $0x8C78, v1;
	[tilespmem:v6+s20+$0x0] =	vst.idx.msk $0xffff, v11  }
0x1d0: {  	v6 =	vadd.s32 $0x7A58, v14;
	v11 =	vld [tilespmem:s0+$0xFFFFE7E0];
	[tilespmem:v10+s20+$0x0] =	vst.idx.msk $0xffff, v5  }
0x1d1: {  	[tilespmem:v7+s20+$0x0] =	vst.idx.msk $0xffff, v16;
	v4 =	vadd.s32 $0x9588, v4;
	v5 =	vld [tilespmem:s18+$0x0]  }
0x1d2: {  	v15 =	vld [tilespmem:s0+$0xFFFFE7D0];
	[tilespmem:v17+s20+$0x0] =	vst.idx.msk $0xffff, v9;
	v10 =	vadd.s32 $0x7A58, v19  }
0x1d3: {  	v9 =	vadd.s32 $0x7A58, v20;
	v16 =	vld [tilespmem:s0+$0xFFFFE7F0];
	[tilespmem:v18+s20+$0x0] =	vst.idx.msk $0xffff, v13  }
0x1d4: {  	v7 =	vld [tilespmem:s18+$0xFFFFF7F0];
	v13 =	vadd.s32 $0x8C78, v3;
	[tilespmem:v8+s20+$0x0] =	vst.idx.msk $0xffff, v12  }
0x1d5: {  	v17 =	vld [tilespmem:s18+$0xFFFFFBD0];
	v8 =	vadd.s32 $0x9100, v2;
	[tilespmem:v6+s20+$0x0] =	vst.idx.msk $0xffff, v11  }
0x1d6: {  	[tilespmem:v4+s20+$0x0] =	vst.idx.msk $0xffff, v5;
	v4 =	vld [tilespmem:s0+$0xFFFFEC00];
	v5 =	vadd.s32 $0x7EE0, v0  }
0x1d7: {  	v6 =	vadd.s32 $0x7EE0, v14;
	[tilespmem:v10+s20+$0x0] =	vst.idx.msk $0xffff, v15;
	v11 =	vld [tilespmem:s0+$0xFFFFEBE0]  }
0x1d8: {  	v12 =	vadd.s32 $0x7EE0, v19;
	[tilespmem:v9+s20+$0x0] =	vst.idx.msk $0xffff, v16;
	v15 =	vld [tilespmem:s0+$0xFFFFEBD0]  }
0x1d9: {  	v9 =	vadd.s32 $0x7EE0, v20;
	[tilespmem:v13+s20+$0x0] =	vst.idx.msk $0xffff, v7;
	v16 =	vld [tilespmem:s0+$0xFFFFEBF0]  }
0x1da: {  	v7 =	vadd.s32 $0x9100, v1;
	[tilespmem:v8+s20+$0x0] =	vst.idx.msk $0xffff, v17;
	v10 =	vld [tilespmem:s18+$0xFFFFFBE0]  }
0x1db: {  	v8 =	vadd.s32 $0x9100, v3;
	[tilespmem:v5+s20+$0x0] =	vst.idx.msk $0xffff, v4;
	v4 =	vld [tilespmem:s18+$0xFFFFFBF0]  }
0x1dc: {  	v13 =	vadd.s32 $0x8368, v0;
	[tilespmem:v6+s20+$0x0] =	vst.idx.msk $0xffff, v11;
	v5 =	vld [tilespmem:s0+$0xFFFFF000]  }
0x1dd: {  	v21 =	vadd.s32 $0x8368, v14;
	[tilespmem:v12+s20+$0x0] =	vst.idx.msk $0xffff, v15;
	v23 =	vld [tilespmem:s0+$0xFFFFEFE0]  }
0x1de: {  	[tilespmem:v9+s20+$0x0] =	vst.idx.msk $0xffff, v16;
	v15 =	vadd.s32 $0x8368, v19;
	v18 =	vld [tilespmem:s0+$0xFFFFEFD0]  }
0x1df: {  	v22 =	vld [tilespmem:s18+$0xFFFFFFD0];
	[tilespmem:v7+s20+$0x0] =	vst.idx.msk $0xffff, v10  }
0x1e0: {  	v24 =	vadd.s32 $0x8368, v20;
	v25 =	vld [tilespmem:s0+$0xFFFFEFF0];
	[tilespmem:v8+s20+$0x0] =	vst.idx.msk $0xffff, v4  }
0x1e1: {  	v26 =	vadd.s32 $0x9588, v2;
	v16 =	vld [tilespmem:s18+$0xFFFFFFE0];
	[tilespmem:v13+s20+$0x0] =	vst.idx.msk $0xffff, v5  }
0x1e2: {  	v2 =	vadd.s32 $0x9588, v1;
	v1 =	vadd.s32 $0x9588, v3;
	[tilespmem:v21+s20+$0x0] =	vst.idx.msk $0xffff, v23;
	v21 =	vadd.s32 $0x87F0, v0;
	v17 =	vld [tilespmem:s0+$0xFFFFF400]  }
0x1e3: {  	v3 =	vadd.s32 $0x9588, v19;
	v11 =	vadd.s32 $0x87F0, v14;
	v9 =	vadd.s32 $0x8C78, v19;
	[tilespmem:v15+s20+$0x0] =	vst.idx.msk $0xffff, v18;
	v15 =	vld [tilespmem:s18+$0xFFFFFFF0]  }
0x1e4: {  	v7 =	vadd.s32 $0x8C78, v20;
	v6 =	vadd.s32 $0x9100, v19;
	v12 =	vadd.s32 $0x87F0, v19;
	v18 =	vld [tilespmem:s0+$0xFFFFF3D0]  }
0x1e5: {  	v10 =	vadd.s32 $0x9588, v20;
	v8 =	vadd.s32 $0x8C78, v14;
	v4 =	vadd.s32 $0x9100, v20;
	[tilespmem:v24+s20+$0x0] =	vst.idx.msk $0xffff, v25;
	v19 =	vld [tilespmem:s0+$0xFFFFF3E0]  }
0x1e6: {  	s10 =	simm.s32 $0x1B4C0;
	s5 =	simm.s32 $0x4;
	s1 =	simm.s32 $0x7C70;
	[tilespmem:v26+s20+$0x0] =	vst.idx.msk $0xffff, v22;
	v13 =	vadd.s32 $0x87F0, v20;
	v5 =	vadd.s32 $0x9100, v14;
	v14 =	vadd.s32 $0x9588, v14;
	v20 =	vld [tilespmem:s0+$0xFFFFF3F0]  }
.LBB2_9:
0x1e7: {  	v22 =	vld [tilespmem:s10+$0x10];
	[tilespmem:v21+s20+$0x0] =	vst.idx.msk $0xffff, v17  }
0x1e8: {  	v21 =	vadd.s32 $0x8C78, v0;
	v17 =	vld [tilespmem:s0+$0xFFFFF800];
	[tilespmem:v2+s20+$0x0] =	vst.idx.msk $0xffff, v16;
	v2 =	vmov v14  }
0x1e9: {  	s5 =	sadd.s32 $0x4, s5;
	v14 =	vld [tilespmem:s10+$0xFFFFFFF0];
	[tilespmem:v12+s20+$0x0] =	vst.idx.msk $0xffff, v18  }
0x1ea: {  	p2 =	slt.u32 s5, $0x3C;
	v16 =	vld [tilespmem:s10+$0x0];
	[tilespmem:v11+s20+$0x0] =	vst.idx.msk $0xffff, v19  }
0x1eb: {  	v18 =	vld [tilespmem:s10+$0xFFFFFFE0];
	[tilespmem:v13+s20+$0x0] =	vst.idx.msk $0xffff, v20  }
0x1ec: {  	s0 =	sadd.s32 $0x40, s0;
	v11 =	vld [tilespmem:s1+$0xFFFFF7D0];
	[tilespmem:v1+s20+$0x0] =	vst.idx.msk $0xffff, v15;
	v1 =	vmov v10  }
0x1ed: {  	v13 =	vadd.s32 $0x75D0, v22;
	v10 =	vld [tilespmem:s0+$0xFFFFE400];
	[tilespmem:v21+s20+$0x0] =	vst.idx.msk $0xffff, v17  }
0x1ee: {  	v20 =	vadd.s32 $0x9100, v0;
	v15 =	vadd.s32 $0x75D0, v14;
	v17 =	vadd.s32 $0x7A58, v14;
	v19 =	vld [tilespmem:s1+$0xFFFFFC00]  }
0x1ef: {  	v23 =	vadd.s32 $0x7EE0, v14;
	v21 =	vld [tilespmem:s0+$0xFFFFE3D0];
	v24 =	vadd.s32 $0x75D0, v16;
	v25 =	vadd.s32 $0x7A58, v16  }
0x1f0: {  	v26 =	vadd.s32 $0x75D0, v18;
	v27 =	vadd.s32 $0x7A58, v18;
	v28 =	vadd.s32 $0x7EE0, v18;
	v29 =	vld [tilespmem:s0+$0xFFFFE3E0]  }
0x1f1: {  	v31 =	vadd.s32 $0x8368, v14;
	v33 =	vadd.s32 $0x7EE0, v16;
	v30 =	vadd.s32 $0x8368, v18;
	v32 =	vld [tilespmem:s0+$0xFFFFE3F0];
	[tilespmem:v9+s20+$0x0] =	vst.idx.msk $0xffff, v11  }
0x1f2: {  	v34 =	vadd.s32 $0x8368, v16;
	v12 =	vadd.s32 $0x87F0, v18;
	v11 =	vadd.s32 $0x87F0, v14;
	[tilespmem:v13+s20+$0x0] =	vst.idx.msk $0xffff, v10;
	v35 =	vld [tilespmem:s1+$0xFFFFF7E0]  }
0x1f3: {  	v37 =	vadd.s32 $0x7A58, v22;
	v9 =	vadd.s32 $0x8C78, v18;
	v13 =	vadd.s32 $0x87F0, v16;
	v36 =	vld [tilespmem:s0+$0xFFFFE800];
	[tilespmem:v20+s20+$0x0] =	vst.idx.msk $0xffff, v19  }
0x1f4: {  	v39 =	vadd.s32 $0x9588, v0;
	v0 =	vmovc v22;
	v19 =	vadd.s32 $0x8C78, v14;
	v20 =	vadd.s32 $0x8C78, v16;
	v38 =	vld [tilespmem:s1+$0x0]  }
0x1f5: {  	v22 =	vadd.s32 $0x9100, v14;
	[tilespmem:v26+s20+$0x0] =	vst.idx.msk $0xffff, v21;
	v21 =	vadd.s32 $0x9100, v18;
	v26 =	vadd.s32 $0x9100, v16;
	v40 =	vld [tilespmem:s1+$0xFFFFF7F0]  }
0x1f6: {  	v42 =	vadd.s32 $0x9588, v18;
	v10 =	vadd.s32 $0x9588, v16;
	v14 =	vadd.s32 $0x9588, v14;
	v41 =	vld [tilespmem:s0+$0xFFFFE7D0];
	[tilespmem:v15+s20+$0x0] =	vst.idx.msk $0xffff, v29  }
0x1f7: {  	v15 =	vld [tilespmem:s0+$0xFFFFE7E0];
	[tilespmem:v24+s20+$0x0] =	vst.idx.msk $0xffff, v32  }
0x1f8: {  	v16 =	vld [tilespmem:s0+$0xFFFFE7F0];
	[tilespmem:v37+s20+$0x0] =	vst.idx.msk $0xffff, v36  }
0x1f9: {  	v18 =	vld [tilespmem:s1+$0xFFFFFBD0];
	[tilespmem:v39+s20+$0x0] =	vst.idx.msk $0xffff, v38  }
0x1fa: {  	v29 =	vadd.s32 $0x7EE0, v0;
	v24 =	vld [tilespmem:s0+$0xFFFFEC00];
	[tilespmem:v8+s20+$0x0] =	vst.idx.msk $0xffff, v35;
	v8 =	vmov v19  }
0x1fb: {  	[tilespmem:v27+s20+$0x0] =	vst.idx.msk $0xffff, v41;
	v19 =	vld [tilespmem:s1+$0xFFFFFBE0]  }
0x1fc: {  	v27 =	vld [tilespmem:s0+$0xFFFFEBD0];
	[tilespmem:v17+s20+$0x0] =	vst.idx.msk $0xffff, v15  }
0x1fd: {  	v15 =	vld [tilespmem:s0+$0xFFFFEBE0];
	[tilespmem:v25+s20+$0x0] =	vst.idx.msk $0xffff, v16  }
0x1fe: {  	v16 =	vld [tilespmem:s0+$0xFFFFEBF0];
	[tilespmem:v7+s20+$0x0] =	vst.idx.msk $0xffff, v40;
	v7 =	vmov v20  }
0x1ff: {  	[tilespmem:v29+s20+$0x0] =	vst.idx.msk $0xffff, v24;
	v20 =	vld [tilespmem:s1+$0xFFFFFBF0]  }
0x200: {  	v24 =	vadd.s32 $0x8368, v0;
	v17 =	vld [tilespmem:s0+$0xFFFFF000];
	[tilespmem:v6+s20+$0x0] =	vst.idx.msk $0xffff, v18;
	v6 =	vmov v21  }
0x201: {  	[tilespmem:v28+s20+$0x0] =	vst.idx.msk $0xffff, v27;
	v25 =	vld [tilespmem:s1+$0xFFFFFFD0]  }
0x202: {  	v18 =	vld [tilespmem:s0+$0xFFFFEFD0];
	[tilespmem:v23+s20+$0x0] =	vst.idx.msk $0xffff, v15  }
0x203: {  	v23 =	vld [tilespmem:s0+$0xFFFFEFE0];
	[tilespmem:v33+s20+$0x0] =	vst.idx.msk $0xffff, v16  }
0x204: {  	v27 =	vld [tilespmem:s0+$0xFFFFEFF0];
	[tilespmem:v5+s20+$0x0] =	vst.idx.msk $0xffff, v19;
	v5 =	vmov v22  }
0x205: {  	[tilespmem:v24+s20+$0x0] =	vst.idx.msk $0xffff, v17;
	v16 =	vld [tilespmem:s1+$0xFFFFFFE0]  }
.Ltmp3:
0x206: {  	v21 =	vadd.s32 $0x87F0, v0;
	v17 =	vld [tilespmem:s0+$0xFFFFF400];
	[tilespmem:v4+s20+$0x0] =	vst.idx.msk $0xffff, v20;
	v4 =	vmov v26;
	(pc) =	sbr.rel @p2 .LBB2_9-.Ltmp3, $4  }
0x207: {  	[tilespmem:v30+s20+$0x0] =	vst.idx.msk $0xffff, v18;
	v15 =	vld [tilespmem:s1+$0xFFFFFFF0];
	s1 =	smov.u32 s0  }
0x208: {  	v18 =	vld [tilespmem:s0+$0xFFFFF3D0];
	[tilespmem:v31+s20+$0x0] =	vst.idx.msk $0xffff, v23  }
0x209: {  	v19 =	vld [tilespmem:s0+$0xFFFFF3E0];
	[tilespmem:v34+s20+$0x0] =	vst.idx.msk $0xffff, v27  }
0x20a: {  	s10 =	sadd.s32 $0x40, s10;
	v20 =	vld [tilespmem:s0+$0xFFFFF3F0];
	[tilespmem:v3+s20+$0x0] =	vst.idx.msk $0xffff, v25;
	v3 =	vmov v42  }
0x20b: {  	_ =	sdelay $0x3  }
0x20c: {  	[tilespmem:v21+s20+$0x0] =	vst.idx.msk $0xffff, v17  }
0x20d: {  	v21 =	vadd.s32 $0x8C78, v0;
	v17 =	vld [tilespmem:s0+$0xFFFFF800];
	[tilespmem:v12+s20+$0x0] =	vst.idx.msk $0xffff, v18  }
0x20e: {  	[tilespmem:v11+s20+$0x0] =	vst.idx.msk $0xffff, v19;
	v11 =	vld [tilespmem:s1+$0xFFFFF7D0]  }
0x20f: {  	[tilespmem:v13+s20+$0x0] =	vst.idx.msk $0xffff, v20;
	v12 =	vld [tilespmem:s1+$0xFFFFF7E0]  }
0x210: {  	v13 =	vld [tilespmem:s1+$0xFFFFF7F0];
	_ =	sdelay $0x1  }
0x211: {  	[tilespmem:v21+s20+$0x0] =	vst.idx.msk $0xffff, v17  }
0x212: {  	v18 =	vadd.s32 $0x9100, v0;
	v17 =	vld [tilespmem:s1+$0xFFFFFC00];
	[tilespmem:v9+s20+$0x0] =	vst.idx.msk $0xffff, v11  }
0x213: {  	v9 =	vld [tilespmem:s1+$0xFFFFFBD0];
	[tilespmem:v8+s20+$0x0] =	vst.idx.msk $0xffff, v12  }
0x214: {  	v8 =	vld [tilespmem:s1+$0xFFFFFBE0];
	[tilespmem:v7+s20+$0x0] =	vst.idx.msk $0xffff, v13  }
0x215: {  	v7 =	vld [tilespmem:s1+$0xFFFFFBF0];
	_ =	sdelay $0x1  }
0x216: {  	s18 =	sor.u32 s15, s30;
	[tilespmem:v18+s20+$0x0] =	vst.idx.msk $0xffff, v17  }
0x217: {  	s5 =	simm.s32 $0x1;
	p2 =	sgt.u32 s18, $0x4;
	v0 =	vadd.s32 $0x9588, v0;
	v11 =	vld [tilespmem:s1+$0x0];
	[tilespmem:v6+s20+$0x0] =	vst.idx.msk $0xffff, v9  }
0x218: {  	s10 =	simm.s32 $0x1;
	s5 =	simm.s32 @!p2 $0x0;
	p2 =	sgt.u32 s18, $0xE;
	v6 =	vld [tilespmem:s1+$0xFFFFFFD0];
	[tilespmem:v5+s20+$0x0] =	vst.idx.msk $0xffff, v8  }
0x219: {  	s0 =	sor.u32 s5, s18;
	s10 =	simm.s32 @!p2 $0x0;
	v5 =	vld [tilespmem:s1+$0xFFFFFFE0];
	[tilespmem:v4+s20+$0x0] =	vst.idx.msk $0xffff, v7  }
0x21a: {  	[tilespmem:v2+s20+$0x0] =	vst.idx.msk $0xffff, v16;
	s0 =	sadd.s32 s10, s0;
	v2 =	vld [tilespmem:s1+$0xFFFFFFF0]  }
0x21b: {  	[tilespmem:v1+s20+$0x0] =	vst.idx.msk $0xffff, v15;
	s0 =	smul.u32 $0x9A10, s0  }
0x21c: {  	[tilespmem:v0+s20+$0x0] =	vst.idx.msk $0xffff, v11  }
0x21d: {  	s0 =	sadd.s32 s6, s0;
	[tilespmem:v3+s20+$0x0] =	vst.idx.msk $0xffff, v6  }
0x21e: {  	s0 =	sshrl.u32 s0, $0x3;
	[tilespmem:v14+s20+$0x0] =	vst.idx.msk $0xffff, v5  }
0x21f: {  	s0 =	sadd.s32 s2, s0;
	[tilespmem:v10+s20+$0x0] =	vst.idx.msk $0xffff, v2  }
0x220: {  	[hbm4b:s0+s3] =	stream.linear.scatter [tilespmem:s20], [sflag:$0x3], $0x9A10, $0x38;
	[tilespmem:$0x1B820] =	vst v63  }
0x221: {  	_ =	swait.ge [sflag:s8], $0x4000  }
0x222: {  	[sflag:s8] =	ssyncset.done $0x0  }
0x223: {  	s30 =	sadd.s32 s31, s14;
	s0 =	simm.s32 @!p1 $0x4;
	[sflag:s8] =	ssyncadd.s32 $0xFFFFC000  }
0x224: {  	[tilespmem:s22], [sflag:$0x2] =	stream.linear.gather [hbm4b:s30+s3], $0x4000, $0x38;
	[tilespmem:$0x1B820] =	vst v63  }
0x225: {  	_ =	swait.ge @!p1 [sflag:s0], $0x9A10  }
0x226: {  	[sflag:s0] =	ssyncset.done @!p1 $0x0  }
0x227: {  	s1 =	simm.s32 $0x1B440;
	[sflag:s0] =	ssyncadd.s32 @!p1 $0xFFFF65F0  }
0x228: {  	v4 =	vld [tilespmem:s1+$0x10]  }
0x229: {  	s31 =	simm.s32 $0x1000  }
0x22a: {  	v0 =	vld [tilespmem:s31+$0xFFFFF030]  }
0x22b: {  	v1 =	vld [tilespmem:s1+$0xFFFFFFF0]  }
0x22c: {  	v2 =	vld [tilespmem:s1+$0xFFFFFFE0]  }
0x22d: {  	v3 =	vld [tilespmem:s1+$0x0]  }
0x22e: {  	v5 =	vld [tilespmem:s31+$0xFFFFF010]  }
0x22f: {  	v6 =	vld [tilespmem:s31+$0xFFFFF000]  }
0x230: {  	[tilespmem:v4+s21+$0x0] =	vst.idx.msk $0xffff, v0  }
0x231: {  	v7 =	vadd.s32 $0x488, v4;
	v0 =	vld [tilespmem:s31+$0xFFFFF430]  }
0x232: {  	v8 =	vld [tilespmem:s31+$0xFFFFF020]  }
0x233: {  	[tilespmem:v1+s21+$0x0] =	vst.idx.msk $0xffff, v5  }
0x234: {  	v5 =	vadd.s32 $0x488, v1;
	[tilespmem:v2+s21+$0x0] =	vst.idx.msk $0xffff, v6;
	v6 =	vld [tilespmem:s31+$0xFFFFF410]  }
0x235: {  	v9 =	vadd.s32 $0x488, v2;
	v10 =	vld [tilespmem:s31+$0xFFFFF400]  }
0x236: {  	[tilespmem:v7+s21+$0x0] =	vst.idx.msk $0xffff, v0  }
0x237: {  	[tilespmem:v3+s21+$0x0] =	vst.idx.msk $0xffff, v8;
	v7 =	vadd.s32 $0x910, v4;
	v0 =	vld [tilespmem:s31+$0xFFFFF830]  }
0x238: {  	v8 =	vadd.s32 $0x488, v3;
	v11 =	vld [tilespmem:s31+$0xFFFFF420]  }
0x239: {  	[tilespmem:v5+s21+$0x0] =	vst.idx.msk $0xffff, v6  }
0x23a: {  	v5 =	vadd.s32 $0x910, v1;
	[tilespmem:v9+s21+$0x0] =	vst.idx.msk $0xffff, v10;
	v6 =	vld [tilespmem:s31+$0xFFFFF810]  }
0x23b: {  	v9 =	vadd.s32 $0x910, v2;
	v10 =	vld [tilespmem:s31+$0xFFFFF800]  }
0x23c: {  	[tilespmem:v7+s21+$0x0] =	vst.idx.msk $0xffff, v0  }
0x23d: {  	[tilespmem:v8+s21+$0x0] =	vst.idx.msk $0xffff, v11;
	v7 =	vadd.s32 $0xD98, v4;
	v0 =	vld [tilespmem:s31+$0xFFFFFC30]  }
0x23e: {  	s0 =	simm.s32 $0x1B480;
	v8 =	vadd.s32 $0x910, v3;
	v11 =	vld [tilespmem:s31+$0xFFFFF820]  }
0x23f: {  	v12 =	vld [tilespmem:s0+$0xFFFFFFF0];
	[tilespmem:v5+s21+$0x0] =	vst.idx.msk $0xffff, v6  }
0x240: {  	v5 =	vadd.s32 $0xD98, v1;
	[tilespmem:v9+s21+$0x0] =	vst.idx.msk $0xffff, v10;
	v6 =	vld [tilespmem:s31+$0xFFFFFC10]  }
0x241: {  	v9 =	vadd.s32 $0xD98, v2;
	v10 =	vld [tilespmem:s31+$0xFFFFFC00]  }
0x242: {  	v20 =	vld [tilespmem:s0+$0x0];
	[tilespmem:v7+s21+$0x0] =	vst.idx.msk $0xffff, v0  }
0x243: {  	[tilespmem:v8+s21+$0x0] =	vst.idx.msk $0xffff, v11;
	v7 =	vadd.s32 $0x1220, v4;
	v0 =	vld [tilespmem:s31+$0x30]  }
0x244: {  	v8 =	vadd.s32 $0xD98, v3;
	v11 =	vld [tilespmem:s31+$0xFFFFFC20]  }
0x245: {  	v19 =	vld [tilespmem:s0+$0xFFFFFFE0];
	[tilespmem:v5+s21+$0x0] =	vst.idx.msk $0xffff, v6  }
0x246: {  	s18 =	simm.s32 $0x1040;
	[tilespmem:v9+s21+$0x0] =	vst.idx.msk $0xffff, v10;
	v10 =	vadd.s32 $0x1220, v1;
	v5 =	vld [tilespmem:s31+$0x10]  }
0x247: {  	v15 =	vld [tilespmem:s18+$0xFFFFF000]  }
0x248: {  	v6 =	vld [tilespmem:s31+$0x0];
	[tilespmem:v7+s21+$0x0] =	vst.idx.msk $0xffff, v0  }
0x249: {  	[tilespmem:v8+s21+$0x0] =	vst.idx.msk $0xffff, v11;
	v8 =	vadd.s32 $0x1B30, v4;
	v7 =	vld [tilespmem:s31+$0x430]  }
0x24a: {  	v13 =	vadd.s32 $0x1220, v2;
	v0 =	vld [tilespmem:s0+$0x10]  }
0x24b: {  	[tilespmem:v10+s21+$0x0] =	vst.idx.msk $0xffff, v5;
	v5 =	vld [tilespmem:s18+$0xFFFFF010]  }
0x24c: {  	v14 =	vadd.s32 $0x1220, v3;
	v9 =	vld [tilespmem:s31+$0x20]  }
0x24d: {  	[tilespmem:v19+s21+$0x0] =	vst.idx.msk $0xffff, v15;
	v10 =	vld [tilespmem:s18+$0xFFFFF020]  }
0x24e: {  	v11 =	vld [tilespmem:s18+$0xFFFFF030];
	[tilespmem:v8+s21+$0x0] =	vst.idx.msk $0xffff, v7  }
0x24f: {  	[tilespmem:v13+s21+$0x0] =	vst.idx.msk $0xffff, v6;
	v8 =	vadd.s32 $0x1FB8, v4;
	v7 =	vld [tilespmem:s31+$0x830]  }
0x250: {  	[tilespmem:v12+s21+$0x0] =	vst.idx.msk $0xffff, v5  }
0x251: {  	[tilespmem:v14+s21+$0x0] =	vst.idx.msk $0xffff, v9;
	v9 =	vadd.s32 $0x488, v12;
	v13 =	vld [tilespmem:s18+$0xFFFFF410]  }
0x252: {  	v15 =	vld [tilespmem:s18+$0xFFFFF400];
	v14 =	vadd.s32 $0x488, v19;
	[tilespmem:v20+s21+$0x0] =	vst.idx.msk $0xffff, v10  }
0x253: {  	v10 =	vadd.s32 $0x488, v20;
	v17 =	vld [tilespmem:s18+$0xFFFFF420];
	[tilespmem:v0+s21+$0x0] =	vst.idx.msk $0xffff, v11  }
0x254: {  	v16 =	vadd.s32 $0x488, v0;
	v11 =	vld [tilespmem:s18+$0xFFFFF430];
	[tilespmem:v8+s21+$0x0] =	vst.idx.msk $0xffff, v7  }
0x255: {  	v4 =	vadd.s32 $0x2440, v4;
	v6 =	vld [tilespmem:s31+$0xC30]  }
0x256: {  	[tilespmem:v9+s21+$0x0] =	vst.idx.msk $0xffff, v13;
	v7 =	vld [tilespmem:s31+$0x400];
	v8 =	vadd.s32 $0x1B30, v2  }
0x257: {  	[tilespmem:v14+s21+$0x0] =	vst.idx.msk $0xffff, v15;
	v9 =	vadd.s32 $0x910, v12;
	v13 =	vld [tilespmem:s18+$0xFFFFF810]  }
0x258: {  	v14 =	vadd.s32 $0x910, v19;
	v15 =	vld [tilespmem:s18+$0xFFFFF800];
	[tilespmem:v10+s21+$0x0] =	vst.idx.msk $0xffff, v17  }
0x259: {  	v5 =	vld [tilespmem:s31+$0x410];
	[tilespmem:v16+s21+$0x0] =	vst.idx.msk $0xffff, v11;
	v11 =	vadd.s32 $0x1B30, v1  }
0x25a: {  	[tilespmem:v4+s21+$0x0] =	vst.idx.msk $0xffff, v6;
	v4 =	vld [tilespmem:s18+$0xFFFFF830];
	v6 =	vadd.s32 $0x910, v0  }
0x25b: {  	[tilespmem:v8+s21+$0x0] =	vst.idx.msk $0xffff, v7  }
0x25c: {  	v16 =	vld [tilespmem:s31+$0x420];
	v7 =	vadd.s32 $0x1B30, v3;
	[tilespmem:v9+s21+$0x0] =	vst.idx.msk $0xffff, v13  }
0x25d: {  	[tilespmem:v14+s21+$0x0] =	vst.idx.msk $0xffff, v15;
	v13 =	vadd.s32 $0xD98, v12;
	v14 =	vld [tilespmem:s18+$0xFFFFFC10]  }
0x25e: {  	v8 =	vld [tilespmem:s31+$0x800];
	[tilespmem:v11+s21+$0x0] =	vst.idx.msk $0xffff, v5;
	v5 =	vadd.s32 $0x1FB8, v2  }
0x25f: {  	v17 =	vld [tilespmem:s18+$0xFFFFF820];
	v11 =	vadd.s32 $0x910, v20;
	[tilespmem:v6+s21+$0x0] =	vst.idx.msk $0xffff, v4  }
0x260: {  	v10 =	vadd.s32 $0xD98, v0;
	v6 =	vld [tilespmem:s18+$0xFFFFFC30]  }
0x261: {  	[tilespmem:v7+s21+$0x0] =	vst.idx.msk $0xffff, v16  }
0x262: {  	v18 =	vld [tilespmem:s18+$0xFFFFFC00];
	[tilespmem:v13+s21+$0x0] =	vst.idx.msk $0xffff, v14  }
0x263: {  	v16 =	vadd.s32 $0xD98, v19;
	v4 =	vld [tilespmem:s31+$0x810];
	[tilespmem:v5+s21+$0x0] =	vst.idx.msk $0xffff, v8  }
0x264: {  	v7 =	vadd.s32 $0x1FB8, v1;
	v9 =	vld [tilespmem:s31+$0x820];
	[tilespmem:v11+s21+$0x0] =	vst.idx.msk $0xffff, v17  }
0x265: {  	v8 =	vadd.s32 $0x1FB8, v3;
	v17 =	vld [tilespmem:s18+$0x10];
	[tilespmem:v10+s21+$0x0] =	vst.idx.msk $0xffff, v6  }
0x266: {  	v21 =	vadd.s32 $0x1220, v0;
	v6 =	vld [tilespmem:s18+$0x30]  }
0x267: {  	v23 =	vadd.s32 $0xD98, v20;
	v25 =	vadd.s32 $0x2440, v2;
	v24 =	vld [tilespmem:s18+$0xFFFFFC20]  }
0x268: {  	v2 =	vadd.s32 $0x2440, v1;
	v1 =	vadd.s32 $0x2440, v3;
	v14 =	vadd.s32 $0x1220, v19;
	v22 =	vld [tilespmem:s31+$0xC00];
	[tilespmem:v16+s21+$0x0] =	vst.idx.msk $0xffff, v18  }
0x269: {  	v13 =	vadd.s32 $0x2440, v12;
	v11 =	vadd.s32 $0x1220, v12;
	v5 =	vadd.s32 $0x1B30, v12;
	[tilespmem:v7+s21+$0x0] =	vst.idx.msk $0xffff, v4;
	v18 =	vld [tilespmem:s18+$0x0]  }
0x26a: {  	v3 =	vadd.s32 $0x1FB8, v12;
	v12 =	vadd.s32 $0x2440, v20;
	v7 =	vadd.s32 $0x1B30, v20;
	v15 =	vld [tilespmem:s31+$0xC10];
	[tilespmem:v8+s21+$0x0] =	vst.idx.msk $0xffff, v9  }
0x26b: {  	v4 =	vadd.s32 $0x2440, v19;
	v10 =	vadd.s32 $0x1220, v20;
	v9 =	vadd.s32 $0x1B30, v19;
	v16 =	vld [tilespmem:s31+$0xC20];
	[tilespmem:v21+s21+$0x0] =	vst.idx.msk $0xffff, v6  }
0x26c: {  	v8 =	vadd.s32 $0x1FB8, v19;
	[tilespmem:v23+s21+$0x0] =	vst.idx.msk $0xffff, v24;
	v6 =	vadd.s32 $0x1FB8, v20;
	v20 =	vadd.s32 $0x1B30, v0;
	v19 =	vld [tilespmem:s18+$0x430]  }
0x26d: {  	s11 =	simm.s32 $0x1B4C0;
	s5 =	simm.s32 $0x1040;
	s10 =	simm.s32 $0x4;
	[tilespmem:v25+s21+$0x0] =	vst.idx.msk $0xffff, v22;
	v21 =	vld [tilespmem:s18+$0x20]  }
.LBB2_11:
0x26e: {  	v22 =	vld [tilespmem:s11+$0x10];
	[tilespmem:v11+s21+$0x0] =	vst.idx.msk $0xffff, v17  }
0x26f: {  	s10 =	sadd.s32 $0x4, s10;
	v17 =	vld [tilespmem:s11+$0xFFFFFFF0];
	[tilespmem:v14+s21+$0x0] =	vst.idx.msk $0xffff, v18  }
0x270: {  	s18 =	sadd.s32 $0x40, s18;
	p1 =	slt.u32 s10, $0x3C;
	v18 =	vld [tilespmem:s11+$0x0];
	[tilespmem:v2+s21+$0x0] =	vst.idx.msk $0xffff, v15;
	v2 =	vmov v13  }
0x271: {  	v13 =	vld [tilespmem:s18+$0xFFFFF030];
	[tilespmem:v20+s21+$0x0] =	vst.idx.msk $0xffff, v19  }
0x272: {  	v15 =	vadd.s32 $0x1FB8, v0;
	[tilespmem:v10+s21+$0x0] =	vst.idx.msk $0xffff, v21;
	v14 =	vld [tilespmem:s5+$0x830]  }
0x273: {  	v19 =	vld [tilespmem:s11+$0xFFFFFFE0];
	[tilespmem:v1+s21+$0x0] =	vst.idx.msk $0xffff, v16;
	v1 =	vmov v12  }
0x274: {  	v12 =	vld [tilespmem:s18+$0xFFFFF000];
	v16 =	vadd.s32 $0x488, v17;
	v20 =	vadd.s32 $0x910, v17;
	v21 =	vadd.s32 $0xD98, v17  }
0x275: {  	v23 =	vld [tilespmem:s18+$0xFFFFF010];
	v24 =	vadd.s32 $0x488, v18;
	v25 =	vadd.s32 $0x910, v18;
	v26 =	vadd.s32 $0xD98, v18  }
0x276: {  	v11 =	vadd.s32 $0x1220, v17;
	v27 =	vadd.s32 $0x1B30, v17;
	v10 =	vadd.s32 $0x1220, v18;
	v28 =	vld [tilespmem:s18+$0xFFFFF020];
	[tilespmem:v22+s21+$0x0] =	vst.idx.msk $0xffff, v13  }
0x277: {  	v32 =	vadd.s32 $0x488, v22;
	v29 =	vadd.s32 $0x1FB8, v17;
	v30 =	vadd.s32 $0x1B30, v18;
	v31 =	vld [tilespmem:s18+$0xFFFFF430];
	[tilespmem:v15+s21+$0x0] =	vst.idx.msk $0xffff, v14  }
0x278: {  	v35 =	vadd.s32 $0x2440, v0;
	v0 =	vmovc v22;
	v15 =	vadd.s32 $0x488, v19;
	v33 =	vadd.s32 $0x910, v19;
	v34 =	vld [tilespmem:s5+$0xC30]  }
0x279: {  	v22 =	vadd.s32 $0xD98, v19;
	v14 =	vadd.s32 $0x1220, v19;
	v36 =	vadd.s32 $0x1B30, v19;
	v37 =	vld [tilespmem:s5+$0x400]  }
0x27a: {  	v38 =	vadd.s32 $0x1FB8, v19;
	v39 =	vadd.s32 $0x2440, v19;
	[tilespmem:v17+s21+$0x0] =	vst.idx.msk $0xffff, v23;
	v23 =	vadd.s32 $0x1FB8, v18;
	v40 =	vld [tilespmem:s5+$0x410]  }
0x27b: {  	v13 =	vadd.s32 $0x2440, v17;
	[tilespmem:v19+s21+$0x0] =	vst.idx.msk $0xffff, v12;
	v19 =	vld [tilespmem:s18+$0xFFFFF410];
	v12 =	vadd.s32 $0x2440, v18  }
0x27c: {  	v17 =	vld [tilespmem:s18+$0xFFFFF400];
	[tilespmem:v32+s21+$0x0] =	vst.idx.msk $0xffff, v31  }
0x27d: {  	v31 =	vld [tilespmem:s5+$0x420];
	[tilespmem:v35+s21+$0x0] =	vst.idx.msk $0xffff, v34  }
0x27e: {  	[tilespmem:v18+s21+$0x0] =	vst.idx.msk $0xffff, v28;
	v18 =	vld [tilespmem:s18+$0xFFFFF830];
	v28 =	vadd.s32 $0x910, v0  }
0x27f: {  	v32 =	vld [tilespmem:s18+$0xFFFFF420];
	[tilespmem:v9+s21+$0x0] =	vst.idx.msk $0xffff, v37;
	v9 =	vmov v36  }
0x280: {  	[tilespmem:v16+s21+$0x0] =	vst.idx.msk $0xffff, v19;
	v16 =	vld [tilespmem:s5+$0x800]  }
0x281: {  	[tilespmem:v15+s21+$0x0] =	vst.idx.msk $0xffff, v17;
	v15 =	vld [tilespmem:s18+$0xFFFFF810]  }
0x282: {  	v17 =	vld [tilespmem:s18+$0xFFFFF800];
	[tilespmem:v5+s21+$0x0] =	vst.idx.msk $0xffff, v40;
	v5 =	vmov v27  }
0x283: {  	[tilespmem:v28+s21+$0x0] =	vst.idx.msk $0xffff, v18;
	v18 =	vld [tilespmem:s5+$0x810]  }
0x284: {  	[tilespmem:v24+s21+$0x0] =	vst.idx.msk $0xffff, v32;
	v19 =	vld [tilespmem:s18+$0xFFFFFC30];
	v24 =	vadd.s32 $0xD98, v0  }
0x285: {  	v27 =	vld [tilespmem:s18+$0xFFFFF820];
	[tilespmem:v7+s21+$0x0] =	vst.idx.msk $0xffff, v31;
	v7 =	vmov v30  }
0x286: {  	[tilespmem:v20+s21+$0x0] =	vst.idx.msk $0xffff, v15;
	v20 =	vld [tilespmem:s5+$0x820]  }
0x287: {  	[tilespmem:v33+s21+$0x0] =	vst.idx.msk $0xffff, v17;
	v15 =	vld [tilespmem:s18+$0xFFFFFC10]  }
0x288: {  	v17 =	vld [tilespmem:s18+$0xFFFFFC00];
	[tilespmem:v8+s21+$0x0] =	vst.idx.msk $0xffff, v16;
	v8 =	vmov v38  }
0x289: {  	[tilespmem:v24+s21+$0x0] =	vst.idx.msk $0xffff, v19;
	v24 =	vld [tilespmem:s5+$0xC00]  }
0x28a: {  	v19 =	vadd.s32 $0x1220, v0;
	[tilespmem:v25+s21+$0x0] =	vst.idx.msk $0xffff, v27;
	v16 =	vld [tilespmem:s18+$0x30]  }
0x28b: {  	v25 =	vld [tilespmem:s18+$0xFFFFFC20];
	[tilespmem:v3+s21+$0x0] =	vst.idx.msk $0xffff, v18;
	v3 =	vmov v29  }
0x28c: {  	[tilespmem:v21+s21+$0x0] =	vst.idx.msk $0xffff, v15;
	v15 =	vld [tilespmem:s5+$0xC10]  }
.Ltmp4:
0x28d: {  	[tilespmem:v22+s21+$0x0] =	vst.idx.msk $0xffff, v17;
	v17 =	vld [tilespmem:s18+$0x10];
	(pc) =	sbr.rel @p1 .LBB2_11-.Ltmp4, $4  }
0x28e: {  	v18 =	vld [tilespmem:s18+$0x0];
	[tilespmem:v6+s21+$0x0] =	vst.idx.msk $0xffff, v20;
	v6 =	vmov v23  }
0x28f: {  	[tilespmem:v19+s21+$0x0] =	vst.idx.msk $0xffff, v16;
	v16 =	vld [tilespmem:s5+$0xC20];
	s5 =	smov.u32 s18  }
0x290: {  	v20 =	vadd.s32 $0x1B30, v0;
	[tilespmem:v26+s21+$0x0] =	vst.idx.msk $0xffff, v25;
	v19 =	vld [tilespmem:s18+$0x430]  }
0x291: {  	s11 =	sadd.s32 $0x40, s11;
	v21 =	vld [tilespmem:s18+$0x20];
	[tilespmem:v4+s21+$0x0] =	vst.idx.msk $0xffff, v24;
	v4 =	vmov v39  }
0x292: {  	_ =	sdelay $0x3  }
0x293: {  	[tilespmem:v14+s21+$0x0] =	vst.idx.msk $0xffff, v18  }
0x294: {  	[tilespmem:v11+s21+$0x0] =	vst.idx.msk $0xffff, v17;
	v11 =	vld [tilespmem:s5+$0x400]  }
0x295: {  	[tilespmem:v10+s21+$0x0] =	vst.idx.msk $0xffff, v21;
	v10 =	vld [tilespmem:s5+$0x410]  }
0x296: {  	v14 =	vld [tilespmem:s5+$0x420];
	_ =	sdelay $0x1  }
0x297: {  	[tilespmem:v20+s21+$0x0] =	vst.idx.msk $0xffff, v19  }
0x298: {  	v18 =	vadd.s32 $0x1FB8, v0;
	v17 =	vld [tilespmem:s5+$0x830];
	[tilespmem:v9+s21+$0x0] =	vst.idx.msk $0xffff, v11  }
0x299: {  	v9 =	vld [tilespmem:s5+$0x800];
	[tilespmem:v5+s21+$0x0] =	vst.idx.msk $0xffff, v10  }
0x29a: {  	v5 =	vld [tilespmem:s5+$0x810];
	[tilespmem:v7+s21+$0x0] =	vst.idx.msk $0xffff, v14  }
0x29b: {  	v7 =	vld [tilespmem:s5+$0x820];
	_ =	sdelay $0x1  }
0x29c: {  	[tilespmem:v18+s21+$0x0] =	vst.idx.msk $0xffff, v17  }
0x29d: {  	v0 =	vadd.s32 $0x2440, v0;
	v10 =	vld [tilespmem:s5+$0xC30];
	[tilespmem:v8+s21+$0x0] =	vst.idx.msk $0xffff, v9  }
0x29e: {  	v8 =	vld [tilespmem:s5+$0xC00];
	[tilespmem:v3+s21+$0x0] =	vst.idx.msk $0xffff, v5  }
0x29f: {  	v3 =	vld [tilespmem:s5+$0xC10];
	[tilespmem:v6+s21+$0x0] =	vst.idx.msk $0xffff, v7  }
0x2a0: {  	[tilespmem:v2+s21+$0x0] =	vst.idx.msk $0xffff, v15;
	v2 =	vld [tilespmem:s5+$0xC20]  }
0x2a1: {  	[tilespmem:v1+s21+$0x0] =	vst.idx.msk $0xffff, v16  }
0x2a2: {  	[tilespmem:v0+s21+$0x0] =	vst.idx.msk $0xffff, v10  }
0x2a3: {  	[tilespmem:v4+s21+$0x0] =	vst.idx.msk $0xffff, v8  }
0x2a4: {  	[tilespmem:v13+s21+$0x0] =	vst.idx.msk $0xffff, v3  }
0x2a5: {  	[tilespmem:v12+s21+$0x0] =	vst.idx.msk $0xffff, v2  }
0x2a6: {  	v4 =	vld [tilespmem:s1+$0x10]  }
0x2a7: {  	v2 =	vld [tilespmem:s1+$0xFFFFFFE0]  }
0x2a8: {  	v1 =	vld [tilespmem:s1+$0xFFFFFFF0];
	_ =	sdelay $0x1  }
0x2a9: {  	s31 =	simm.s32 $0x3C30;
	v3 =	vld [tilespmem:s1+$0x0]  }
0x2aa: {  	v0 =	vld [tilespmem:s31+$0xFFFFE400];
	v5 =	vadd.s32 $0x28C8, v4  }
0x2ab: {  	v6 =	vld [tilespmem:s31+$0xFFFFE3D0];
	v7 =	vadd.s32 $0x28C8, v2  }
0x2ac: {  	v9 =	vld [tilespmem:s31+$0xFFFFE3E0];
	v8 =	vadd.s32 $0x28C8, v1;
	_ =	sdelay $0x2  }
0x2ad: {  	v11 =	vld [tilespmem:s31+$0xFFFFE3F0];
	v10 =	vadd.s32 $0x28C8, v3;
	[tilespmem:v5+s21+$0x0] =	vst.idx.msk $0xffff, v0  }
0x2ae: {  	v5 =	vadd.s32 $0x2D50, v4;
	[tilespmem:v7+s21+$0x0] =	vst.idx.msk $0xffff, v6;
	v0 =	vld [tilespmem:s31+$0xFFFFE800]  }
0x2af: {  	v6 =	vadd.s32 $0x2D50, v2;
	[tilespmem:v8+s21+$0x0] =	vst.idx.msk $0xffff, v9;
	v7 =	vld [tilespmem:s31+$0xFFFFE7D0]  }
0x2b0: {  	v8 =	vadd.s32 $0x2D50, v1;
	v9 =	vld [tilespmem:s31+$0xFFFFE7E0];
	_ =	sdelay $0x1  }
0x2b1: {  	[tilespmem:v10+s21+$0x0] =	vst.idx.msk $0xffff, v11  }
0x2b2: {  	v10 =	vadd.s32 $0x2D50, v3;
	v11 =	vld [tilespmem:s31+$0xFFFFE7F0];
	[tilespmem:v5+s21+$0x0] =	vst.idx.msk $0xffff, v0  }
0x2b3: {  	v5 =	vadd.s32 $0x31D8, v4;
	[tilespmem:v6+s21+$0x0] =	vst.idx.msk $0xffff, v7;
	v0 =	vld [tilespmem:s31+$0xFFFFEC00]  }
0x2b4: {  	v6 =	vadd.s32 $0x31D8, v2;
	[tilespmem:v8+s21+$0x0] =	vst.idx.msk $0xffff, v9;
	v7 =	vld [tilespmem:s31+$0xFFFFEBD0]  }
0x2b5: {  	v8 =	vadd.s32 $0x31D8, v1;
	v9 =	vld [tilespmem:s31+$0xFFFFEBE0];
	_ =	sdelay $0x1  }
0x2b6: {  	[tilespmem:v10+s21+$0x0] =	vst.idx.msk $0xffff, v11  }
0x2b7: {  	v10 =	vadd.s32 $0x31D8, v3;
	v11 =	vld [tilespmem:s31+$0xFFFFEBF0];
	[tilespmem:v5+s21+$0x0] =	vst.idx.msk $0xffff, v0  }
0x2b8: {  	v5 =	vadd.s32 $0x3660, v4;
	[tilespmem:v6+s21+$0x0] =	vst.idx.msk $0xffff, v7;
	v0 =	vld [tilespmem:s31+$0xFFFFF000]  }
0x2b9: {  	v6 =	vadd.s32 $0x3660, v2;
	[tilespmem:v8+s21+$0x0] =	vst.idx.msk $0xffff, v9;
	v7 =	vld [tilespmem:s31+$0xFFFFEFD0]  }
0x2ba: {  	v8 =	vadd.s32 $0x3660, v1;
	v9 =	vld [tilespmem:s31+$0xFFFFEFE0];
	_ =	sdelay $0x1  }
0x2bb: {  	[tilespmem:v10+s21+$0x0] =	vst.idx.msk $0xffff, v11  }
0x2bc: {  	v10 =	vadd.s32 $0x3660, v3;
	v11 =	vld [tilespmem:s31+$0xFFFFEFF0];
	[tilespmem:v5+s21+$0x0] =	vst.idx.msk $0xffff, v0  }
0x2bd: {  	v12 =	vadd.s32 $0x3AE8, v4;
	[tilespmem:v6+s21+$0x0] =	vst.idx.msk $0xffff, v7;
	v5 =	vld [tilespmem:s31+$0xFFFFF400]  }
0x2be: {  	[tilespmem:v8+s21+$0x0] =	vst.idx.msk $0xffff, v9;
	v8 =	vadd.s32 $0x3AE8, v2;
	v6 =	vld [tilespmem:s31+$0xFFFFF3D0]  }
0x2bf: {  	v20 =	vld [tilespmem:s0+$0x0]  }
0x2c0: {  	v14 =	vld [tilespmem:s0+$0xFFFFFFE0]  }
0x2c1: {  	[tilespmem:v10+s21+$0x0] =	vst.idx.msk $0xffff, v11;
	v0 =	vld [tilespmem:s0+$0x10]  }
0x2c2: {  	v11 =	vadd.s32 $0x3AE8, v1;
	v7 =	vld [tilespmem:s31+$0xFFFFF3E0];
	[tilespmem:v12+s21+$0x0] =	vst.idx.msk $0xffff, v5  }
0x2c3: {  	v9 =	vld [tilespmem:s31+$0xFFFFF3F0];
	[tilespmem:v8+s21+$0x0] =	vst.idx.msk $0xffff, v6;
	v6 =	vadd.s32 $0x3AE8, v3  }
0x2c4: {  	v10 =	vadd.s32 $0x3F70, v4;
	v5 =	vld [tilespmem:s31+$0xFFFFF800]  }
0x2c5: {  	v13 =	vld [tilespmem:s0+$0xFFFFFFF0];
	s0 =	simm.s32 $0x3C70  }
0x2c6: {  	v15 =	vadd.s32 $0x28C8, v0;
	v12 =	vld [tilespmem:s0+$0xFFFFE400]  }
0x2c7: {  	v17 =	vld [tilespmem:s0+$0xFFFFE3D0];
	[tilespmem:v11+s21+$0x0] =	vst.idx.msk $0xffff, v7;
	v7 =	vadd.s32 $0x28C8, v14  }
0x2c8: {  	v16 =	vadd.s32 $0x3F70, v2;
	v8 =	vld [tilespmem:s31+$0xFFFFF7D0];
	[tilespmem:v6+s21+$0x0] =	vst.idx.msk $0xffff, v9  }
0x2c9: {  	v18 =	vadd.s32 $0x28C8, v20;
	v9 =	vld [tilespmem:s0+$0xFFFFE3F0];
	[tilespmem:v10+s21+$0x0] =	vst.idx.msk $0xffff, v5  }
0x2ca: {  	v10 =	vadd.s32 $0x43F8, v4;
	v5 =	vld [tilespmem:s31+$0xFFFFFC00]  }
0x2cb: {  	[tilespmem:v15+s21+$0x0] =	vst.idx.msk $0xffff, v12  }
0x2cc: {  	v11 =	vld [tilespmem:s0+$0xFFFFE3E0];
	v6 =	vadd.s32 $0x28C8, v13;
	[tilespmem:v7+s21+$0x0] =	vst.idx.msk $0xffff, v17  }
0x2cd: {  	v19 =	vadd.s32 $0x2D50, v0;
	v15 =	vld [tilespmem:s0+$0xFFFFE800];
	[tilespmem:v16+s21+$0x0] =	vst.idx.msk $0xffff, v8  }
0x2ce: {  	v12 =	vld [tilespmem:s31+$0xFFFFF7E0];
	v8 =	vadd.s32 $0x3F70, v1;
	[tilespmem:v18+s21+$0x0] =	vst.idx.msk $0xffff, v9  }
0x2cf: {  	v9 =	vadd.s32 $0x2D50, v20;
	v17 =	vld [tilespmem:s0+$0xFFFFE7F0];
	[tilespmem:v10+s21+$0x0] =	vst.idx.msk $0xffff, v5  }
0x2d0: {  	v4 =	vadd.s32 $0x4D08, v4;
	v5 =	vld [tilespmem:s31+$0x0]  }
0x2d1: {  	v16 =	vld [tilespmem:s0+$0xFFFFE7D0];
	[tilespmem:v6+s21+$0x0] =	vst.idx.msk $0xffff, v11;
	v10 =	vadd.s32 $0x2D50, v14  }
0x2d2: {  	v6 =	vadd.s32 $0x2D50, v13;
	v11 =	vld [tilespmem:s0+$0xFFFFE7E0];
	[tilespmem:v19+s21+$0x0] =	vst.idx.msk $0xffff, v15  }
0x2d3: {  	v7 =	vld [tilespmem:s31+$0xFFFFF7F0];
	v15 =	vadd.s32 $0x3F70, v3;
	[tilespmem:v8+s21+$0x0] =	vst.idx.msk $0xffff, v12  }
0x2d4: {  	v18 =	vld [tilespmem:s31+$0xFFFFFBD0];
	v8 =	vadd.s32 $0x43F8, v2;
	[tilespmem:v9+s21+$0x0] =	vst.idx.msk $0xffff, v17  }
0x2d5: {  	[tilespmem:v4+s21+$0x0] =	vst.idx.msk $0xffff, v5;
	v4 =	vld [tilespmem:s0+$0xFFFFEC00];
	v5 =	vadd.s32 $0x31D8, v0  }
0x2d6: {  	v9 =	vadd.s32 $0x31D8, v20;
	[tilespmem:v10+s21+$0x0] =	vst.idx.msk $0xffff, v16;
	v17 =	vld [tilespmem:s0+$0xFFFFEBF0]  }
0x2d7: {  	v12 =	vadd.s32 $0x31D8, v14;
	[tilespmem:v6+s21+$0x0] =	vst.idx.msk $0xffff, v11;
	v16 =	vld [tilespmem:s0+$0xFFFFEBD0]  }
0x2d8: {  	v6 =	vadd.s32 $0x31D8, v13;
	[tilespmem:v15+s21+$0x0] =	vst.idx.msk $0xffff, v7;
	v11 =	vld [tilespmem:s0+$0xFFFFEBE0]  }
0x2d9: {  	v7 =	vadd.s32 $0x43F8, v1;
	[tilespmem:v8+s21+$0x0] =	vst.idx.msk $0xffff, v18;
	v10 =	vld [tilespmem:s31+$0xFFFFFBE0]  }
0x2da: {  	v8 =	vadd.s32 $0x43F8, v3;
	[tilespmem:v5+s21+$0x0] =	vst.idx.msk $0xffff, v4;
	v4 =	vld [tilespmem:s31+$0xFFFFFBF0]  }
0x2db: {  	v15 =	vadd.s32 $0x3660, v0;
	[tilespmem:v9+s21+$0x0] =	vst.idx.msk $0xffff, v17;
	v5 =	vld [tilespmem:s0+$0xFFFFF000]  }
0x2dc: {  	v21 =	vadd.s32 $0x3660, v20;
	[tilespmem:v12+s21+$0x0] =	vst.idx.msk $0xffff, v16;
	v23 =	vld [tilespmem:s0+$0xFFFFEFF0]  }
0x2dd: {  	[tilespmem:v6+s21+$0x0] =	vst.idx.msk $0xffff, v11;
	v16 =	vadd.s32 $0x3660, v14;
	v18 =	vld [tilespmem:s0+$0xFFFFEFD0]  }
0x2de: {  	v6 =	vadd.s32 $0x3660, v13;
	[tilespmem:v7+s21+$0x0] =	vst.idx.msk $0xffff, v10;
	v19 =	vld [tilespmem:s0+$0xFFFFEFE0]  }
0x2df: {  	v22 =	vld [tilespmem:s31+$0xFFFFFFD0];
	[tilespmem:v8+s21+$0x0] =	vst.idx.msk $0xffff, v4  }
0x2e0: {  	v24 =	vadd.s32 $0x4D08, v2;
	[tilespmem:v15+s21+$0x0] =	vst.idx.msk $0xffff, v5;
	v15 =	vld [tilespmem:s31+$0xFFFFFFE0]  }
0x2e1: {  	v2 =	vadd.s32 $0x4D08, v1;
	v1 =	vadd.s32 $0x4D08, v3;
	[tilespmem:v21+s21+$0x0] =	vst.idx.msk $0xffff, v23;
	v21 =	vadd.s32 $0x3AE8, v0;
	v17 =	vld [tilespmem:s0+$0xFFFFF400]  }
0x2e2: {  	v3 =	vadd.s32 $0x4D08, v14;
	v11 =	vadd.s32 $0x3AE8, v14;
	v10 =	vadd.s32 $0x3AE8, v13;
	[tilespmem:v16+s21+$0x0] =	vst.idx.msk $0xffff, v18;
	v16 =	vld [tilespmem:s31+$0xFFFFFFF0]  }
0x2e3: {  	v9 =	vadd.s32 $0x3F70, v14;
	v7 =	vadd.s32 $0x3F70, v20;
	v12 =	vadd.s32 $0x3AE8, v20;
	[tilespmem:v6+s21+$0x0] =	vst.idx.msk $0xffff, v19;
	v18 =	vld [tilespmem:s0+$0xFFFFF3D0]  }
0x2e4: {  	v8 =	vadd.s32 $0x3F70, v13;
	v4 =	vadd.s32 $0x43F8, v14;
	v6 =	vadd.s32 $0x43F8, v13;
	v19 =	vld [tilespmem:s0+$0xFFFFF3E0]  }
0x2e5: {  	s10 =	simm.s32 $0x1B4C0;
	s5 =	simm.s32 $0x4;
	s1 =	simm.s32 $0x3C70;
	[tilespmem:v24+s21+$0x0] =	vst.idx.msk $0xffff, v22;
	v14 =	vadd.s32 $0x4D08, v13;
	v13 =	vadd.s32 $0x4D08, v20;
	v5 =	vadd.s32 $0x43F8, v20;
	v20 =	vld [tilespmem:s0+$0xFFFFF3F0]  }
.LBB2_13:
0x2e6: {  	v22 =	vld [tilespmem:s10+$0x10];
	[tilespmem:v21+s21+$0x0] =	vst.idx.msk $0xffff, v17  }
0x2e7: {  	v21 =	vadd.s32 $0x3F70, v0;
	v17 =	vld [tilespmem:s0+$0xFFFFF800];
	[tilespmem:v2+s21+$0x0] =	vst.idx.msk $0xffff, v15;
	v2 =	vmov v14  }
0x2e8: {  	s5 =	sadd.s32 $0x4, s5;
	v14 =	vld [tilespmem:s10+$0xFFFFFFF0];
	[tilespmem:v11+s21+$0x0] =	vst.idx.msk $0xffff, v18  }
0x2e9: {  	p1 =	slt.u32 s5, $0x3C;
	v15 =	vld [tilespmem:s10+$0x0];
	[tilespmem:v10+s21+$0x0] =	vst.idx.msk $0xffff, v19  }
0x2ea: {  	v18 =	vld [tilespmem:s10+$0xFFFFFFE0];
	[tilespmem:v12+s21+$0x0] =	vst.idx.msk $0xffff, v20  }
0x2eb: {  	s0 =	sadd.s32 $0x40, s0;
	v10 =	vld [tilespmem:s1+$0xFFFFF7D0];
	[tilespmem:v1+s21+$0x0] =	vst.idx.msk $0xffff, v16;
	v1 =	vmov v13  }
0x2ec: {  	v13 =	vadd.s32 $0x28C8, v22;
	v12 =	vld [tilespmem:s0+$0xFFFFE400];
	[tilespmem:v21+s21+$0x0] =	vst.idx.msk $0xffff, v17  }
0x2ed: {  	v20 =	vadd.s32 $0x43F8, v0;
	v16 =	vadd.s32 $0x28C8, v14;
	v17 =	vadd.s32 $0x2D50, v14;
	v19 =	vld [tilespmem:s1+$0xFFFFFC00]  }
0x2ee: {  	v23 =	vadd.s32 $0x31D8, v14;
	v21 =	vld [tilespmem:s0+$0xFFFFE3D0];
	v24 =	vadd.s32 $0x28C8, v15;
	v25 =	vadd.s32 $0x2D50, v15  }
0x2ef: {  	v26 =	vadd.s32 $0x28C8, v18;
	v27 =	vadd.s32 $0x2D50, v18;
	v28 =	vadd.s32 $0x31D8, v18;
	v29 =	vld [tilespmem:s0+$0xFFFFE3E0]  }
0x2f0: {  	v31 =	vadd.s32 $0x3660, v14;
	v33 =	vadd.s32 $0x31D8, v15;
	v30 =	vadd.s32 $0x3660, v18;
	v32 =	vld [tilespmem:s0+$0xFFFFE3F0];
	[tilespmem:v9+s21+$0x0] =	vst.idx.msk $0xffff, v10  }
0x2f1: {  	v34 =	vadd.s32 $0x3660, v15;
	v11 =	vadd.s32 $0x3AE8, v18;
	v10 =	vadd.s32 $0x3AE8, v14;
	[tilespmem:v13+s21+$0x0] =	vst.idx.msk $0xffff, v12;
	v35 =	vld [tilespmem:s1+$0xFFFFF7E0]  }
0x2f2: {  	v37 =	vadd.s32 $0x2D50, v22;
	v9 =	vadd.s32 $0x3F70, v18;
	v12 =	vadd.s32 $0x3AE8, v15;
	v36 =	vld [tilespmem:s0+$0xFFFFE800];
	[tilespmem:v20+s21+$0x0] =	vst.idx.msk $0xffff, v19  }
0x2f3: {  	v39 =	vadd.s32 $0x4D08, v0;
	v0 =	vmovc v22;
	v19 =	vadd.s32 $0x3F70, v14;
	v20 =	vadd.s32 $0x3F70, v15;
	v38 =	vld [tilespmem:s1+$0x0]  }
0x2f4: {  	v22 =	vadd.s32 $0x43F8, v14;
	[tilespmem:v26+s21+$0x0] =	vst.idx.msk $0xffff, v21;
	v21 =	vadd.s32 $0x43F8, v18;
	v26 =	vadd.s32 $0x43F8, v15;
	v40 =	vld [tilespmem:s1+$0xFFFFF7F0]  }
0x2f5: {  	v42 =	vadd.s32 $0x4D08, v18;
	v13 =	vadd.s32 $0x4D08, v15;
	v14 =	vadd.s32 $0x4D08, v14;
	v41 =	vld [tilespmem:s0+$0xFFFFE7D0];
	[tilespmem:v16+s21+$0x0] =	vst.idx.msk $0xffff, v29  }
0x2f6: {  	v15 =	vld [tilespmem:s0+$0xFFFFE7E0];
	[tilespmem:v24+s21+$0x0] =	vst.idx.msk $0xffff, v32  }
0x2f7: {  	v16 =	vld [tilespmem:s0+$0xFFFFE7F0];
	[tilespmem:v37+s21+$0x0] =	vst.idx.msk $0xffff, v36  }
0x2f8: {  	v18 =	vld [tilespmem:s1+$0xFFFFFBD0];
	[tilespmem:v39+s21+$0x0] =	vst.idx.msk $0xffff, v38  }
0x2f9: {  	v29 =	vadd.s32 $0x31D8, v0;
	v24 =	vld [tilespmem:s0+$0xFFFFEC00];
	[tilespmem:v8+s21+$0x0] =	vst.idx.msk $0xffff, v35;
	v8 =	vmov v19  }
0x2fa: {  	[tilespmem:v27+s21+$0x0] =	vst.idx.msk $0xffff, v41;
	v19 =	vld [tilespmem:s1+$0xFFFFFBE0]  }
0x2fb: {  	v27 =	vld [tilespmem:s0+$0xFFFFEBD0];
	[tilespmem:v17+s21+$0x0] =	vst.idx.msk $0xffff, v15  }
0x2fc: {  	v15 =	vld [tilespmem:s0+$0xFFFFEBE0];
	[tilespmem:v25+s21+$0x0] =	vst.idx.msk $0xffff, v16  }
0x2fd: {  	v16 =	vld [tilespmem:s0+$0xFFFFEBF0];
	[tilespmem:v7+s21+$0x0] =	vst.idx.msk $0xffff, v40;
	v7 =	vmov v20  }
0x2fe: {  	[tilespmem:v29+s21+$0x0] =	vst.idx.msk $0xffff, v24;
	v20 =	vld [tilespmem:s1+$0xFFFFFBF0]  }
0x2ff: {  	v24 =	vadd.s32 $0x3660, v0;
	v17 =	vld [tilespmem:s0+$0xFFFFF000];
	[tilespmem:v4+s21+$0x0] =	vst.idx.msk $0xffff, v18;
	v4 =	vmov v21  }
0x300: {  	[tilespmem:v28+s21+$0x0] =	vst.idx.msk $0xffff, v27;
	v25 =	vld [tilespmem:s1+$0xFFFFFFD0]  }
0x301: {  	v18 =	vld [tilespmem:s0+$0xFFFFEFD0];
	[tilespmem:v23+s21+$0x0] =	vst.idx.msk $0xffff, v15  }
0x302: {  	v23 =	vld [tilespmem:s0+$0xFFFFEFE0];
	[tilespmem:v33+s21+$0x0] =	vst.idx.msk $0xffff, v16  }
0x303: {  	v27 =	vld [tilespmem:s0+$0xFFFFEFF0];
	[tilespmem:v6+s21+$0x0] =	vst.idx.msk $0xffff, v19;
	v6 =	vmov v22  }
0x304: {  	[tilespmem:v24+s21+$0x0] =	vst.idx.msk $0xffff, v17;
	v15 =	vld [tilespmem:s1+$0xFFFFFFE0]  }
.Ltmp5:
0x305: {  	v21 =	vadd.s32 $0x3AE8, v0;
	v17 =	vld [tilespmem:s0+$0xFFFFF400];
	[tilespmem:v5+s21+$0x0] =	vst.idx.msk $0xffff, v20;
	v5 =	vmov v26;
	(pc) =	sbr.rel @p1 .LBB2_13-.Ltmp5, $4  }
0x306: {  	[tilespmem:v30+s21+$0x0] =	vst.idx.msk $0xffff, v18;
	v16 =	vld [tilespmem:s1+$0xFFFFFFF0];
	s1 =	smov.u32 s0  }
0x307: {  	v18 =	vld [tilespmem:s0+$0xFFFFF3D0];
	[tilespmem:v31+s21+$0x0] =	vst.idx.msk $0xffff, v23  }
0x308: {  	v19 =	vld [tilespmem:s0+$0xFFFFF3E0];
	[tilespmem:v34+s21+$0x0] =	vst.idx.msk $0xffff, v27  }
0x309: {  	s10 =	sadd.s32 $0x40, s10;
	v20 =	vld [tilespmem:s0+$0xFFFFF3F0];
	[tilespmem:v3+s21+$0x0] =	vst.idx.msk $0xffff, v25;
	v3 =	vmov v42  }
0x30a: {  	_ =	sdelay $0x3  }
0x30b: {  	[tilespmem:v21+s21+$0x0] =	vst.idx.msk $0xffff, v17  }
0x30c: {  	v21 =	vadd.s32 $0x3F70, v0;
	v17 =	vld [tilespmem:s0+$0xFFFFF800];
	[tilespmem:v11+s21+$0x0] =	vst.idx.msk $0xffff, v18  }
0x30d: {  	[tilespmem:v10+s21+$0x0] =	vst.idx.msk $0xffff, v19;
	v10 =	vld [tilespmem:s1+$0xFFFFF7D0]  }
0x30e: {  	[tilespmem:v12+s21+$0x0] =	vst.idx.msk $0xffff, v20;
	v11 =	vld [tilespmem:s1+$0xFFFFF7E0]  }
0x30f: {  	v12 =	vld [tilespmem:s1+$0xFFFFF7F0];
	_ =	sdelay $0x1  }
0x310: {  	[tilespmem:v21+s21+$0x0] =	vst.idx.msk $0xffff, v17  }
0x311: {  	v18 =	vadd.s32 $0x43F8, v0;
	v17 =	vld [tilespmem:s1+$0xFFFFFC00];
	[tilespmem:v9+s21+$0x0] =	vst.idx.msk $0xffff, v10  }
0x312: {  	v9 =	vld [tilespmem:s1+$0xFFFFFBD0];
	[tilespmem:v8+s21+$0x0] =	vst.idx.msk $0xffff, v11  }
0x313: {  	v8 =	vld [tilespmem:s1+$0xFFFFFBE0];
	[tilespmem:v7+s21+$0x0] =	vst.idx.msk $0xffff, v12  }
0x314: {  	v7 =	vld [tilespmem:s1+$0xFFFFFBF0];
	_ =	sdelay $0x1  }
0x315: {  	[tilespmem:v18+s21+$0x0] =	vst.idx.msk $0xffff, v17  }
0x316: {  	v0 =	vadd.s32 $0x4D08, v0;
	v10 =	vld [tilespmem:s1+$0x0];
	[tilespmem:v4+s21+$0x0] =	vst.idx.msk $0xffff, v9  }
0x317: {  	v4 =	vld [tilespmem:s1+$0xFFFFFFD0];
	[tilespmem:v6+s21+$0x0] =	vst.idx.msk $0xffff, v8  }
0x318: {  	v6 =	vld [tilespmem:s1+$0xFFFFFFE0];
	[tilespmem:v5+s21+$0x0] =	vst.idx.msk $0xffff, v7  }
0x319: {  	[tilespmem:v2+s21+$0x0] =	vst.idx.msk $0xffff, v15;
	v2 =	vld [tilespmem:s1+$0xFFFFFFF0]  }
0x31a: {  	[tilespmem:v1+s21+$0x0] =	vst.idx.msk $0xffff, v16  }
0x31b: {  	[tilespmem:v0+s21+$0x0] =	vst.idx.msk $0xffff, v10  }
0x31c: {  	[tilespmem:v3+s21+$0x0] =	vst.idx.msk $0xffff, v4  }
0x31d: {  	p1 =	seq.s32 s28, $0x7;
	[tilespmem:v14+s21+$0x0] =	vst.idx.msk $0xffff, v6  }
0x31e: {  	s0 =	sshll.u32 @!p1 s28, $0xD;
	[tilespmem:v13+s21+$0x0] =	vst.idx.msk $0xffff, v2  }
0x31f: {  	s0 =	sadd.s32 @!p1 s17, s0;
	_ =	swait.ge [sflag:s23], $0x4000  }
0x320: {  	s0 =	sand.u32 @!p1 $0x1FFFE000, s0;
	[sflag:s23] =	ssyncset.done $0x0  }
0x321: {  	s0 =	sadd.s32 @!p1 s4, s0;
	s1 =	simm.s32 @!p1 $0x0;
	[sflag:s23] =	ssyncadd.s32 $0xFFFFC000  }
0x322: {  	[tilespmem:s1], [sflag:$0x1] =	stream.linear.gather @!p1 [hbm4b:s0+s1], $0x4000, $0x38;
	[tilespmem:$0x1B820] =	vst v63  }
0x323: {  	s0 =	simm.s32 $0x1B440  }
0x324: {  	v4 =	vld [tilespmem:s0+$0x10]  }
0x325: {  	v2 =	vld [tilespmem:s0+$0xFFFFFFE0]  }
0x326: {  	v1 =	vld [tilespmem:s0+$0xFFFFFFF0];
	_ =	sdelay $0x1  }
0x327: {  	s5 =	simm.s32 $0x5000;
	v3 =	vld [tilespmem:s0+$0x0]  }
0x328: {  	v0 =	vld [tilespmem:s5+$0xFFFFF030];
	v5 =	vadd.s32 $0x5190, v4  }
0x329: {  	v6 =	vld [tilespmem:s5+$0xFFFFF000];
	v7 =	vadd.s32 $0x5190, v2  }
0x32a: {  	v9 =	vld [tilespmem:s5+$0xFFFFF010];
	v8 =	vadd.s32 $0x5190, v1;
	_ =	sdelay $0x2  }
0x32b: {  	v11 =	vld [tilespmem:s5+$0xFFFFF020];
	v10 =	vadd.s32 $0x5190, v3;
	[tilespmem:v5+s21+$0x0] =	vst.idx.msk $0xffff, v0  }
0x32c: {  	v5 =	vadd.s32 $0x5618, v4;
	[tilespmem:v7+s21+$0x0] =	vst.idx.msk $0xffff, v6;
	v0 =	vld [tilespmem:s5+$0xFFFFF430]  }
0x32d: {  	v6 =	vadd.s32 $0x5618, v2;
	[tilespmem:v8+s21+$0x0] =	vst.idx.msk $0xffff, v9;
	v7 =	vld [tilespmem:s5+$0xFFFFF400]  }
0x32e: {  	v8 =	vadd.s32 $0x5618, v1;
	v9 =	vld [tilespmem:s5+$0xFFFFF410];
	_ =	sdelay $0x1  }
0x32f: {  	[tilespmem:v10+s21+$0x0] =	vst.idx.msk $0xffff, v11  }
0x330: {  	v10 =	vadd.s32 $0x5618, v3;
	v11 =	vld [tilespmem:s5+$0xFFFFF420];
	[tilespmem:v5+s21+$0x0] =	vst.idx.msk $0xffff, v0  }
0x331: {  	v5 =	vadd.s32 $0x5AA0, v4;
	[tilespmem:v6+s21+$0x0] =	vst.idx.msk $0xffff, v7;
	v0 =	vld [tilespmem:s5+$0xFFFFF830]  }
0x332: {  	v6 =	vadd.s32 $0x5AA0, v2;
	[tilespmem:v8+s21+$0x0] =	vst.idx.msk $0xffff, v9;
	v7 =	vld [tilespmem:s5+$0xFFFFF800]  }
0x333: {  	v8 =	vadd.s32 $0x5AA0, v1;
	v9 =	vld [tilespmem:s5+$0xFFFFF810];
	_ =	sdelay $0x1  }
0x334: {  	[tilespmem:v10+s21+$0x0] =	vst.idx.msk $0xffff, v11  }
0x335: {  	v10 =	vadd.s32 $0x5AA0, v3;
	v11 =	vld [tilespmem:s5+$0xFFFFF820];
	[tilespmem:v5+s21+$0x0] =	vst.idx.msk $0xffff, v0  }
0x336: {  	v5 =	vadd.s32 $0x5F28, v4;
	[tilespmem:v6+s21+$0x0] =	vst.idx.msk $0xffff, v7;
	v0 =	vld [tilespmem:s5+$0xFFFFFC30]  }
0x337: {  	v6 =	vadd.s32 $0x5F28, v2;
	[tilespmem:v8+s21+$0x0] =	vst.idx.msk $0xffff, v9;
	v7 =	vld [tilespmem:s5+$0xFFFFFC00]  }
0x338: {  	v8 =	vadd.s32 $0x5F28, v1;
	v9 =	vld [tilespmem:s5+$0xFFFFFC10];
	_ =	sdelay $0x1  }
0x339: {  	[tilespmem:v10+s21+$0x0] =	vst.idx.msk $0xffff, v11  }
0x33a: {  	v10 =	vadd.s32 $0x5F28, v3;
	v11 =	vld [tilespmem:s5+$0xFFFFFC20];
	[tilespmem:v5+s21+$0x0] =	vst.idx.msk $0xffff, v0  }
0x33b: {  	v12 =	vadd.s32 $0x63B0, v4;
	[tilespmem:v6+s21+$0x0] =	vst.idx.msk $0xffff, v7;
	v5 =	vld [tilespmem:s5+$0x30]  }
0x33c: {  	s1 =	simm.s32 $0x1B480;
	[tilespmem:v8+s21+$0x0] =	vst.idx.msk $0xffff, v9;
	v8 =	vadd.s32 $0x63B0, v2;
	v6 =	vld [tilespmem:s5+$0x0]  }
0x33d: {  	v20 =	vld [tilespmem:s1+$0x0]  }
0x33e: {  	v14 =	vld [tilespmem:s1+$0xFFFFFFE0]  }
0x33f: {  	[tilespmem:v10+s21+$0x0] =	vst.idx.msk $0xffff, v11;
	v0 =	vld [tilespmem:s1+$0x10]  }
0x340: {  	v11 =	vadd.s32 $0x63B0, v1;
	v7 =	vld [tilespmem:s5+$0x10];
	[tilespmem:v12+s21+$0x0] =	vst.idx.msk $0xffff, v5  }
0x341: {  	v9 =	vld [tilespmem:s5+$0x20];
	[tilespmem:v8+s21+$0x0] =	vst.idx.msk $0xffff, v6;
	v6 =	vadd.s32 $0x63B0, v3  }
0x342: {  	v10 =	vadd.s32 $0x6838, v4;
	v5 =	vld [tilespmem:s5+$0x430]  }
0x343: {  	s18 =	simm.s32 $0x5040;
	v13 =	vld [tilespmem:s1+$0xFFFFFFF0]  }
0x344: {  	v15 =	vadd.s32 $0x5190, v0;
	v12 =	vld [tilespmem:s18+$0xFFFFF030]  }
0x345: {  	v17 =	vld [tilespmem:s18+$0xFFFFF000];
	[tilespmem:v11+s21+$0x0] =	vst.idx.msk $0xffff, v7;
	v7 =	vadd.s32 $0x5190, v14  }
0x346: {  	v16 =	vadd.s32 $0x6838, v2;
	v8 =	vld [tilespmem:s5+$0x400];
	[tilespmem:v6+s21+$0x0] =	vst.idx.msk $0xffff, v9  }
0x347: {  	v18 =	vadd.s32 $0x5190, v20;
	v9 =	vld [tilespmem:s18+$0xFFFFF020];
	[tilespmem:v10+s21+$0x0] =	vst.idx.msk $0xffff, v5  }
0x348: {  	v10 =	vadd.s32 $0x6CC0, v4;
	v5 =	vld [tilespmem:s5+$0x830]  }
0x349: {  	[tilespmem:v15+s21+$0x0] =	vst.idx.msk $0xffff, v12  }
0x34a: {  	v11 =	vld [tilespmem:s18+$0xFFFFF010];
	v6 =	vadd.s32 $0x5190, v13;
	[tilespmem:v7+s21+$0x0] =	vst.idx.msk $0xffff, v17  }
0x34b: {  	v19 =	vadd.s32 $0x5618, v0;
	v15 =	vld [tilespmem:s18+$0xFFFFF430];
	[tilespmem:v16+s21+$0x0] =	vst.idx.msk $0xffff, v8  }
0x34c: {  	v12 =	vld [tilespmem:s5+$0x410];
	v8 =	vadd.s32 $0x6838, v1;
	[tilespmem:v18+s21+$0x0] =	vst.idx.msk $0xffff, v9  }
0x34d: {  	v9 =	vadd.s32 $0x5618, v20;
	v17 =	vld [tilespmem:s18+$0xFFFFF420];
	[tilespmem:v10+s21+$0x0] =	vst.idx.msk $0xffff, v5  }
0x34e: {  	v4 =	vadd.s32 $0x7148, v4;
	v5 =	vld [tilespmem:s5+$0xC30]  }
0x34f: {  	v16 =	vld [tilespmem:s18+$0xFFFFF400];
	[tilespmem:v6+s21+$0x0] =	vst.idx.msk $0xffff, v11;
	v10 =	vadd.s32 $0x5618, v14  }
0x350: {  	v6 =	vadd.s32 $0x5618, v13;
	v11 =	vld [tilespmem:s18+$0xFFFFF410];
	[tilespmem:v19+s21+$0x0] =	vst.idx.msk $0xffff, v15  }
0x351: {  	v7 =	vld [tilespmem:s5+$0x420];
	v15 =	vadd.s32 $0x6838, v3;
	[tilespmem:v8+s21+$0x0] =	vst.idx.msk $0xffff, v12  }
0x352: {  	v18 =	vld [tilespmem:s5+$0x800];
	v8 =	vadd.s32 $0x6CC0, v2;
	[tilespmem:v9+s21+$0x0] =	vst.idx.msk $0xffff, v17  }
0x353: {  	[tilespmem:v4+s21+$0x0] =	vst.idx.msk $0xffff, v5;
	v4 =	vld [tilespmem:s18+$0xFFFFF830];
	v5 =	vadd.s32 $0x5AA0, v0  }
0x354: {  	v9 =	vadd.s32 $0x5AA0, v20;
	[tilespmem:v10+s21+$0x0] =	vst.idx.msk $0xffff, v16;
	v17 =	vld [tilespmem:s18+$0xFFFFF820]  }
0x355: {  	v12 =	vadd.s32 $0x5AA0, v14;
	[tilespmem:v6+s21+$0x0] =	vst.idx.msk $0xffff, v11;
	v16 =	vld [tilespmem:s18+$0xFFFFF800]  }
0x356: {  	v6 =	vadd.s32 $0x5AA0, v13;
	[tilespmem:v15+s21+$0x0] =	vst.idx.msk $0xffff, v7;
	v11 =	vld [tilespmem:s18+$0xFFFFF810]  }
0x357: {  	v7 =	vadd.s32 $0x6CC0, v1;
	[tilespmem:v8+s21+$0x0] =	vst.idx.msk $0xffff, v18;
	v10 =	vld [tilespmem:s5+$0x810]  }
0x358: {  	v8 =	vadd.s32 $0x6CC0, v3;
	[tilespmem:v5+s21+$0x0] =	vst.idx.msk $0xffff, v4;
	v4 =	vld [tilespmem:s5+$0x820]  }
0x359: {  	v15 =	vadd.s32 $0x5F28, v0;
	[tilespmem:v9+s21+$0x0] =	vst.idx.msk $0xffff, v17;
	v5 =	vld [tilespmem:s18+$0xFFFFFC30]  }
0x35a: {  	v21 =	vadd.s32 $0x5F28, v20;
	[tilespmem:v12+s21+$0x0] =	vst.idx.msk $0xffff, v16;
	v23 =	vld [tilespmem:s18+$0xFFFFFC20]  }
0x35b: {  	[tilespmem:v6+s21+$0x0] =	vst.idx.msk $0xffff, v11;
	v16 =	vadd.s32 $0x5F28, v14;
	v18 =	vld [tilespmem:s18+$0xFFFFFC00]  }
0x35c: {  	v6 =	vadd.s32 $0x5F28, v13;
	[tilespmem:v7+s21+$0x0] =	vst.idx.msk $0xffff, v10;
	v19 =	vld [tilespmem:s18+$0xFFFFFC10]  }
0x35d: {  	v22 =	vld [tilespmem:s5+$0xC00];
	[tilespmem:v8+s21+$0x0] =	vst.idx.msk $0xffff, v4  }
0x35e: {  	v24 =	vadd.s32 $0x7148, v2;
	[tilespmem:v15+s21+$0x0] =	vst.idx.msk $0xffff, v5;
	v15 =	vld [tilespmem:s5+$0xC10]  }
0x35f: {  	v2 =	vadd.s32 $0x7148, v1;
	v1 =	vadd.s32 $0x7148, v3;
	[tilespmem:v21+s21+$0x0] =	vst.idx.msk $0xffff, v23;
	v21 =	vadd.s32 $0x63B0, v0;
	v17 =	vld [tilespmem:s18+$0x30]  }
0x360: {  	v3 =	vadd.s32 $0x7148, v14;
	v11 =	vadd.s32 $0x63B0, v14;
	v10 =	vadd.s32 $0x63B0, v13;
	[tilespmem:v16+s21+$0x0] =	vst.idx.msk $0xffff, v18;
	v16 =	vld [tilespmem:s5+$0xC20]  }
0x361: {  	v9 =	vadd.s32 $0x6838, v14;
	v7 =	vadd.s32 $0x6838, v20;
	v12 =	vadd.s32 $0x63B0, v20;
	[tilespmem:v6+s21+$0x0] =	vst.idx.msk $0xffff, v19;
	v18 =	vld [tilespmem:s18+$0x0]  }
0x362: {  	v8 =	vadd.s32 $0x6838, v13;
	v4 =	vadd.s32 $0x6CC0, v14;
	v6 =	vadd.s32 $0x6CC0, v13;
	v19 =	vld [tilespmem:s18+$0x10]  }
0x363: {  	s10 =	simm.s32 $0x4;
	s11 =	simm.s32 $0x1B4C0;
	[tilespmem:v24+s21+$0x0] =	vst.idx.msk $0xffff, v22;
	v14 =	vadd.s32 $0x7148, v13;
	v13 =	vadd.s32 $0x7148, v20;
	v5 =	vadd.s32 $0x6CC0, v20;
	v20 =	vld [tilespmem:s18+$0x20];
	s5 =	simm.s32 $0x5040  }
.LBB2_15:
0x364: {  	v22 =	vld [tilespmem:s11+$0x10];
	[tilespmem:v21+s21+$0x0] =	vst.idx.msk $0xffff, v17  }
0x365: {  	v21 =	vadd.s32 $0x6838, v0;
	v17 =	vld [tilespmem:s18+$0x430];
	[tilespmem:v2+s21+$0x0] =	vst.idx.msk $0xffff, v15;
	v2 =	vmov v14  }
0x366: {  	s10 =	sadd.s32 $0x4, s10;
	v14 =	vld [tilespmem:s11+$0xFFFFFFF0];
	[tilespmem:v11+s21+$0x0] =	vst.idx.msk $0xffff, v18  }
0x367: {  	p1 =	slt.u32 s10, $0x3C;
	v15 =	vld [tilespmem:s11+$0x0];
	[tilespmem:v10+s21+$0x0] =	vst.idx.msk $0xffff, v19  }
0x368: {  	v18 =	vld [tilespmem:s11+$0xFFFFFFE0];
	[tilespmem:v12+s21+$0x0] =	vst.idx.msk $0xffff, v20  }
0x369: {  	s18 =	sadd.s32 $0x40, s18;
	v10 =	vld [tilespmem:s5+$0x400];
	[tilespmem:v1+s21+$0x0] =	vst.idx.msk $0xffff, v16;
	v1 =	vmov v13  }
0x36a: {  	v13 =	vadd.s32 $0x5190, v22;
	v12 =	vld [tilespmem:s18+$0xFFFFF030];
	[tilespmem:v21+s21+$0x0] =	vst.idx.msk $0xffff, v17  }
0x36b: {  	v20 =	vadd.s32 $0x6CC0, v0;
	v16 =	vadd.s32 $0x5190, v14;
	v17 =	vadd.s32 $0x5618, v14;
	v19 =	vld [tilespmem:s5+$0x830]  }
0x36c: {  	v23 =	vadd.s32 $0x5AA0, v14;
	v21 =	vld [tilespmem:s18+$0xFFFFF000];
	v24 =	vadd.s32 $0x5190, v15;
	v25 =	vadd.s32 $0x5618, v15  }
0x36d: {  	v26 =	vadd.s32 $0x5190, v18;
	v27 =	vadd.s32 $0x5618, v18;
	v28 =	vadd.s32 $0x5AA0, v18;
	v29 =	vld [tilespmem:s18+$0xFFFFF010]  }
0x36e: {  	v31 =	vadd.s32 $0x5F28, v14;
	v33 =	vadd.s32 $0x5AA0, v15;
	v30 =	vadd.s32 $0x5F28, v18;
	v32 =	vld [tilespmem:s18+$0xFFFFF020];
	[tilespmem:v9+s21+$0x0] =	vst.idx.msk $0xffff, v10  }
0x36f: {  	v34 =	vadd.s32 $0x5F28, v15;
	v11 =	vadd.s32 $0x63B0, v18;
	v10 =	vadd.s32 $0x63B0, v14;
	[tilespmem:v13+s21+$0x0] =	vst.idx.msk $0xffff, v12;
	v35 =	vld [tilespmem:s5+$0x410]  }
0x370: {  	v37 =	vadd.s32 $0x5618, v22;
	v9 =	vadd.s32 $0x6838, v18;
	v12 =	vadd.s32 $0x63B0, v15;
	v36 =	vld [tilespmem:s18+$0xFFFFF430];
	[tilespmem:v20+s21+$0x0] =	vst.idx.msk $0xffff, v19  }
0x371: {  	v39 =	vadd.s32 $0x7148, v0;
	v0 =	vmovc v22;
	v19 =	vadd.s32 $0x6838, v14;
	v20 =	vadd.s32 $0x6838, v15;
	v38 =	vld [tilespmem:s5+$0xC30]  }
0x372: {  	v22 =	vadd.s32 $0x6CC0, v14;
	[tilespmem:v26+s21+$0x0] =	vst.idx.msk $0xffff, v21;
	v21 =	vadd.s32 $0x6CC0, v18;
	v26 =	vadd.s32 $0x6CC0, v15;
	v40 =	vld [tilespmem:s5+$0x420]  }
0x373: {  	v42 =	vadd.s32 $0x7148, v18;
	v13 =	vadd.s32 $0x7148, v15;
	v14 =	vadd.s32 $0x7148, v14;
	v41 =	vld [tilespmem:s18+$0xFFFFF400];
	[tilespmem:v16+s21+$0x0] =	vst.idx.msk $0xffff, v29  }
0x374: {  	v15 =	vld [tilespmem:s18+$0xFFFFF410];
	[tilespmem:v24+s21+$0x0] =	vst.idx.msk $0xffff, v32  }
0x375: {  	v16 =	vld [tilespmem:s18+$0xFFFFF420];
	[tilespmem:v37+s21+$0x0] =	vst.idx.msk $0xffff, v36  }
0x376: {  	v18 =	vld [tilespmem:s5+$0x800];
	[tilespmem:v39+s21+$0x0] =	vst.idx.msk $0xffff, v38  }
0x377: {  	v29 =	vadd.s32 $0x5AA0, v0;
	v24 =	vld [tilespmem:s18+$0xFFFFF830];
	[tilespmem:v8+s21+$0x0] =	vst.idx.msk $0xffff, v35;
	v8 =	vmov v19  }
0x378: {  	[tilespmem:v27+s21+$0x0] =	vst.idx.msk $0xffff, v41;
	v19 =	vld [tilespmem:s5+$0x810]  }
0x379: {  	v27 =	vld [tilespmem:s18+$0xFFFFF800];
	[tilespmem:v17+s21+$0x0] =	vst.idx.msk $0xffff, v15  }
0x37a: {  	v15 =	vld [tilespmem:s18+$0xFFFFF810];
	[tilespmem:v25+s21+$0x0] =	vst.idx.msk $0xffff, v16  }
0x37b: {  	v16 =	vld [tilespmem:s18+$0xFFFFF820];
	[tilespmem:v7+s21+$0x0] =	vst.idx.msk $0xffff, v40;
	v7 =	vmov v20  }
0x37c: {  	[tilespmem:v29+s21+$0x0] =	vst.idx.msk $0xffff, v24;
	v20 =	vld [tilespmem:s5+$0x820]  }
0x37d: {  	v24 =	vadd.s32 $0x5F28, v0;
	v17 =	vld [tilespmem:s18+$0xFFFFFC30];
	[tilespmem:v4+s21+$0x0] =	vst.idx.msk $0xffff, v18;
	v4 =	vmov v21  }
0x37e: {  	[tilespmem:v28+s21+$0x0] =	vst.idx.msk $0xffff, v27;
	v25 =	vld [tilespmem:s5+$0xC00]  }
0x37f: {  	v18 =	vld [tilespmem:s18+$0xFFFFFC00];
	[tilespmem:v23+s21+$0x0] =	vst.idx.msk $0xffff, v15  }
0x380: {  	v23 =	vld [tilespmem:s18+$0xFFFFFC10];
	[tilespmem:v33+s21+$0x0] =	vst.idx.msk $0xffff, v16  }
0x381: {  	v27 =	vld [tilespmem:s18+$0xFFFFFC20];
	[tilespmem:v6+s21+$0x0] =	vst.idx.msk $0xffff, v19;
	v6 =	vmov v22  }
0x382: {  	[tilespmem:v24+s21+$0x0] =	vst.idx.msk $0xffff, v17;
	v15 =	vld [tilespmem:s5+$0xC10]  }
.Ltmp6:
0x383: {  	v21 =	vadd.s32 $0x63B0, v0;
	v17 =	vld [tilespmem:s18+$0x30];
	[tilespmem:v5+s21+$0x0] =	vst.idx.msk $0xffff, v20;
	v5 =	vmov v26;
	(pc) =	sbr.rel @p1 .LBB2_15-.Ltmp6, $4  }
0x384: {  	[tilespmem:v30+s21+$0x0] =	vst.idx.msk $0xffff, v18;
	v16 =	vld [tilespmem:s5+$0xC20];
	s5 =	smov.u32 s18  }
0x385: {  	v18 =	vld [tilespmem:s18+$0x0];
	[tilespmem:v31+s21+$0x0] =	vst.idx.msk $0xffff, v23  }
0x386: {  	v19 =	vld [tilespmem:s18+$0x10];
	[tilespmem:v34+s21+$0x0] =	vst.idx.msk $0xffff, v27  }
0x387: {  	s11 =	sadd.s32 $0x40, s11;
	v20 =	vld [tilespmem:s18+$0x20];
	[tilespmem:v3+s21+$0x0] =	vst.idx.msk $0xffff, v25;
	v3 =	vmov v42  }
0x388: {  	_ =	sdelay $0x3  }
0x389: {  	[tilespmem:v21+s21+$0x0] =	vst.idx.msk $0xffff, v17  }
0x38a: {  	v21 =	vadd.s32 $0x6838, v0;
	v17 =	vld [tilespmem:s18+$0x430];
	[tilespmem:v11+s21+$0x0] =	vst.idx.msk $0xffff, v18  }
0x38b: {  	[tilespmem:v10+s21+$0x0] =	vst.idx.msk $0xffff, v19;
	v10 =	vld [tilespmem:s5+$0x400]  }
0x38c: {  	[tilespmem:v12+s21+$0x0] =	vst.idx.msk $0xffff, v20;
	v11 =	vld [tilespmem:s5+$0x410]  }
0x38d: {  	v12 =	vld [tilespmem:s5+$0x420];
	_ =	sdelay $0x1  }
0x38e: {  	[tilespmem:v21+s21+$0x0] =	vst.idx.msk $0xffff, v17  }
0x38f: {  	v18 =	vadd.s32 $0x6CC0, v0;
	v17 =	vld [tilespmem:s5+$0x830];
	[tilespmem:v9+s21+$0x0] =	vst.idx.msk $0xffff, v10  }
0x390: {  	v9 =	vld [tilespmem:s5+$0x800];
	[tilespmem:v8+s21+$0x0] =	vst.idx.msk $0xffff, v11  }
0x391: {  	v8 =	vld [tilespmem:s5+$0x810];
	[tilespmem:v7+s21+$0x0] =	vst.idx.msk $0xffff, v12  }
0x392: {  	v7 =	vld [tilespmem:s5+$0x820];
	_ =	sdelay $0x1  }
0x393: {  	[tilespmem:v18+s21+$0x0] =	vst.idx.msk $0xffff, v17  }
0x394: {  	v0 =	vadd.s32 $0x7148, v0;
	v10 =	vld [tilespmem:s5+$0xC30];
	[tilespmem:v4+s21+$0x0] =	vst.idx.msk $0xffff, v9  }
0x395: {  	v4 =	vld [tilespmem:s5+$0xC00];
	[tilespmem:v6+s21+$0x0] =	vst.idx.msk $0xffff, v8  }
0x396: {  	v6 =	vld [tilespmem:s5+$0xC10];
	[tilespmem:v5+s21+$0x0] =	vst.idx.msk $0xffff, v7  }
0x397: {  	[tilespmem:v2+s21+$0x0] =	vst.idx.msk $0xffff, v15;
	v2 =	vld [tilespmem:s5+$0xC20]  }
0x398: {  	[tilespmem:v1+s21+$0x0] =	vst.idx.msk $0xffff, v16  }
0x399: {  	[tilespmem:v0+s21+$0x0] =	vst.idx.msk $0xffff, v10  }
0x39a: {  	[tilespmem:v3+s21+$0x0] =	vst.idx.msk $0xffff, v4  }
0x39b: {  	[tilespmem:v14+s21+$0x0] =	vst.idx.msk $0xffff, v6  }
0x39c: {  	[tilespmem:v13+s21+$0x0] =	vst.idx.msk $0xffff, v2  }
0x39d: {  	v4 =	vld [tilespmem:s0+$0x10]  }
0x39e: {  	v2 =	vld [tilespmem:s0+$0xFFFFFFE0]  }
0x39f: {  	v1 =	vld [tilespmem:s0+$0xFFFFFFF0];
	_ =	sdelay $0x1  }
0x3a0: {  	s31 =	simm.s32 $0x7C30;
	v3 =	vld [tilespmem:s0+$0x0]  }
0x3a1: {  	v0 =	vld [tilespmem:s31+$0xFFFFE400];
	v5 =	vadd.s32 $0x75D0, v4  }
0x3a2: {  	v6 =	vld [tilespmem:s31+$0xFFFFE3D0];
	v7 =	vadd.s32 $0x75D0, v2  }
0x3a3: {  	v9 =	vld [tilespmem:s31+$0xFFFFE3E0];
	v8 =	vadd.s32 $0x75D0, v1;
	_ =	sdelay $0x2  }
0x3a4: {  	v11 =	vld [tilespmem:s31+$0xFFFFE3F0];
	v10 =	vadd.s32 $0x75D0, v3;
	[tilespmem:v5+s21+$0x0] =	vst.idx.msk $0xffff, v0  }
0x3a5: {  	v5 =	vadd.s32 $0x7A58, v4;
	[tilespmem:v7+s21+$0x0] =	vst.idx.msk $0xffff, v6;
	v0 =	vld [tilespmem:s31+$0xFFFFE800]  }
0x3a6: {  	v6 =	vadd.s32 $0x7A58, v2;
	[tilespmem:v8+s21+$0x0] =	vst.idx.msk $0xffff, v9;
	v7 =	vld [tilespmem:s31+$0xFFFFE7D0]  }
0x3a7: {  	v8 =	vadd.s32 $0x7A58, v1;
	v9 =	vld [tilespmem:s31+$0xFFFFE7E0];
	_ =	sdelay $0x1  }
0x3a8: {  	[tilespmem:v10+s21+$0x0] =	vst.idx.msk $0xffff, v11  }
0x3a9: {  	v10 =	vadd.s32 $0x7A58, v3;
	v11 =	vld [tilespmem:s31+$0xFFFFE7F0];
	[tilespmem:v5+s21+$0x0] =	vst.idx.msk $0xffff, v0  }
0x3aa: {  	v5 =	vadd.s32 $0x7EE0, v4;
	[tilespmem:v6+s21+$0x0] =	vst.idx.msk $0xffff, v7;
	v0 =	vld [tilespmem:s31+$0xFFFFEC00]  }
0x3ab: {  	v6 =	vadd.s32 $0x7EE0, v2;
	[tilespmem:v8+s21+$0x0] =	vst.idx.msk $0xffff, v9;
	v7 =	vld [tilespmem:s31+$0xFFFFEBD0]  }
0x3ac: {  	v8 =	vadd.s32 $0x7EE0, v1;
	v9 =	vld [tilespmem:s31+$0xFFFFEBE0];
	_ =	sdelay $0x1  }
0x3ad: {  	[tilespmem:v10+s21+$0x0] =	vst.idx.msk $0xffff, v11  }
0x3ae: {  	v10 =	vadd.s32 $0x7EE0, v3;
	v11 =	vld [tilespmem:s31+$0xFFFFEBF0];
	[tilespmem:v5+s21+$0x0] =	vst.idx.msk $0xffff, v0  }
0x3af: {  	v5 =	vadd.s32 $0x8368, v4;
	[tilespmem:v6+s21+$0x0] =	vst.idx.msk $0xffff, v7;
	v0 =	vld [tilespmem:s31+$0xFFFFF000]  }
0x3b0: {  	v6 =	vadd.s32 $0x8368, v2;
	[tilespmem:v8+s21+$0x0] =	vst.idx.msk $0xffff, v9;
	v7 =	vld [tilespmem:s31+$0xFFFFEFD0]  }
0x3b1: {  	v8 =	vadd.s32 $0x8368, v1;
	v9 =	vld [tilespmem:s31+$0xFFFFEFE0];
	_ =	sdelay $0x1  }
0x3b2: {  	[tilespmem:v10+s21+$0x0] =	vst.idx.msk $0xffff, v11  }
0x3b3: {  	v10 =	vadd.s32 $0x8368, v3;
	v11 =	vld [tilespmem:s31+$0xFFFFEFF0];
	[tilespmem:v5+s21+$0x0] =	vst.idx.msk $0xffff, v0  }
0x3b4: {  	v12 =	vadd.s32 $0x87F0, v4;
	[tilespmem:v6+s21+$0x0] =	vst.idx.msk $0xffff, v7;
	v5 =	vld [tilespmem:s31+$0xFFFFF400]  }
0x3b5: {  	[tilespmem:v8+s21+$0x0] =	vst.idx.msk $0xffff, v9;
	v8 =	vadd.s32 $0x87F0, v2;
	v6 =	vld [tilespmem:s31+$0xFFFFF3D0];
	_ =	sdelay $0x1  }
0x3b6: {  	v14 =	vld [tilespmem:s1+$0xFFFFFFF0]  }
0x3b7: {  	[tilespmem:v10+s21+$0x0] =	vst.idx.msk $0xffff, v11;
	v0 =	vld [tilespmem:s1+$0x10]  }
0x3b8: {  	v11 =	vadd.s32 $0x87F0, v1;
	v7 =	vld [tilespmem:s31+$0xFFFFF3E0];
	[tilespmem:v12+s21+$0x0] =	vst.idx.msk $0xffff, v5  }
0x3b9: {  	v9 =	vld [tilespmem:s31+$0xFFFFF3F0];
	[tilespmem:v8+s21+$0x0] =	vst.idx.msk $0xffff, v6;
	v6 =	vadd.s32 $0x87F0, v3  }
0x3ba: {  	v10 =	vadd.s32 $0x8C78, v4;
	v5 =	vld [tilespmem:s31+$0xFFFFF800]  }
0x3bb: {  	v20 =	vld [tilespmem:s1+$0x0]  }
0x3bc: {  	v19 =	vld [tilespmem:s1+$0xFFFFFFE0];
	s0 =	simm.s32 $0x7C70  }
0x3bd: {  	v13 =	vadd.s32 $0x75D0, v0;
	v12 =	vld [tilespmem:s0+$0xFFFFE400];
	[tilespmem:v11+s21+$0x0] =	vst.idx.msk $0xffff, v7  }
0x3be: {  	v15 =	vadd.s32 $0x8C78, v2;
	v8 =	vld [tilespmem:s31+$0xFFFFF7D0];
	[tilespmem:v6+s21+$0x0] =	vst.idx.msk $0xffff, v9  }
0x3bf: {  	v11 =	vld [tilespmem:s0+$0xFFFFE3E0];
	v6 =	vadd.s32 $0x75D0, v14;
	[tilespmem:v10+s21+$0x0] =	vst.idx.msk $0xffff, v5  }
0x3c0: {  	v10 =	vadd.s32 $0x9100, v4;
	v5 =	vld [tilespmem:s31+$0xFFFFFC00]  }
0x3c1: {  	v16 =	vld [tilespmem:s0+$0xFFFFE3D0];
	v7 =	vadd.s32 $0x75D0, v19  }
0x3c2: {  	v17 =	vadd.s32 $0x75D0, v20;
	v9 =	vld [tilespmem:s0+$0xFFFFE3F0];
	[tilespmem:v13+s21+$0x0] =	vst.idx.msk $0xffff, v12  }
0x3c3: {  	v18 =	vadd.s32 $0x7A58, v0;
	v13 =	vld [tilespmem:s0+$0xFFFFE800];
	[tilespmem:v15+s21+$0x0] =	vst.idx.msk $0xffff, v8  }
0x3c4: {  	v12 =	vld [tilespmem:s31+$0xFFFFF7E0];
	v8 =	vadd.s32 $0x8C78, v1;
	[tilespmem:v6+s21+$0x0] =	vst.idx.msk $0xffff, v11  }
0x3c5: {  	v6 =	vadd.s32 $0x7A58, v14;
	v11 =	vld [tilespmem:s0+$0xFFFFE7E0];
	[tilespmem:v10+s21+$0x0] =	vst.idx.msk $0xffff, v5  }
0x3c6: {  	[tilespmem:v7+s21+$0x0] =	vst.idx.msk $0xffff, v16;
	v4 =	vadd.s32 $0x9588, v4;
	v5 =	vld [tilespmem:s31+$0x0]  }
0x3c7: {  	v15 =	vld [tilespmem:s0+$0xFFFFE7D0];
	[tilespmem:v17+s21+$0x0] =	vst.idx.msk $0xffff, v9;
	v10 =	vadd.s32 $0x7A58, v19  }
0x3c8: {  	v9 =	vadd.s32 $0x7A58, v20;
	v16 =	vld [tilespmem:s0+$0xFFFFE7F0];
	[tilespmem:v18+s21+$0x0] =	vst.idx.msk $0xffff, v13  }
0x3c9: {  	v7 =	vld [tilespmem:s31+$0xFFFFF7F0];
	v13 =	vadd.s32 $0x8C78, v3;
	[tilespmem:v8+s21+$0x0] =	vst.idx.msk $0xffff, v12  }
0x3ca: {  	v17 =	vld [tilespmem:s31+$0xFFFFFBD0];
	v8 =	vadd.s32 $0x9100, v2;
	[tilespmem:v6+s21+$0x0] =	vst.idx.msk $0xffff, v11  }
0x3cb: {  	[tilespmem:v4+s21+$0x0] =	vst.idx.msk $0xffff, v5;
	v4 =	vld [tilespmem:s0+$0xFFFFEC00];
	v5 =	vadd.s32 $0x7EE0, v0  }
0x3cc: {  	v6 =	vadd.s32 $0x7EE0, v14;
	[tilespmem:v10+s21+$0x0] =	vst.idx.msk $0xffff, v15;
	v11 =	vld [tilespmem:s0+$0xFFFFEBE0]  }
0x3cd: {  	v12 =	vadd.s32 $0x7EE0, v19;
	[tilespmem:v9+s21+$0x0] =	vst.idx.msk $0xffff, v16;
	v15 =	vld [tilespmem:s0+$0xFFFFEBD0]  }
0x3ce: {  	v9 =	vadd.s32 $0x7EE0, v20;
	[tilespmem:v13+s21+$0x0] =	vst.idx.msk $0xffff, v7;
	v16 =	vld [tilespmem:s0+$0xFFFFEBF0]  }
0x3cf: {  	v7 =	vadd.s32 $0x9100, v1;
	[tilespmem:v8+s21+$0x0] =	vst.idx.msk $0xffff, v17;
	v10 =	vld [tilespmem:s31+$0xFFFFFBE0]  }
0x3d0: {  	v8 =	vadd.s32 $0x9100, v3;
	[tilespmem:v5+s21+$0x0] =	vst.idx.msk $0xffff, v4;
	v4 =	vld [tilespmem:s31+$0xFFFFFBF0]  }
0x3d1: {  	v13 =	vadd.s32 $0x8368, v0;
	[tilespmem:v6+s21+$0x0] =	vst.idx.msk $0xffff, v11;
	v5 =	vld [tilespmem:s0+$0xFFFFF000]  }
0x3d2: {  	v21 =	vadd.s32 $0x8368, v14;
	[tilespmem:v12+s21+$0x0] =	vst.idx.msk $0xffff, v15;
	v23 =	vld [tilespmem:s0+$0xFFFFEFE0]  }
0x3d3: {  	[tilespmem:v9+s21+$0x0] =	vst.idx.msk $0xffff, v16;
	v15 =	vadd.s32 $0x8368, v19;
	v18 =	vld [tilespmem:s0+$0xFFFFEFD0]  }
0x3d4: {  	v22 =	vld [tilespmem:s31+$0xFFFFFFD0];
	[tilespmem:v7+s21+$0x0] =	vst.idx.msk $0xffff, v10  }
0x3d5: {  	v24 =	vadd.s32 $0x8368, v20;
	v25 =	vld [tilespmem:s0+$0xFFFFEFF0];
	[tilespmem:v8+s21+$0x0] =	vst.idx.msk $0xffff, v4  }
0x3d6: {  	v26 =	vadd.s32 $0x9588, v2;
	v16 =	vld [tilespmem:s31+$0xFFFFFFE0];
	[tilespmem:v13+s21+$0x0] =	vst.idx.msk $0xffff, v5  }
0x3d7: {  	v2 =	vadd.s32 $0x9588, v1;
	v1 =	vadd.s32 $0x9588, v3;
	[tilespmem:v21+s21+$0x0] =	vst.idx.msk $0xffff, v23;
	v21 =	vadd.s32 $0x87F0, v0;
	v17 =	vld [tilespmem:s0+$0xFFFFF400]  }
0x3d8: {  	v3 =	vadd.s32 $0x9588, v19;
	v11 =	vadd.s32 $0x87F0, v14;
	v9 =	vadd.s32 $0x8C78, v19;
	[tilespmem:v15+s21+$0x0] =	vst.idx.msk $0xffff, v18;
	v15 =	vld [tilespmem:s31+$0xFFFFFFF0]  }
0x3d9: {  	v7 =	vadd.s32 $0x8C78, v20;
	v6 =	vadd.s32 $0x9100, v19;
	v12 =	vadd.s32 $0x87F0, v19;
	v18 =	vld [tilespmem:s0+$0xFFFFF3D0]  }
0x3da: {  	v10 =	vadd.s32 $0x9588, v20;
	v8 =	vadd.s32 $0x8C78, v14;
	v4 =	vadd.s32 $0x9100, v20;
	[tilespmem:v24+s21+$0x0] =	vst.idx.msk $0xffff, v25;
	v19 =	vld [tilespmem:s0+$0xFFFFF3E0]  }
0x3db: {  	s10 =	simm.s32 $0x1B4C0;
	s5 =	simm.s32 $0x4;
	s1 =	simm.s32 $0x7C70;
	[tilespmem:v26+s21+$0x0] =	vst.idx.msk $0xffff, v22;
	v13 =	vadd.s32 $0x87F0, v20;
	v5 =	vadd.s32 $0x9100, v14;
	v14 =	vadd.s32 $0x9588, v14;
	v20 =	vld [tilespmem:s0+$0xFFFFF3F0]  }
.LBB2_17:
0x3dc: {  	v22 =	vld [tilespmem:s10+$0x10];
	[tilespmem:v21+s21+$0x0] =	vst.idx.msk $0xffff, v17  }
0x3dd: {  	v21 =	vadd.s32 $0x8C78, v0;
	v17 =	vld [tilespmem:s0+$0xFFFFF800];
	[tilespmem:v2+s21+$0x0] =	vst.idx.msk $0xffff, v16;
	v2 =	vmov v14  }
0x3de: {  	s5 =	sadd.s32 $0x4, s5;
	v14 =	vld [tilespmem:s10+$0xFFFFFFF0];
	[tilespmem:v12+s21+$0x0] =	vst.idx.msk $0xffff, v18  }
0x3df: {  	p1 =	slt.u32 s5, $0x3C;
	v16 =	vld [tilespmem:s10+$0x0];
	[tilespmem:v11+s21+$0x0] =	vst.idx.msk $0xffff, v19  }
0x3e0: {  	v18 =	vld [tilespmem:s10+$0xFFFFFFE0];
	[tilespmem:v13+s21+$0x0] =	vst.idx.msk $0xffff, v20  }
0x3e1: {  	s0 =	sadd.s32 $0x40, s0;
	v11 =	vld [tilespmem:s1+$0xFFFFF7D0];
	[tilespmem:v1+s21+$0x0] =	vst.idx.msk $0xffff, v15;
	v1 =	vmov v10  }
0x3e2: {  	v13 =	vadd.s32 $0x75D0, v22;
	v10 =	vld [tilespmem:s0+$0xFFFFE400];
	[tilespmem:v21+s21+$0x0] =	vst.idx.msk $0xffff, v17  }
0x3e3: {  	v20 =	vadd.s32 $0x9100, v0;
	v15 =	vadd.s32 $0x75D0, v14;
	v17 =	vadd.s32 $0x7A58, v14;
	v19 =	vld [tilespmem:s1+$0xFFFFFC00]  }
0x3e4: {  	v23 =	vadd.s32 $0x7EE0, v14;
	v21 =	vld [tilespmem:s0+$0xFFFFE3D0];
	v24 =	vadd.s32 $0x75D0, v16;
	v25 =	vadd.s32 $0x7A58, v16  }
0x3e5: {  	v26 =	vadd.s32 $0x75D0, v18;
	v27 =	vadd.s32 $0x7A58, v18;
	v28 =	vadd.s32 $0x7EE0, v18;
	v29 =	vld [tilespmem:s0+$0xFFFFE3E0]  }
0x3e6: {  	v31 =	vadd.s32 $0x8368, v14;
	v33 =	vadd.s32 $0x7EE0, v16;
	v30 =	vadd.s32 $0x8368, v18;
	v32 =	vld [tilespmem:s0+$0xFFFFE3F0];
	[tilespmem:v9+s21+$0x0] =	vst.idx.msk $0xffff, v11  }
0x3e7: {  	v34 =	vadd.s32 $0x8368, v16;
	v12 =	vadd.s32 $0x87F0, v18;
	v11 =	vadd.s32 $0x87F0, v14;
	[tilespmem:v13+s21+$0x0] =	vst.idx.msk $0xffff, v10;
	v35 =	vld [tilespmem:s1+$0xFFFFF7E0]  }
0x3e8: {  	v37 =	vadd.s32 $0x7A58, v22;
	v9 =	vadd.s32 $0x8C78, v18;
	v13 =	vadd.s32 $0x87F0, v16;
	v36 =	vld [tilespmem:s0+$0xFFFFE800];
	[tilespmem:v20+s21+$0x0] =	vst.idx.msk $0xffff, v19  }
0x3e9: {  	v39 =	vadd.s32 $0x9588, v0;
	v0 =	vmovc v22;
	v19 =	vadd.s32 $0x8C78, v14;
	v20 =	vadd.s32 $0x8C78, v16;
	v38 =	vld [tilespmem:s1+$0x0]  }
0x3ea: {  	v22 =	vadd.s32 $0x9100, v14;
	[tilespmem:v26+s21+$0x0] =	vst.idx.msk $0xffff, v21;
	v21 =	vadd.s32 $0x9100, v18;
	v26 =	vadd.s32 $0x9100, v16;
	v40 =	vld [tilespmem:s1+$0xFFFFF7F0]  }
0x3eb: {  	v42 =	vadd.s32 $0x9588, v18;
	v10 =	vadd.s32 $0x9588, v16;
	v14 =	vadd.s32 $0x9588, v14;
	v41 =	vld [tilespmem:s0+$0xFFFFE7D0];
	[tilespmem:v15+s21+$0x0] =	vst.idx.msk $0xffff, v29  }
0x3ec: {  	v15 =	vld [tilespmem:s0+$0xFFFFE7E0];
	[tilespmem:v24+s21+$0x0] =	vst.idx.msk $0xffff, v32  }
0x3ed: {  	v16 =	vld [tilespmem:s0+$0xFFFFE7F0];
	[tilespmem:v37+s21+$0x0] =	vst.idx.msk $0xffff, v36  }
0x3ee: {  	v18 =	vld [tilespmem:s1+$0xFFFFFBD0];
	[tilespmem:v39+s21+$0x0] =	vst.idx.msk $0xffff, v38  }
0x3ef: {  	v29 =	vadd.s32 $0x7EE0, v0;
	v24 =	vld [tilespmem:s0+$0xFFFFEC00];
	[tilespmem:v8+s21+$0x0] =	vst.idx.msk $0xffff, v35;
	v8 =	vmov v19  }
0x3f0: {  	[tilespmem:v27+s21+$0x0] =	vst.idx.msk $0xffff, v41;
	v19 =	vld [tilespmem:s1+$0xFFFFFBE0]  }
0x3f1: {  	v27 =	vld [tilespmem:s0+$0xFFFFEBD0];
	[tilespmem:v17+s21+$0x0] =	vst.idx.msk $0xffff, v15  }
0x3f2: {  	v15 =	vld [tilespmem:s0+$0xFFFFEBE0];
	[tilespmem:v25+s21+$0x0] =	vst.idx.msk $0xffff, v16  }
0x3f3: {  	v16 =	vld [tilespmem:s0+$0xFFFFEBF0];
	[tilespmem:v7+s21+$0x0] =	vst.idx.msk $0xffff, v40;
	v7 =	vmov v20  }
0x3f4: {  	[tilespmem:v29+s21+$0x0] =	vst.idx.msk $0xffff, v24;
	v20 =	vld [tilespmem:s1+$0xFFFFFBF0]  }
0x3f5: {  	v24 =	vadd.s32 $0x8368, v0;
	v17 =	vld [tilespmem:s0+$0xFFFFF000];
	[tilespmem:v6+s21+$0x0] =	vst.idx.msk $0xffff, v18;
	v6 =	vmov v21  }
0x3f6: {  	[tilespmem:v28+s21+$0x0] =	vst.idx.msk $0xffff, v27;
	v25 =	vld [tilespmem:s1+$0xFFFFFFD0]  }
0x3f7: {  	v18 =	vld [tilespmem:s0+$0xFFFFEFD0];
	[tilespmem:v23+s21+$0x0] =	vst.idx.msk $0xffff, v15  }
0x3f8: {  	v23 =	vld [tilespmem:s0+$0xFFFFEFE0];
	[tilespmem:v33+s21+$0x0] =	vst.idx.msk $0xffff, v16  }
0x3f9: {  	v27 =	vld [tilespmem:s0+$0xFFFFEFF0];
	[tilespmem:v5+s21+$0x0] =	vst.idx.msk $0xffff, v19;
	v5 =	vmov v22  }
0x3fa: {  	[tilespmem:v24+s21+$0x0] =	vst.idx.msk $0xffff, v17;
	v16 =	vld [tilespmem:s1+$0xFFFFFFE0]  }
.Ltmp7:
0x3fb: {  	v21 =	vadd.s32 $0x87F0, v0;
	v17 =	vld [tilespmem:s0+$0xFFFFF400];
	[tilespmem:v4+s21+$0x0] =	vst.idx.msk $0xffff, v20;
	v4 =	vmov v26;
	(pc) =	sbr.rel @p1 .LBB2_17-.Ltmp7, $4  }
0x3fc: {  	[tilespmem:v30+s21+$0x0] =	vst.idx.msk $0xffff, v18;
	v15 =	vld [tilespmem:s1+$0xFFFFFFF0];
	s1 =	smov.u32 s0  }
0x3fd: {  	v18 =	vld [tilespmem:s0+$0xFFFFF3D0];
	[tilespmem:v31+s21+$0x0] =	vst.idx.msk $0xffff, v23  }
0x3fe: {  	v19 =	vld [tilespmem:s0+$0xFFFFF3E0];
	[tilespmem:v34+s21+$0x0] =	vst.idx.msk $0xffff, v27  }
0x3ff: {  	s10 =	sadd.s32 $0x40, s10;
	v20 =	vld [tilespmem:s0+$0xFFFFF3F0];
	[tilespmem:v3+s21+$0x0] =	vst.idx.msk $0xffff, v25;
	v3 =	vmov v42  }
0x400: {  	_ =	sdelay $0x3  }
0x401: {  	[tilespmem:v21+s21+$0x0] =	vst.idx.msk $0xffff, v17  }
0x402: {  	v57 =	vadd.s32 $0x8C78, v0;
	v17 =	vld [tilespmem:s0+$0xFFFFF800];
	[tilespmem:v12+s21+$0x0] =	vst.idx.msk $0xffff, v18  }
0x403: {  	[tilespmem:v11+s21+$0x0] =	vst.idx.msk $0xffff, v19;
	v58 =	vld [tilespmem:s1+$0xFFFFF7D0]  }
0x404: {  	[tilespmem:v13+s21+$0x0] =	vst.idx.msk $0xffff, v20;
	v59 =	vld [tilespmem:s1+$0xFFFFF7E0]  }
0x405: {  	v13 =	vld [tilespmem:s1+$0xFFFFF7F0];
	_ =	sdelay $0x1  }
0x406: {  	[tilespmem:v57+s21+$0x0] =	vst.idx.msk $0xffff, v17  }
0x407: {  	v60 =	vadd.s32 $0x9100, v0;
	v17 =	vld [tilespmem:s1+$0xFFFFFC00];
	[tilespmem:v9+s21+$0x0] =	vst.idx.msk $0xffff, v58  }
0x408: {  	v9 =	vld [tilespmem:s1+$0xFFFFFBD0];
	[tilespmem:v8+s21+$0x0] =	vst.idx.msk $0xffff, v59  }
0x409: {  	v8 =	vld [tilespmem:s1+$0xFFFFFBE0];
	[tilespmem:v7+s21+$0x0] =	vst.idx.msk $0xffff, v13  }
0x40a: {  	v7 =	vld [tilespmem:s1+$0xFFFFFBF0];
	_ =	sdelay $0x1  }
0x40b: {  	s31 =	sor.u32 s15, s29;
	[tilespmem:v60+s21+$0x0] =	vst.idx.msk $0xffff, v17  }
0x40c: {  	v62 =	vadd.s32 $0x9588, v0;
	s5 =	simm.s32 $0x1;
	p1 =	sgt.u32 s31, $0x4;
	v61 =	vld [tilespmem:s1+$0x0];
	[tilespmem:v6+s21+$0x0] =	vst.idx.msk $0xffff, v9  }
0x40d: {  	s10 =	simm.s32 $0x1;
	s5 =	simm.s32 @!p1 $0x0;
	p1 =	sgt.u32 s31, $0xE;
	v6 =	vld [tilespmem:s1+$0xFFFFFFD0];
	[tilespmem:v5+s21+$0x0] =	vst.idx.msk $0xffff, v8  }
0x40e: {  	s0 =	sadd.s32 s5, s31;
	s10 =	simm.s32 @!p1 $0x0;
	v5 =	vld [tilespmem:s1+$0xFFFFFFE0];
	[tilespmem:v4+s21+$0x0] =	vst.idx.msk $0xffff, v7  }
0x40f: {  	[tilespmem:v2+s21+$0x0] =	vst.idx.msk $0xffff, v16;
	s28 =	sadd.s32 $0x1, s28;
	s0 =	sadd.s32 s10, s0;
	v63 =	vld [tilespmem:s1+$0xFFFFFFF0]  }
0x410: {  	[tilespmem:v1+s21+$0x0] =	vst.idx.msk $0xffff, v15;
	p1 =	sne.s32 s28, $0x8;
	s0 =	smul.u32 $0x9A10, s0  }
.Ltmp8:
0x411: {  	[tilespmem:v62+s21+$0x0] =	vst.idx.msk $0xffff, v61;
	(pc) =	sbr.rel @p1 .LBB2_2-.Ltmp8, $4  }
0x412: {  	s0 =	sadd.s32 s6, s0;
	[tilespmem:v3+s21+$0x0] =	vst.idx.msk $0xffff, v6  }
0x413: {  	s0 =	sshrl.u32 s0, $0x3;
	[tilespmem:v14+s21+$0x0] =	vst.idx.msk $0xffff, v5  }
0x414: {  	s0 =	sadd.s32 s2, s0;
	[tilespmem:v10+s21+$0x0] =	vst.idx.msk $0xffff, v63  }
0x415: {  	[hbm4b:s0+s3] =	stream.linear.scatter [tilespmem:s21], [sflag:$0x4], $0x9A10, $0x38;
	[tilespmem:$0x1B820] =	vst v63  }
0x416: {  	s26 =	sadd.s32 $0x1, s26  }
0x417: {  	_ =	swait.ge [sflag:s24], $0x9A10;
	p1 =	sne.s32 s26, s16  }
.Ltmp9:
0x418: {  	[sflag:s24] =	ssyncset.done $0x0;
	(pc) =	sbr.rel @p1 .LBB2_1-.Ltmp9, $4  }
0x419: {  	[sflag:s24] =	ssyncadd.s32 $0xFFFF65F0  }
0x41a: {  	_ =	swait.ge [sflag:s25], $0x9A10  }
0x41b: {  	[sflag:s25] =	ssyncset.done $0x0  }
0x41c: {  	[sflag:s25] =	ssyncadd.s32 $0xFFFF65F0  }
0x41d: {  	_ =	sfence.sel $0x180000  }
0x41e: {  	[bflag:$0x0] =	sbarrier.arrive $0xFFFF  }
0x41f: {  	_ =	strace $0x9000004A  }
0x420: {  	s0 =	stileid.u32;
	[bflag:$0x2] =	sbarrier.arrive $0xFFFF  }
0x421: {  	p0 =	sne.s32 s0, $0x0;
	s0 =	rddreg [dreg:$0x2]  }
0x422: {  	s0 =	sadd.s32 @!p0 $0x100000, s0  }
0x423: {  	[sflag:s0] =	ssyncadd.tile.s32 @!p0 $0x1;
	_ =	shalt  }
.Lfunc_end2:
_tile_overlayer_lowered:
.L_overlay_start_2:
0x424: {  	(tag) =	ssettag $0x2  }
0x425: {  	s0 =	rddreg [dreg:$0x0];
	s2 =	stileid.u32  }
0x426: {  	s1 =	rddreg [dreg:$0x1];
	p0 =	sne.s32 s2, $0x0  }
0x427: {  	s3 =	rddreg [dreg:$0x2];
	[bflag:$0x3] =	sbarrier.arrive $0xFFFF;
	s2 =	simm.s32 @!p0 $0x1C05  }
0x428: {  	[timem:s3], [sflag:s2] =	dma.local @!p0 [hbm:s0], s1  }
0x429: {  	s0 =	simm.s32 @!p0 $0x5  }
0x42a: {  	_ =	swait.ge @!p0 [sflag:s0], s1  }
0x42b: {  	s1 =	ssub.s32 @!p0 $0x0, s1;
	[sflag:s0] =	ssyncset.done @!p0 $0x0  }
0x42c: {  	[sflag:s0] =	ssyncadd.s32 @!p0 s1  }
0x42d: {  	[bflag:$0x3] =	sbarrier.arrive $0xFFFF  }
0x42e: {  	_ =	shalt  }

// kernel: sparse-core-data-format-call.1.cloned.1.call-start
scs
called_computation.1_lowered:
.L_overlay_start_0:
0x0: {  	s2 =	sld [smem:$0x3FD9]  }
0x1: {  	s3 =	sld [smem:$0x3FFE];
	_ =	sdelay $0x1  }
0x2: {  	s1 =	srdreg.scid  }
0x3: {  	s0 =	sand.u32 $0x1, s1  }
0x4: {  	s18 =	sshll.u32 s0, $0xA;
	s2 =	sadd.s32 s3, s2  }
0x5: {  	s2 =	sadd.s32 s2, s18  }
0x6: {  	[smem:$0x3FC7] =	sst s2  }
0x7: {  	_ = 	snop  }
0x8: {  	s2 =	sld [smem:$0x3FC9];
	(tm) =	ssettm $0x1  }
0x9: {  	s19 =	sld [smem:$0x3FFB];
	_ =	sdelay $0x3  }
0xa: {  	_ =	strace s19  }
0xb: {  	s3 =	sld [smem:$0x3FFC];
	_ =	sdelay $0x3  }
0xc: {  	_ =	strace s3  }
0xd: {  	s3 =	sld [smem:$0x3FFD];
	_ =	sdelay $0x3  }
0xe: {  	_ =	strace s3  }
0xf: {  	_ =	strace $0x8FFFFFFF  }
0x10: {  	s20 =	sld [smem:$0x3FDB];
	_ =	sdelay $0x1  }
0x11: {  	s4 =	simm.s32 $_scs_section_size  }
0x12: {  	s5 =	simm.s32 $_size__tile_overlayer_lowered;
	s6 =	simm.s32 $_tile_overlayer_lowered  }
0x13: {  	s23 =	simm.s32 $0x1BFF;
	s22 =	sshll.u32 s6, $0x1;
	s3 =	sadd.s32 s4, s20  }
0x14: {  	s7 =	simm.s32 $0x0;
	s21 =	sshll.u32 s5, $0x1;
	s5 =	sadd.s32 s22, s3  }
0x15: {  	[timem:s7], [sflag:s23] =	dma.local [hbm:s5], s21  }
0x16: {  	_ =	swait.ge [sflag:s23], s21  }
0x17: {  	s4 =	ssub.s32 $0x0, s21;
	[sflag:s23] =	ssyncset.done $0x0  }
0x18: {  	[sflag:s23] =	ssyncadd.s32 s4;
	_ =	sdelay $0x1  }
0x19: {  	s24 =	simm.s32 $0x1B8B  }
0x1a: {  	_ =	swait.ge [sflag:s24], $0x1  }
0x1b: {  	[sflag:s24] =	ssyncset.done $0x0  }
0x1c: {  	s26 =	simm.s32 $0x1B8E;
	s25 =	sld [smem:$0x3FFE];
	[sflag:s24] =	ssyncadd.s32 $0xFFFFFFFF  }
0x1d: {  	s27 =	simm.s32 $execute0_lowered;
	[smem:$0x3FD2] =	sst s26  }
0x1e: {  	s5 =	sshll.u32 s27, $0x1;
	_ =	strace $0x80000046;
	[dreg:$0x1] =	wrdreg $0xFFFFFFFF  }
0x1f: {  	s28 =	simm.s32 $_size_execute0_lowered;
	s3 =	sadd.s32 s3, s5;
	[dreg:$0x0] =	wrdreg $0x0  }
0x20: {  	s5 =	sshll.u32 s28, $0x1;
	[dreg:$0x2] =	wrdreg s3  }
0x21: {  	[dreg:$0x3] =	wrdreg s5  }
0x22: {  	[dreg:$0x4] =	wrdreg $0xC0  }
0x23: {  	_ =	task [dreg:s7], $0x5FFFF  }
0x24: {  	[dreg:$0x1] =	wrdreg $0xFFFFFFFF  }
0x25: {  	[dreg:$0x0] =	wrdreg $0x60  }
0x26: {  	[dreg:$0x2] =	wrdreg s2  }
0x27: {  	[dreg:$0x3] =	wrdreg s25  }
0x28: {  	[dreg:$0x4] =	wrdreg $0x9  }
0x29: {  	_ =	task.clear_ibuf [dreg:s7], $0x5FFFF;
	_ =	strace $0x90000046  }
0x2a: {  	s29 =	simm.s32 $0x9;
	_ =	strace $0x80000048  }
0x2b: {  	_ =	swait.ge [sflag:s29], $0x1  }
0x2c: {  	[sflag:s29] =	ssyncadd.s32 $0xFFFFFFFF  }
0x2d: {  	_ =	strace $0x90000048  }
0x2e: {  	_ =	sfence  }
0x2f: {  	s30 =	sld [smem:$0x0];
	_ =	sdelay $0x2  }
0x30: {  	s31 =	sshll.u32 s1, $0xD;
	s1 =	sshrl.u32 s1, $0x2  }
0x31: {  	s3 =	sand.u32 $0x4000, s31;
	s1 =	sadd.s32 s1, s30  }
0x32: {  	s0 =	sor.u32 s3, s0;
	s1 =	sshll.u32 s1, $0x11  }
0x33: {  	s0 =	sor.u32 s1, s0  }
0x34: {  	s0 =	sadd.s32 $0x8F2B, s0  }
0x35: {  	[sflag:s0] =	ssyncadd.remote.s32 $0x1  }
0x36: {  	_ =	sfence.sel $0xFFFF  }
0x37: {  	[dreg:$0x0] =	wrdreg $0xFFFFFFFF;
	(pc) =	sbr.abs _section_cstart, $3  }
0x38: {  	[dreg:$0x1] =	wrdreg $0xFFFFFFFF  }
0x39: {  	_ =	task.clear_ibuf [dreg:s7], $0x2FFFF;
	_ =	strace $0x9FFFFFFF  }
0x3a: {  	(tm) =	ssettm $0x7FFFFFFF  }
0x3b: {  	_ =	shalt  }
tec
execute0_lowered:
.L_overlay_start_1:
0x0: {  	(tag) =	ssettag $0x1  }
0x1: {  	s0 =	srdreg.scid  }
0x2: {  	s1 =	sshll.u32 s0, $0x4  }
0x3: {  	s2 =	rddreg [dreg:$0x0];
	s0 =	stileid.u32;
	s1 =	sand.u32 $0x10, s1  }
0x4: {  	s4 =	rddreg [dreg:$0x1];
	s7 =	simm.s32 $0x1;
	s1 =	sor.u32 s0, s1  }
0x5: {  	s8 =	simm.s32 $0x2;
	s9 =	simm.s32 $0x0;
	s3 =	sshll.u32 s1, $0x1  }
0x6: {  	s12 =	simm.s32 $0x0;
	s11 =	simm.s32 $0x0;
	s6 =	ssub.s32 $0x800, s3  }
.Ltmp0:
0x7: {  	s4 =	sadd.s32 $0xE00, s4;
	s5 =	sand.u32 $0x3E, s6;
	(pc) =	sbr.rel .LBB1_1-.Ltmp0, $4  }
0x8: {  	s1 =	rddreg [dreg:$0x2];
	_ =	strace $0x80000047;
	p0 =	sne.s32 s5, $0x0  }
0x9: {  	s6 =	sshrl.u32 s6, $0x6;
	s5 =	simm.s32 $0x1;
	s7 =	simm.s32 @!p0 $0x0  }
0xa: {  	s10 =	smov.u32 s3;
	[sflag:s5] =	ssyncpa.u1 $0x0;
	s6 =	sadd.s32 s7, s6  }
0xb: {  	[sflag:s8] =	ssyncpa.u1 $0x0;
	s8 =	simm.s32 $0x0;
	s7 =	sadd.s32 $0x1, s6  }
.LBB1_9:
0xc: {  	s14 =	sadd.s32 $0x40, s10  }
0xd: {  	p1 =	sgt.s32 s14, $0x7FF  }
0xe: {  	s14 =	smov.u32 @p1 s3;
	p1 =	sne.s32 s11, s7  }
.Ltmp1:
0xf: {  	p0 =	slt.u32 s11, $0x2;
	(pc) =	sbr.rel @!p1 .LBB1_10-.Ltmp1, $4  }
0x10: {  	s13 =	simm.s32 @!p0 $0x2  }
0x11: {  	s15 =	sadd.s32 $0x1, s11;
	_ =	swait.ge @!p0 [sflag:s13], $0x4000  }
0x12: {  	s12 =	smov.u32 s10;
	s9 =	sadd.s32 $0x4000, s9;
	[sflag:s13] =	ssyncset.done @!p0 $0x0  }
0x13: {  	s11 =	smov.u32 s15;
	s10 =	smov.u32 s14;
	[sflag:s13] =	ssyncadd.s32 @!p0 $0xFFFFC000  }
.LBB1_1:
0x14: {  	p0 =	sge.u32 s11, s6  }
0x15: {  	s13 =	sxor.u32 @!p0 $0xFFFFFFFF, s11  }
0x16: {  	s31 =	sadd.s32 $0xFFFFFFFF, s11;
	s14 =	sshll.u32 @!p0 s10, $0xA;
	s13 =	sshll.u32 @!p0 s13, $0xE  }
0x17: {  	s15 =	simm.s32 @!p0 $0x0;
	s14 =	sadd.s32 @!p0 s2, s14;
	s13 =	sand.u32 @!p0 $0x4000, s13  }
0x18: {  	[tilespmem:s13], [sflag:$0x1] =	stream.linear.gather @!p0 [hbm4b:s14+s15], $0x4000, $0x38;
	[tilespmem:$0x10000] =	vst v63  }
0x19: {  	p0 =	sge.u32 s31, s6  }
.Ltmp2:
0x1a: {  	_ = 	snop;
	(pc) =	sbr.rel @p0 .LBB1_9-.Ltmp2, $1  }
0x1b: {  	_ =	sdelay $0x3  }
0x1c: {  	s13 =	sshll.u32 s9, $0x2  }
0x1d: {  	_ =	swait.ge [sflag:s5], $0x4000;
	s14 =	sshll.u32 s11, $0xE;
	s16 =	simm.s32 $0x0  }
0x1e: {  	p1 =	por $0x1, $0x1;
	s13 =	sand.u32 $0x10000, s13;
	[sflag:s5] =	ssyncset.done $0x0  }
0x1f: {  	s14 =	sand.u32 $0x4000, s14;
	s15 =	sshrl.u32 s13, $0x2;
	[sflag:s5] =	ssyncadd.s32 $0xFFFFC000  }
0x20: {  	s13 =	sor.u32 $0x8000, s14;
	s14 =	sadd.s32 $0x8040, s15;
	s15 =	sadd.s32 $0x40, s15  }
.LBB1_3:
0x21: {  	s16 =	sshll.u32 s16, $0x2  }
0x22: {  	p0 =	por p1, p1;
	s17 =	sshra.s32 s16, $0x2  }
0x23: {  	s18 =	simm.s32 $0x0;
	s16 =	sadd.s32 s17, s14;
	s17 =	sadd.s32 s17, s15  }
.LBB1_4:
0x24: {  	v0 =	vmov s17;
	_ =	sdelay $0x3  }
0x25: {  	s20 =	simm.s32 $0x0  }
0x26: {  	v6 =	vld.idx.msk [tilespmem:v0+s20+$0x30 ss:$0x1], $0xffff  }
0x27: {  	v7 =	vld.idx.msk [tilespmem:v0+s20+$0xFFFFFFC0 ss:$0x1], $0xffff  }
0x28: {  	v5 =	vld.idx.msk [tilespmem:v0+s20+$0xFFFFFFD0 ss:$0x1], $0xffff  }
0x29: {  	v4 =	vld.idx.msk [tilespmem:v0+s20+$0xFFFFFFE0 ss:$0x1], $0xffff  }
0x2a: {  	v3 =	vld.idx.msk [tilespmem:v0+s20+$0xFFFFFFF0 ss:$0x1], $0xffff  }
0x2b: {  	v1 =	vld.idx.msk [tilespmem:v0+s20+$0x0 ss:$0x1], $0xffff  }
0x2c: {  	v2 =	vld.idx.msk [tilespmem:v0+s20+$0x10 ss:$0x1], $0xffff;
	[tilespmem:s16+$0x30] =	vst v6  }
0x2d: {  	s19 =	simm.s32 $0x80;
	s21 =	simm.s32 $0x400;
	[tilespmem:s16+$0xFFFFFFC0] =	vst v7;
	v6 =	vld.idx.msk [tilespmem:v0+s20+$0x20 ss:$0x1], $0xffff;
	s20 =	smov.u32 s16  }
.LBB1_5:
0x2e: {  	p1 =	sne.s32 s21, $0xE00;
	v7 =	vld.idx.msk [tilespmem:v0+s19+$0x30 ss:$0x1], $0xffff;
	[tilespmem:s20+$0xFFFFFFD0] =	vst v5  }
0x2f: {  	v8 =	vld.idx.msk [tilespmem:v0+s19+$0xFFFFFFC0 ss:$0x1], $0xffff;
	[tilespmem:s20+$0xFFFFFFE0] =	vst v4  }
0x30: {  	v5 =	vld.idx.msk [tilespmem:v0+s19+$0xFFFFFFD0 ss:$0x1], $0xffff;
	[tilespmem:s20+$0xFFFFFFF0] =	vst v3  }
.Ltmp3:
0x31: {  	v4 =	vld.idx.msk [tilespmem:v0+s19+$0xFFFFFFE0 ss:$0x1], $0xffff;
	[tilespmem:s20+$0x0] =	vst v1;
	(pc) =	sbr.rel @p1 .LBB1_5-.Ltmp3, $4  }
0x32: {  	v3 =	vld.idx.msk [tilespmem:v0+s19+$0xFFFFFFF0 ss:$0x1], $0xffff;
	[tilespmem:s20+$0x10] =	vst v2  }
0x33: {  	v1 =	vld.idx.msk [tilespmem:v0+s19+$0x0 ss:$0x1], $0xffff;
	[tilespmem:s20+$0x20] =	vst v6;
	s20 =	sadd.s32 $0x400, s20  }
0x34: {  	v2 =	vld.idx.msk [tilespmem:v0+s19+$0x10 ss:$0x1], $0xffff;
	[tilespmem:s20+$0x30] =	vst v7  }
0x35: {  	[tilespmem:s20+$0xFFFFFFC0] =	vst v8;
	v6 =	vld.idx.msk [tilespmem:v0+s19+$0x20 ss:$0x1], $0xffff;
	s19 =	sshra.s32 s21, $0x2;
	s21 =	sadd.s32 $0x200, s21  }
0x36: {  	_ =	sdelay $0x2  }
0x37: {  	[tilespmem:s20+$0xFFFFFFD0] =	vst v5  }
0x38: {  	v56 =	vld.idx.msk [tilespmem:v0+s19+$0x30 ss:$0x1], $0xffff;
	[tilespmem:s20+$0xFFFFFFE0] =	vst v4  }
0x39: {  	v57 =	vld.idx.msk [tilespmem:v0+s19+$0xFFFFFFC0 ss:$0x1], $0xffff;
	[tilespmem:s20+$0xFFFFFFF0] =	vst v3  }
0x3a: {  	v58 =	vld.idx.msk [tilespmem:v0+s19+$0xFFFFFFD0 ss:$0x1], $0xffff;
	[tilespmem:s20+$0x0] =	vst v1  }
0x3b: {  	v59 =	vld.idx.msk [tilespmem:v0+s19+$0xFFFFFFE0 ss:$0x1], $0xffff;
	[tilespmem:s20+$0x10] =	vst v2  }
0x3c: {  	v60 =	vld.idx.msk [tilespmem:v0+s19+$0xFFFFFFF0 ss:$0x1], $0xffff;
	s31 =	sadd.s32 $0x400, s20;
	[tilespmem:s20+$0x20] =	vst v6  }
0x3d: {  	v61 =	vld.idx.msk [tilespmem:v0+s19+$0x0 ss:$0x1], $0xffff;
	[tilespmem:s31+$0x30] =	vst v56  }
0x3e: {  	v62 =	vld.idx.msk [tilespmem:v0+s19+$0x10 ss:$0x1], $0xffff;
	s18 =	sadd.s32 $0x1, s18;
	[tilespmem:s31+$0xFFFFFFC0] =	vst v57  }
0x3f: {  	v63 =	vld.idx.msk [tilespmem:v0+s19+$0x20 ss:$0x1], $0xffff;
	p1 =	sne.s32 s18, $0x8;
	[tilespmem:s31+$0xFFFFFFD0] =	vst v58  }
.Ltmp4:
0x40: {  	[tilespmem:s31+$0xFFFFFFE0] =	vst v59;
	(pc) =	sbr.rel @p1 .LBB1_4-.Ltmp4, $4  }
0x41: {  	[tilespmem:s31+$0xFFFFFFF0] =	vst v60  }
0x42: {  	[tilespmem:s31+$0x0] =	vst v61  }
0x43: {  	[tilespmem:s31+$0x10] =	vst v62  }
0x44: {  	s16 =	sadd.s32 $0x80, s16;
	s17 =	sadd.s32 $0x400, s17;
	[tilespmem:s31+$0x20] =	vst v63  }
.Ltmp5:
0x45: {  	(pc) =	sbr.rel @p0 .LBB1_3-.Ltmp5, $2  }
0x46: {  	_ =	sdelay $0x2  }
0x47: {  	s16 =	simm.s32 $0x2000;
	p1 =	por $0x0, $0x0  }
.Ltmp6:
0x48: {  	(pc) =	sbr.rel .LBB1_9-.Ltmp6, $4  }
0x49: {  	_ = 	snop  }
0x4a: {  	s12 =	sshll.u32 s12, $0xA  }
0x4b: {  	s12 =	sadd.s32 s4, s12  }
0x4c: {  	[hbm4b:s12+s8] =	stream.linear.scatter [tilespmem:s13], [sflag:$0x2], $0x4000, $0x38;
	[tilespmem:$0x10000] =	vst v63  }
.LBB1_10:
0x4d: {  	_ =	sfence.sel $0x180000  }
0x4e: {  	s2 =	simm.s32 $0x1;
	[bflag:$0x0] =	sbarrier.arrive $0xFFFF  }
0x4f: {  	s31 =	simm.s32 $0x2;
	[sflag:s2] =	ssyncpa.u1 $0x1  }
0x50: {  	[sflag:s31] =	ssyncpa.u1 $0x1  }
0x51: {  	p0 =	sne.s32 s0, $0x0;
	_ =	strace $0x90000047  }
0x52: {  	s0 =	sadd.s32 @!p0 $0x100000, s1;
	[bflag:$0x2] =	sbarrier.arrive $0xFFFF  }
0x53: {  	[sflag:s0] =	ssyncadd.tile.s32 @!p0 $0x1;
	_ =	shalt  }
.Lfunc_end1:
_tile_overlayer_lowered:
.L_overlay_start_2:
0x54: {  	(tag) =	ssettag $0x2  }
0x55: {  	s0 =	rddreg [dreg:$0x0];
	s2 =	stileid.u32  }
0x56: {  	s1 =	rddreg [dreg:$0x1];
	p0 =	sne.s32 s2, $0x0  }
0x57: {  	s3 =	rddreg [dreg:$0x2];
	[bflag:$0x3] =	sbarrier.arrive $0xFFFF;
	s2 =	simm.s32 @!p0 $0x1C01  }
0x58: {  	[timem:s3], [sflag:s2] =	dma.local @!p0 [hbm:s0], s1  }
0x59: {  	s0 =	simm.s32 @!p0 $0x1  }
0x5a: {  	_ =	swait.ge @!p0 [sflag:s0], s1  }
0x5b: {  	s1 =	ssub.s32 @!p0 $0x0, s1;
	[sflag:s0] =	ssyncset.done @!p0 $0x0  }
0x5c: {  	[sflag:s0] =	ssyncadd.s32 @!p0 s1  }
0x5d: {  	[bflag:$0x3] =	sbarrier.arrive $0xFFFF  }
0x5e: {  	_ =	shalt  }

// kernel: sparse-core-data-format-call.cloned.1.call-start
scs
called_computation_lowered:
.L_overlay_start_0:
0x0: {  	s2 =	sld [smem:$0x3FD9]  }
0x1: {  	s3 =	sld [smem:$0x3FFE];
	_ =	sdelay $0x1  }
0x2: {  	s1 =	srdreg.scid  }
0x3: {  	s0 =	sand.u32 $0x1, s1  }
0x4: {  	s18 =	sshll.u32 s0, $0xA;
	s2 =	sadd.s32 s3, s2  }
0x5: {  	s2 =	sadd.s32 s2, s18  }
0x6: {  	[smem:$0x3FC7] =	sst s2  }
0x7: {  	_ = 	snop  }
0x8: {  	s2 =	sld [smem:$0x3FD0];
	(tm) =	ssettm $0x1  }
0x9: {  	s19 =	sld [smem:$0x3FFB];
	_ =	sdelay $0x3  }
0xa: {  	_ =	strace s19  }
0xb: {  	s3 =	sld [smem:$0x3FFC];
	_ =	sdelay $0x3  }
0xc: {  	_ =	strace s3  }
0xd: {  	s3 =	sld [smem:$0x3FFD];
	_ =	sdelay $0x3  }
0xe: {  	_ =	strace s3  }
0xf: {  	_ =	strace $0x8FFFFFFF  }
0x10: {  	s20 =	sld [smem:$0x3FDB];
	_ =	sdelay $0x1  }
0x11: {  	s4 =	simm.s32 $_scs_section_size  }
0x12: {  	s5 =	simm.s32 $_size__tile_overlayer_lowered;
	s6 =	simm.s32 $_tile_overlayer_lowered  }
0x13: {  	s23 =	simm.s32 $0x1BFF;
	s22 =	sshll.u32 s6, $0x1;
	s3 =	sadd.s32 s4, s20  }
0x14: {  	s7 =	simm.s32 $0x0;
	s21 =	sshll.u32 s5, $0x1;
	s5 =	sadd.s32 s22, s3  }
0x15: {  	[timem:s7], [sflag:s23] =	dma.local [hbm:s5], s21  }
0x16: {  	_ =	swait.ge [sflag:s23], s21  }
0x17: {  	s4 =	ssub.s32 $0x0, s21;
	[sflag:s23] =	ssyncset.done $0x0  }
0x18: {  	[sflag:s23] =	ssyncadd.s32 s4;
	_ =	sdelay $0x1  }
0x19: {  	s24 =	simm.s32 $0x1B8B  }
0x1a: {  	_ =	swait.ge [sflag:s24], $0x1  }
0x1b: {  	[sflag:s24] =	ssyncset.done $0x0  }
0x1c: {  	s26 =	simm.s32 $0x1B8E;
	s25 =	sld [smem:$0x3FFE];
	[sflag:s24] =	ssyncadd.s32 $0xFFFFFFFF  }
0x1d: {  	s27 =	simm.s32 $execute0_lowered;
	[smem:$0x3FD2] =	sst s26  }
0x1e: {  	s5 =	sshll.u32 s27, $0x1;
	_ =	strace $0x8000004C;
	[dreg:$0x1] =	wrdreg $0xFFFFFFFF  }
0x1f: {  	s28 =	simm.s32 $_size_execute0_lowered;
	s3 =	sadd.s32 s3, s5;
	[dreg:$0x0] =	wrdreg $0x0  }
0x20: {  	s5 =	sshll.u32 s28, $0x1;
	[dreg:$0x2] =	wrdreg s3  }
0x21: {  	[dreg:$0x3] =	wrdreg s5  }
0x22: {  	[dreg:$0x4] =	wrdreg $0xC0  }
0x23: {  	_ =	task [dreg:s7], $0x5FFFF  }
0x24: {  	[dreg:$0x1] =	wrdreg $0xFFFFFFFF  }
0x25: {  	[dreg:$0x0] =	wrdreg $0x60  }
0x26: {  	[dreg:$0x2] =	wrdreg s25  }
0x27: {  	[dreg:$0x3] =	wrdreg s2  }
0x28: {  	[dreg:$0x4] =	wrdreg $0x9  }
0x29: {  	_ =	task.clear_ibuf [dreg:s7], $0x5FFFF;
	_ =	strace $0x9000004C  }
0x2a: {  	s29 =	simm.s32 $0x9;
	_ =	strace $0x8000004E  }
0x2b: {  	_ =	swait.ge [sflag:s29], $0x1  }
0x2c: {  	[sflag:s29] =	ssyncadd.s32 $0xFFFFFFFF  }
0x2d: {  	_ =	strace $0x9000004E  }
0x2e: {  	_ =	sfence  }
0x2f: {  	s30 =	sld [smem:$0x0];
	_ =	sdelay $0x2  }
0x30: {  	s31 =	sshll.u32 s1, $0xD;
	s1 =	sshrl.u32 s1, $0x2  }
0x31: {  	s3 =	sand.u32 $0x4000, s31;
	s1 =	sadd.s32 s1, s30  }
0x32: {  	s0 =	sor.u32 s3, s0;
	s1 =	sshll.u32 s1, $0x11  }
0x33: {  	s0 =	sor.u32 s1, s0  }
0x34: {  	s0 =	sadd.s32 $0x8F2B, s0  }
0x35: {  	[sflag:s0] =	ssyncadd.remote.s32 $0x1  }
0x36: {  	_ =	sfence.sel $0xFFFF  }
0x37: {  	[dreg:$0x0] =	wrdreg $0xFFFFFFFF;
	(pc) =	sbr.abs _section_cstart, $3  }
0x38: {  	[dreg:$0x1] =	wrdreg $0xFFFFFFFF  }
0x39: {  	_ =	task.clear_ibuf [dreg:s7], $0x2FFFF;
	_ =	strace $0x9FFFFFFF  }
0x3a: {  	(tm) =	ssettm $0x7FFFFFFF  }
0x3b: {  	_ =	shalt  }
tec
execute0_lowered:
.L_overlay_start_1:
0x0: {  	(tag) =	ssettag $0x1  }
0x1: {  	s2 =	stileid.u32  }
0x2: {  	s0 =	srdreg.scid;
	s7 =	rddreg [dreg:$0x0];
	_ =	strace $0x8000004D  }
0x3: {  	s1 =	sshll.u32 s2, $0x3;
	s2 =	sshll.u32 s2, $0x2;
	s0 =	sshll.u32 s0, $0x6  }
0x4: {  	s5 =	simm.s32 $0x1;
	s1 =	sand.u32 $0x8, s1;
	s0 =	sor.u32 s2, s0  }
0x5: {  	s31 =	simm.s32 $0x2;
	s2 =	sand.u32 $0x78, s0;
	s29 =	ssub.s32 $0x10, s1  }
0x6: {  	s18 =	simm.s32 $0x0;
	s3 =	sshrl.u32 s29, $0x3;
	s4 =	ssub.s32 $0x480, s2  }
0x7: {  	s0 =	sshrl.u32 s29, $0x4;
	s3 =	sand.u32 $0x1, s3;
	s4 =	sshrl.u32 s4, $0x7  }
0x8: {  	s9 =	simm.s32 $0x5000;
	s0 =	sadd.s32 s0, s3;
	s30 =	sadd.s32 $0x1, s4  }
0x9: {  	s10 =	simm.s32 $0x0;
	s20 =	simm.s32 $0x0;
	s0 =	smul.u32 s30, s0  }
.Ltmp0:
0xa: {  	s19 =	simm.s32 $0x0;
	s11 =	simm.s32 $0x0;
	(pc) =	sbr.rel .LBB1_1-.Ltmp0, $4  }
0xb: {  	s12 =	simm.s32 $0x0;
	s13 =	simm.s32 $0x0;
	s14 =	simm.s32 $0x0  }
0xc: {  	s17 =	simm.s32 $0x0;
	[sflag:s5] =	ssyncpa.u1 $0x0;
	s6 =	smul.u32 $0x5, s0  }
0xd: {  	s26 =	simm.s32 $0x0;
	s7 =	sadd.s32 $0xE00, s7;
	[sflag:s31] =	ssyncpa.u1 $0x0  }
0xe: {  	s16 =	smov.u32 s1;
	s15 =	smov.u32 s2;
	s8 =	sadd.s32 $0x1, s6  }
.LBB1_7:
0xf: {  	p0 =	slt.u32 s17, $0x2  }
0x10: {  	s0 =	smov.u32 s20;
	p1 =	sgt.s32 @!p0 s20, $0x47C  }
0x11: {  	s4 =	smov.u32 s19;
	s3 =	sshra.s32 @!p0 s20, $0x1F;
	p1 =	por !p1, p0  }
0x12: {  	s3 =	sand.u32 @!p0 s3, s20;
	s0 =	simm.s32 @p1 $0x47C;
	p1 =	sgt.s32 @!p0 s19, $0x8  }
0x13: {  	s20 =	sshra.s32 @!p0 s19, $0x1F;
	p1 =	por !p1, p0;
	s0 =	ssub.s32 @!p0 s0, s3  }
0x14: {  	s3 =	sand.u32 @!p0 s20, s19;
	s4 =	simm.s32 @p1 $0x8;
	s19 =	sadd.s32 @!p0 $0xFFFFFB84, s0  }
0x15: {  	p1 =	sgt.s32 @!p0 s18, $0x400;
	s3 =	ssub.s32 @!p0 s4, s3;
	p2 =	sgt.s32 @!p0 s19, $0x7  }
0x16: {  	p1 =	por !p1, p0;
	s19 =	smov.u32 s18;
	s4 =	sadd.s32 @!p0 $0xFFFFFFF8, s3  }
0x17: {  	s19 =	simm.s32 @p1 $0x400;
	p1 =	sgt.s32 @!p0 s4, $0x7;
	s4 =	sshra.s32 @!p0 s18, $0x1F  }
0x18: {  	s0 =	ssub.s32 @!p0 $0x484, s0;
	p2 =	por !p2, p0;
	s4 =	sand.u32 @!p0 s4, s18  }
0x19: {  	s3 =	ssub.s32 @!p0 $0x10, s3;
	p1 =	por !p1, p0;
	s4 =	ssub.s32 @!p0 s19, s4  }
0x1a: {  	s0 =	simm.s32 @!p2 $0x0;
	s3 =	simm.s32 @!p1 $0x0;
	s18 =	sadd.s32 @!p0 $0xFFFFFC00, s4  }
0x1b: {  	s21 =	smov.u32 s15;
	s0 =	smul.u32 @!p0 s3, s0;
	p1 =	sgt.s32 @!p0 s18, $0xFF  }
0x1c: {  	s3 =	ssub.s32 @!p0 $0x500, s4;
	s4 =	sadd.s32 $0x100, s14;
	p1 =	por !p1, p0  }
0x1d: {  	s18 =	sadd.s32 $0x80, s15;
	s3 =	simm.s32 @!p1 $0x0;
	p1 =	sgt.s32 s4, $0x483  }
0x1e: {  	s22 =	smov.u32 s16;
	s21 =	smov.u32 @p1 s18  }
0x1f: {  	s0 =	smul.u32 @!p0 s3, s0;
	s3 =	sadd.s32 $0x10, s16;
	p2 =	sgt.s32 s21, $0x483  }
0x20: {  	s10 =	sadd.s32 $0x4000, s10;
	s20 =	smov.u32 s12;
	s22 =	smov.u32 @p2 s3  }
0x21: {  	s12 =	smov.u32 s15;
	s4 =	simm.s32 @p1 $0x0;
	p1 =	sgt.s32 s22, $0xF  }
0x22: {  	s19 =	smov.u32 s13;
	s22 =	smov.u32 @p1 s1;
	p1 =	sne.s32 s17, s8  }
.Ltmp1:
0x23: {  	s13 =	smov.u32 s16;
	s18 =	smov.u32 s11;
	(pc) =	sbr.rel @!p1 .LBB1_8-.Ltmp1, $4  }
0x24: {  	s11 =	smov.u32 s14;
	s0 =	sand.u32 @!p0 $0x3FFFFFFF, s0;
	s3 =	simm.s32 @!p0 $0x2  }
0x25: {  	s14 =	smov.u32 s4;
	s21 =	smov.u32 @p2 s2;
	_ =	swait.ge @!p0 [sflag:s3], s0  }
0x26: {  	s0 =	ssub.s32 @!p0 $0x0, s0;
	s15 =	smov.u32 s21;
	[sflag:s3] =	ssyncset.done @!p0 $0x0  }
0x27: {  	s17 =	sadd.s32 $0x1, s17;
	[sflag:s3] =	ssyncadd.s32 @!p0 s0;
	s16 =	smov.u32 s22  }
.LBB1_1:
0x28: {  	p0 =	sge.u32 s17, s6  }
0x29: {  	s0 =	sshrl.u32 @!p0 s15, $0x3  }
0x2a: {  	s3 =	sshll.u32 @!p0 s14, $0x3;
	s0 =	smul.u32 @!p0 $0x2800, s0  }
0x2b: {  	s4 =	sshll.u32 @!p0 s15, $0x7;
	s3 =	sand.u32 @!p0 $0xFFFFFC00, s3  }
0x2c: {  	s0 =	sadd.s32 @!p0 s0, s3;
	s3 =	sand.u32 @!p0 $0x380, s4  }
0x2d: {  	s0 =	sor.u32 @!p0 s3, s0  }
0x2e: {  	s3 =	smulhi.u32 @!p0 $0xCCCCCCCD, s0;
	_ =	sdelay $0x1  }
0x2f: {  	s4 =	sand.u32 @!p0 $0x7F, s14;
	s3 =	sshrl.u32 @!p0 s3, $0xA  }
0x30: {  	s0 =	sor.u32 @!p0 s4, s0;
	s4 =	smulhi.u32 @!p0 $0x70FE3D, s3  }
0x31: {  	s21 =	smulhi.u32 @!p0 $0xCCCCCCCD, s0  }
0x32: {  	s4 =	sshrl.u32 @!p0 s4, $0x1  }
0x33: {  	s21 =	sshrl.u32 @!p0 s21, $0xA;
	s4 =	smul.u32 @!p0 $0x488, s4  }
0x34: {  	s31 =	sadd.s32 $0xFFFFFFFF, s17;
	s21 =	smul.u32 @!p0 $0x500, s21  }
0x35: {  	s22 =	sxor.u32 @!p0 $0xFFFFFFFF, s17;
	s3 =	ssub.s32 @!p0 s3, s4;
	s4 =	smul.u32 @!p0 $0x2D500, s16  }
0x36: {  	s22 =	sshll.u32 @!p0 s22, $0xE;
	s0 =	ssub.s32 @!p0 s0, s21;
	s3 =	smul.u32 @!p0 $0xA0, s3  }
0x37: {  	s21 =	sand.u32 @!p0 $0x4000, s22;
	s22 =	sand.u32 @!p0 $0x7, s0;
	s4 =	sadd.s32 @!p0 s7, s4  }
0x38: {  	s0 =	sshrl.u32 @!p0 s0, $0x3;
	s3 =	sadd.s32 @!p0 s3, s4;
	s4 =	sshll.u32 @!p0 s22, $0x12  }
0x39: {  	s0 =	sadd.s32 @!p0 s0, s3;
	s3 =	sor.u32 @!p0 $0x800, s4;
	s4 =	simm.s32 @!p0 $0x16A800  }
0x3a: {  	[tilespmem:s21], [sflag:$0x1] =	stream.strided.gather @!p0 [hbm4b:s0+s3], $0x4000, s4, s3, $0x38;
	[tilespmem:$0x10000] =	vst v63  }
0x3b: {  	p0 =	sge.u32 s31, s6  }
.Ltmp2:
0x3c: {  	_ = 	snop;
	(pc) =	sbr.rel @p0 .LBB1_7-.Ltmp2, $1  }
0x3d: {  	_ =	sdelay $0x3  }
0x3e: {  	s0 =	sshll.u32 s10, $0x2;
	_ =	swait.ge [sflag:s5], $0x4000;
	s3 =	sshll.u32 s17, $0xE  }
0x3f: {  	p0 =	por $0x0, $0x0;
	s27 =	simm.s32 $0x0;
	s28 =	simm.s32 $0x0  }
0x40: {  	s0 =	sand.u32 $0x10000, s0;
	[sflag:s5] =	ssyncset.done $0x0;
	s24 =	sand.u32 $0x4000, s3  }
0x41: {  	s0 =	sshrl.u32 s0, $0x2;
	[sflag:s5] =	ssyncadd.s32 $0xFFFFC000;
	s21 =	sor.u32 $0x8000, s24  }
0x42: {  	s22 =	sor.u32 $0x40, s0;
	s23 =	sor.u32 $0x8410, s0;
	s25 =	sadd.s32 $0x8400, s0  }
.LBB1_3:
0x43: {  	v1 =	vld [tilespmem:s22+$0xFFFFFFD0]  }
0x44: {  	v2 =	vld [tilespmem:s22+$0x430]  }
0x45: {  	s0 =	sshll.u32 s28, $0xB;
	v4 =	vld [tilespmem:s22+$0xFFFFFFE0]  }
0x46: {  	v7 =	vld [tilespmem:s22+$0xFFFFFFF0];
	v0 =	vmov s0  }
0x47: {  	v8 =	vld [tilespmem:s22+$0x0]  }
0x48: {  	s4 =	sand.u32 $0x300, s26;
	v9 =	vld [tilespmem:s22+$0x10]  }
0x49: {  	s3 =	sand.u32 $0x80, s26;
	v10 =	vld [tilespmem:s22+$0x20];
	s0 =	sadd.s32 s4, s24  }
0x4a: {  	v11 =	vld [tilespmem:s22+$0x30];
	s0 =	sadd.s32 s3, s0;
	s3 =	simm.s32 $0x1;
	[tilespmem:s23+$0x60] =	vst v2  }
0x4b: {  	s4 =	sshll.u32 s27, $0x2;
	s3 =	simm.s32 @!p0 $0x0;
	[tilespmem:s23+$0xFFFFFC00] =	vst v1;
	v3 =	vld.idx.msk [tilespmem:v0+s0+$0x400 ss:$0x1], $0xffff  }
0x4c: {  	v6 =	vld [tilespmem:s22+$0x3D0];
	s3 =	sshll.u32 s3, $0x9;
	[tilespmem:s23+$0xFFFFFC10] =	vst v4;
	s0 =	sand.u32 $0xFFFFFC00, s4  }
0x4d: {  	v5 =	vld [tilespmem:s22+$0x3E0];
	[tilespmem:s23+$0xFFFFFC20] =	vst v7;
	s0 =	sor.u32 s3, s0  }
0x4e: {  	[tilespmem:s23+$0xFFFFFC30] =	vst v8;
	v4 =	vld [tilespmem:s22+$0x400];
	s0 =	sshrl.u32 s0, $0x2  }
0x4f: {  	[tilespmem:s23+$0xFFFFFC40] =	vst v9;
	v1 =	vld [tilespmem:s22+$0x410];
	s29 =	sadd.s32 s0, s25  }
0x50: {  	[tilespmem:s29+$0x0] =	vst v3;
	v3 =	vld [tilespmem:s22+$0x3F0]  }
0x51: {  	s30 =	sadd.s32 $0x80, s22;
	[tilespmem:s23+$0xFFFFFC50] =	vst v10;
	v2 =	vld [tilespmem:s22+$0x420];
	s0 =	simm.s32 $0x80  }
0x52: {  	s31 =	smov.u32 s23;
	v7 =	vld [tilespmem:s22+$0xFFFFFFC0];
	[tilespmem:s23+$0xFFFFFC60] =	vst v11;
	s3 =	simm.s32 $0x100;
	s4 =	sand.u32 $0x300, s0  }
.LBB1_4:
0x53: {  	p1 =	sne.s32 s3, $0x380;
	v8 =	vld [tilespmem:s30+$0xFFFFFFD0];
	s0 =	sand.u32 $0x80, s0;
	s4 =	sadd.s32 s4, s24;
	[tilespmem:s31+$0x0] =	vst v6  }
0x54: {  	s4 =	sadd.s32 s0, s4;
	v6 =	vld [tilespmem:s30+$0x430];
	[tilespmem:s31+$0x10] =	vst v5;
	s0 =	smov.u32 s3  }
0x55: {  	v5 =	vld.idx.msk [tilespmem:v0+s4+$0x400 ss:$0x1], $0xffff;
	[tilespmem:s31+$0x20] =	vst v3  }
0x56: {  	v3 =	vld [tilespmem:s30+$0xFFFFFFE0];
	[tilespmem:s31+$0x30] =	vst v4  }
0x57: {  	v4 =	vld [tilespmem:s30+$0xFFFFFFF0];
	[tilespmem:s31+$0xFFFFFBF0] =	vst v7  }
0x58: {  	v7 =	vld [tilespmem:s30+$0x0];
	[tilespmem:s31+$0x40] =	vst v1  }
0x59: {  	v1 =	vld [tilespmem:s30+$0x10];
	[tilespmem:s31+$0x50] =	vst v2;
	s31 =	sadd.s32 $0x800, s31  }
0x5a: {  	s29 =	sadd.s32 $0x800, s29;
	v2 =	vld [tilespmem:s30+$0x20];
	[tilespmem:s31+$0x60] =	vst v6  }
0x5b: {  	v9 =	vld [tilespmem:s30+$0x30];
	[tilespmem:s29+$0x0] =	vst v5  }
0x5c: {  	[tilespmem:s31+$0xFFFFFC00] =	vst v8;
	v6 =	vld [tilespmem:s30+$0x3D0]  }
0x5d: {  	[tilespmem:s31+$0xFFFFFC10] =	vst v3;
	v5 =	vld [tilespmem:s30+$0x3E0]  }
.Ltmp3:
0x5e: {  	[tilespmem:s31+$0xFFFFFC20] =	vst v4;
	v3 =	vld [tilespmem:s30+$0x3F0];
	(pc) =	sbr.rel @p1 .LBB1_4-.Ltmp3, $4  }
0x5f: {  	[tilespmem:s31+$0xFFFFFC30] =	vst v7;
	v4 =	vld [tilespmem:s30+$0x400]  }
0x60: {  	[tilespmem:s31+$0xFFFFFC40] =	vst v1;
	v1 =	vld [tilespmem:s30+$0x410]  }
0x61: {  	[tilespmem:s31+$0xFFFFFC50] =	vst v2;
	v2 =	vld [tilespmem:s30+$0x420]  }
0x62: {  	s3 =	sadd.s32 $0x80, s3;
	s4 =	sand.u32 $0x300, s0;
	v7 =	vld [tilespmem:s30+$0xFFFFFFC0];
	[tilespmem:s31+$0xFFFFFC60] =	vst v9;
	s30 =	sadd.s32 $0x80, s30  }
0x63: {  	[tilespmem:s31+$0x0] =	vst v6  }
0x64: {  	[tilespmem:s31+$0x10] =	vst v5  }
0x65: {  	v49 =	vld [tilespmem:s30+$0x430];
	[tilespmem:s31+$0x20] =	vst v3  }
0x66: {  	v50 =	vld [tilespmem:s30+$0xFFFFFFD0];
	[tilespmem:s31+$0x30] =	vst v4  }
0x67: {  	v51 =	vld [tilespmem:s30+$0xFFFFFFE0];
	[tilespmem:s31+$0x40] =	vst v1  }
0x68: {  	v52 =	vld [tilespmem:s30+$0xFFFFFFF0];
	[tilespmem:s31+$0x50] =	vst v2  }
0x69: {  	s3 =	sadd.s32 s4, s24;
	s4 =	sadd.s32 $0x800, s31;
	v53 =	vld [tilespmem:s30+$0x0];
	[tilespmem:s31+$0xFFFFFBF0] =	vst v7  }
0x6a: {  	v54 =	vld [tilespmem:s30+$0x10];
	[tilespmem:s4+$0x60] =	vst v49  }
0x6b: {  	v55 =	vld [tilespmem:s30+$0x20];
	[tilespmem:s4+$0xFFFFFC00] =	vst v50  }
0x6c: {  	v56 =	vld [tilespmem:s30+$0x30];
	[tilespmem:s4+$0xFFFFFC10] =	vst v51  }
0x6d: {  	v57 =	vld [tilespmem:s30+$0x3D0];
	[tilespmem:s4+$0xFFFFFC20] =	vst v52  }
0x6e: {  	v58 =	vld [tilespmem:s30+$0x3E0];
	[tilespmem:s4+$0xFFFFFC30] =	vst v53  }
0x6f: {  	v59 =	vld [tilespmem:s30+$0x3F0];
	[tilespmem:s4+$0xFFFFFC40] =	vst v54  }
0x70: {  	v60 =	vld [tilespmem:s30+$0x400];
	[tilespmem:s4+$0xFFFFFC50] =	vst v55  }
0x71: {  	v61 =	vld [tilespmem:s30+$0xFFFFFFC0];
	[tilespmem:s4+$0xFFFFFC60] =	vst v56  }
0x72: {  	s0 =	sand.u32 $0x80, s0;
	v62 =	vld [tilespmem:s30+$0x410];
	[tilespmem:s4+$0x0] =	vst v57  }
0x73: {  	v63 =	vld [tilespmem:s30+$0x420];
	s28 =	sadd.s32 $0x1, s28;
	s0 =	sadd.s32 s0, s3;
	[tilespmem:s4+$0x10] =	vst v58  }
0x74: {  	p1 =	sne.s32 s28, $0x8;
	v0 =	vld.idx.msk [tilespmem:v0+s0+$0x400 ss:$0x1], $0xffff;
	[tilespmem:s4+$0x20] =	vst v59  }
.Ltmp4:
0x75: {  	[tilespmem:s4+$0x30] =	vst v60;
	(pc) =	sbr.rel @p1 .LBB1_3-.Ltmp4, $4  }
0x76: {  	[tilespmem:s4+$0xFFFFFBF0] =	vst v61  }
0x77: {  	[tilespmem:s4+$0x40] =	vst v62  }
0x78: {  	s22 =	sadd.s32 $0x800, s22;
	s31 =	sadd.s32 $0x800, s29;
	[tilespmem:s4+$0x50] =	vst v63  }
0x79: {  	s27 =	sadd.s32 $0x80, s27;
	p0 =	por !p0, !p0;
	s23 =	sadd.s32 $0x80, s23;
	[tilespmem:s31+$0x0] =	vst v0  }
0x7a: {  	s0 =	sshrl.u32 s13, $0x3  }
0x7b: {  	s3 =	sshll.u32 s11, $0x3;
	s4 =	sshll.u32 s13, $0x7;
	s22 =	sand.u32 $0x7F, s11  }
0x7c: {  	p0 =	sgt.s32 s12, $0x47C;
	s29 =	sshra.s32 s12, $0x1F;
	s23 =	sshra.s32 s13, $0x1F  }
0x7d: {  	p1 =	sgt.s32 s11, $0x400;
	s25 =	sshra.s32 s11, $0x1F;
	s0 =	smul.u32 $0x2800, s0  }
0x7e: {  	s3 =	sand.u32 $0xFFFFFC00, s3;
	s28 =	sand.u32 $0x380, s4;
	s4 =	sand.u32 s29, s12  }
0x7f: {  	s23 =	sand.u32 s23, s13;
	s25 =	sand.u32 s25, s11;
	s0 =	sadd.s32 s0, s3  }
0x80: {  	s29 =	rddreg [dreg:$0x1];
	s3 =	smov.u32 s12;
	s0 =	sor.u32 s28, s0  }
0x81: {  	s3 =	simm.s32 @!p0 $0x47C;
	p0 =	sgt.s32 s13, $0x8;
	s28 =	smul.u32 $0xA00, s12  }
0x82: {  	s22 =	sor.u32 s22, s0;
	s3 =	ssub.s32 s3, s4;
	s4 =	smov.u32 s13  }
0x83: {  	s0 =	smulhi.u32 $0xCCCCCCCD, s0;
	s24 =	sadd.s32 $0xFFFFFB84, s3;
	s4 =	simm.s32 @!p0 $0x8  }
0x84: {  	s31 =	smulhi.u32 $0xCCCCCCCD, s22;
	s3 =	ssub.s32 $0x484, s3;
	p0 =	sgt.s32 s24, $0x7  }
0x85: {  	s4 =	ssub.s32 s4, s23;
	s23 =	smov.u32 s11;
	s0 =	sshrl.u32 s0, $0xA  }
0x86: {  	s30 =	sadd.s32 $0xFFFFFFF8, s4;
	s23 =	simm.s32 @!p1 $0x400;
	s3 =	simm.s32 @p0 $0x0  }
0x87: {  	s24 =	sshrl.u32 s31, $0xA;
	s4 =	ssub.s32 $0x10, s4;
	s0 =	sand.u32 $0xF, s0  }
0x88: {  	p1 =	sgt.s32 s30, $0x7;
	s23 =	ssub.s32 s23, s25;
	s24 =	smul.u32 $0x500, s24  }
0x89: {  	s0 =	smul.u32 $0xA0, s0;
	s4 =	simm.s32 @p1 $0x0;
	s27 =	sadd.s32 $0xFFFFFC00, s23  }
0x8a: {  	s3 =	smul.u32 s4, s3;
	p0 =	sgt.s32 s27, $0xFF;
	s4 =	ssub.s32 $0x500, s23  }
.Ltmp5:
0x8b: {  	s22 =	ssub.s32 s22, s24;
	s4 =	simm.s32 @p0 $0x0;
	(pc) =	sbr.rel .LBB1_7-.Ltmp5, $4  }
0x8c: {  	s30 =	sand.u32 $0x7, s22;
	s3 =	smul.u32 s4, s3;
	s4 =	sadd.s32 s29, s28  }
0x8d: {  	s22 =	sshrl.u32 s22, $0x3;
	s31 =	sshll.u32 s30, $0x12;
	s0 =	sadd.s32 s0, s4  }
0x8e: {  	s4 =	sor.u32 $0x800, s31;
	s3 =	sand.u32 $0x3FFFFFFF, s3;
	s0 =	sadd.s32 s22, s0  }
0x8f: {  	[hbm4b:s0+s4] =	stream.strided.scatter [tilespmem:s21], [sflag:$0x2], s3, s9, s4, $0x38;
	[tilespmem:$0x10000] =	vst v63  }
.LBB1_8:
0x90: {  	_ =	sfence.sel $0x180000  }
0x91: {  	s0 =	simm.s32 $0x1;
	[bflag:$0x0] =	sbarrier.arrive $0xFFFF  }
0x92: {  	s30 =	simm.s32 $0x2;
	[sflag:s0] =	ssyncpa.u1 $0x1  }
0x93: {  	[sflag:s30] =	ssyncpa.u1 $0x1  }
0x94: {  	_ =	strace $0x9000004D  }
0x95: {  	s31 =	stileid.u32;
	[bflag:$0x2] =	sbarrier.arrive $0xFFFF  }
0x96: {  	p0 =	sne.s32 s31, $0x0;
	s0 =	rddreg [dreg:$0x2]  }
0x97: {  	s0 =	sadd.s32 @!p0 $0x100000, s0  }
0x98: {  	[sflag:s0] =	ssyncadd.tile.s32 @!p0 $0x1;
	_ =	shalt  }
.Lfunc_end1:
_tile_overlayer_lowered:
.L_overlay_start_2:
0x99: {  	(tag) =	ssettag $0x2  }
0x9a: {  	s0 =	rddreg [dreg:$0x0];
	s2 =	stileid.u32  }
0x9b: {  	s1 =	rddreg [dreg:$0x1];
	p0 =	sne.s32 s2, $0x0  }
0x9c: {  	s3 =	rddreg [dreg:$0x2];
	[bflag:$0x3] =	sbarrier.arrive $0xFFFF;
	s2 =	simm.s32 @!p0 $0x1C01  }
0x9d: {  	[timem:s3], [sflag:s2] =	dma.local @!p0 [hbm:s0], s1  }
0x9e: {  	s0 =	simm.s32 @!p0 $0x1  }
0x9f: {  	_ =	swait.ge @!p0 [sflag:s0], s1  }
0xa0: {  	s1 =	ssub.s32 @!p0 $0x0, s1;
	[sflag:s0] =	ssyncset.done @!p0 $0x0  }
0xa1: {  	[sflag:s0] =	ssyncadd.s32 @!p0 s1  }
0xa2: {  	[bflag:$0x3] =	sbarrier.arrive $0xFFFF  }
0xa3: {  	_ =	shalt  }

</sc_bundles>
